<compile_context>
chip_gen: v7x
topology: tpu7x:2x2x1
jax: 0.10.2.dev20260603
libtpu: 0.0.44.dev20260713+nightly
codegen_flags: <defaults>
</compile_context>

<pallas_src>
import functools

import jax
import jax.numpy as jnp
import numpy as np
from jax import lax
from jax.experimental import pallas as pl
from jax.experimental.pallas import tpu as pltpu
from jax.experimental.pallas import tpu_sc as plsc

DIM = 128
NQ = 64
NW = 32
RPW = 16
NCLS = 13
NREL = 8
NROLE = NCLS + NREL
BATCH = 512
M = 0.1

_C_NF1A, _C_NF1B = 0, 16
_C_NF2A, _C_NF2B, _C_NF2C = 32, 48, 64
_C_NF3A, _C_NF3B = 80, 96
_C_NF4A, _C_NF4B = 112, 128
_C_DISA, _C_DISB = 144, 160
_C_NEGA, _C_NEGB = 176, 192
_R_NF3, _R_NF4 = 0, 16
_R_RIA, _R_RIB = 32, 48
_R_RCA, _R_RCB, _R_RCC = 64, 80, 96
_R_NEG = 112


def _sc_stage1_body(cat_h, cex_h, crad_h, re_h, out_h,
                    blk_v, idx_v, crad_v, cls_v, rel_v, stage_v, sem):
    w = lax.axis_index("s") * 2 + lax.axis_index("c")
    base = w * RPW
    iota = lax.iota(jnp.int32, 16)
    last = iota == 15

    cb = pltpu.async_copy(cat_h.at[pl.ds(base, RPW)], blk_v, sem)
    cr = pltpu.async_copy(crad_h, crad_v, sem)
    cb.wait(); cr.wait()

    rolemap = [0, 1, 2, 3, 4, 5, 7, 9, 10, 11, 12, 18, 20,
               6, 8, 13, 14, 15, 16, 17, 19]
    for r, j in enumerate(rolemap):
        iv = plsc.load_gather(blk_v, [iota, jnp.full((16,), j, jnp.int32)])
        idx_v[pl.ds(r * RPW, RPW)] = iv

    c1 = pltpu.async_copy(cex_h.at[idx_v.at[pl.ds(0, 104)]],
                          cls_v.at[pl.ds(0, 104)], sem)
    c2 = pltpu.async_copy(cex_h.at[idx_v.at[pl.ds(104, 104)]],
                          cls_v.at[pl.ds(104, 104)], sem)
    c3 = pltpu.async_copy(re_h.at[idx_v.at[pl.ds(NCLS * RPW, NREL * RPW)]],
                          rel_v, sem)
    c1.wait(); c2.wait(); c3.wait()

    zero = jnp.zeros((16,), jnp.float32)

    def put(slot, i, vec):
        s = jnp.full((16,), jnp.sum(vec), jnp.float32)
        idx = jnp.full((16,), slot * RPW, jnp.int32) + i
        plsc.store_scatter(stage_v, [idx], s, mask=last)

    def put_rad(slot, role_off):
        iv = idx_v[pl.ds(role_off, 16)]
        rad = jnp.abs(plsc.load_gather(crad_v, [iv]))
        plsc.store_scatter(stage_v, [iota + slot * RPW], rad)

    def two_class(qb, offa, offb):
        def row(i, _):
            d = zero; n1 = zero; n2 = zero
            for ch in range(8):
                v1 = cls_v[offa + i, pl.ds(ch * 16, 16)]
                v2 = cls_v[offb + i, pl.ds(ch * 16, 16)]
                t = v1 - v2
                d = d + t * t
                n1 = n1 + v1 * v1
                n2 = n2 + v2 * v2
            put(qb + 0, i, d)
            put(qb + 1, i, n1)
            put(qb + 2, i, n2)
            return 0
        lax.fori_loop(0, RPW, row, 0)
        put_rad(qb + 3, offa)
        put_rad(qb + 4, offb)

    two_class(0, _C_NF1A, _C_NF1B)
    two_class(32, _C_DISA, _C_DISB)

    def nf2_row(i, _):
        d21 = zero; d31 = zero; d32 = zero
        n1 = zero; n2 = zero; n3 = zero
        for ch in range(8):
            v1 = cls_v[_C_NF2A + i, pl.ds(ch * 16, 16)]
            v2 = cls_v[_C_NF2B + i, pl.ds(ch * 16, 16)]
            v3 = cls_v[_C_NF2C + i, pl.ds(ch * 16, 16)]
            t21 = v2 - v1; t31 = v3 - v1; t32 = v3 - v2
            d21 = d21 + t21 * t21
            d31 = d31 + t31 * t31
            d32 = d32 + t32 * t32
            n1 = n1 + v1 * v1
            n2 = n2 + v2 * v2
            n3 = n3 + v3 * v3
        put(8, i, d21)
        put(9, i, d31)
        put(10, i, d32)
        put(11, i, n1)
        put(12, i, n2)
        put(13, i, n3)
        return 0
    lax.fori_loop(0, RPW, nf2_row, 0)
    put_rad(14, _C_NF2A)
    put_rad(15, _C_NF2B)

    def rel_between(qb, offc, offd, offr, sign):
        def row(i, _):
            e = zero; n1 = zero; n2 = zero
            for ch in range(8):
                vc = cls_v[offc + i, pl.ds(ch * 16, 16)]
                vr = rel_v[offr + i, pl.ds(ch * 16, 16)]
                vd = cls_v[offd + i, pl.ds(ch * 16, 16)]
                t = (vc + sign * vr) - vd
                e = e + t * t
                n1 = n1 + vc * vc
                n2 = n2 + vd * vd
            put(qb + 0, i, e)
            put(qb + 1, i, n1)
            put(qb + 2, i, n2)
            return 0
        lax.fori_loop(0, RPW, row, 0)
        put_rad(qb + 3, offc)
        put_rad(qb + 4, offd)

    rel_between(16, _C_NF3A, _C_NF3B, _R_NF3, 1.0)
    rel_between(24, _C_NF4A, _C_NF4B, _R_NF4, -1.0)
    rel_between(56, _C_NEGA, _C_NEGB, _R_NEG, 1.0)

    def ri_row(i, _):
        e = zero; dot = zero; m1 = zero; m2 = zero
        for ch in range(8):
            v1 = rel_v[_R_RIA + i, pl.ds(ch * 16, 16)]
            v2 = rel_v[_R_RIB + i, pl.ds(ch * 16, 16)]
            t = v2 - v1
            e = e + t * t
            dot = dot + v1 * v2
            m1 = m1 + v1 * v1
            m2 = m2 + v2 * v2
        put(40, i, e)
        put(41, i, dot)
        put(42, i, m1)
        put(43, i, m2)
        return 0
    lax.fori_loop(0, RPW, ri_row, 0)

    def rch_row(i, _):
        d1 = zero; dot = zero; ncd = zero
        m1 = zero; m2 = zero; m3 = zero
        for ch in range(8):
            v1 = rel_v[_R_RCA + i, pl.ds(ch * 16, 16)]
            v2 = rel_v[_R_RCB + i, pl.ds(ch * 16, 16)]
            v3 = rel_v[_R_RCC + i, pl.ds(ch * 16, 16)]
            t = v1 + v2
            u = v3 - t
            d1 = d1 + u * u
            dot = dot + t * v3
            ncd = ncd + t * t
            m1 = m1 + v1 * v1
            m2 = m2 + v2 * v2
            m3 = m3 + v3 * v3
        put(48, i, d1)
        put(49, i, dot)
        put(50, i, ncd)
        put(51, i, m1)
        put(52, i, m2)
        put(53, i, m3)
        return 0
    lax.fori_loop(0, RPW, rch_row, 0)

    pltpu.sync_copy(stage_v, out_h.at[w])


_sc_stage1 = functools.partial(
    pl.kernel,
    out_type=jax.ShapeDtypeStruct((NW, NQ * RPW), jnp.float32),
    mesh=plsc.VectorSubcoreMesh(core_axis_name="c", subcore_axis_name="s"),
    compiler_params=pltpu.CompilerParams(needs_layout_passes=False),
    scratch_types=[
        pltpu.VMEM((RPW, NROLE), jnp.int32),
        pltpu.VMEM((NROLE * RPW,), jnp.int32),
        pltpu.VMEM((1024,), jnp.float32),
        pltpu.VMEM((NCLS * RPW, DIM), jnp.float32),
        pltpu.VMEM((NREL * RPW, DIM), jnp.float32),
        pltpu.VMEM((NQ * RPW,), jnp.float32),
        pltpu.SemaphoreType.DMA,
    ],
)(_sc_stage1_body)


def _tc_finish_body(s_ref, o_ref):
    def q(f, j):
        s = (f * 8 + j) * RPW
        return s_ref[:, pl.ds(s, RPW)]

    sq = jnp.sqrt
    relu = lambda x: jnp.maximum(x, 0.0)
    reg = lambda n2: jnp.abs(sq(n2) - 1.0)
    clipn = lambda n2: jnp.maximum(sq(n2), 1e-12)

    l = relu(sq(q(0, 0)) + q(0, 3) - q(0, 4) - M) + reg(q(0, 1)) + reg(q(0, 2))
    total = jnp.sum(l)
    rc = q(1, 6); rd = q(1, 7); sr = rc + rd
    l = (relu(sq(q(1, 0)) - sr - M) + relu(sq(q(1, 1)) - rc - M)
         + relu(sq(q(1, 2)) - rd - M)
         + reg(q(1, 3)) + reg(q(1, 4)) + reg(q(1, 5)))
    total = total + jnp.sum(l)
    l = relu(sq(q(2, 0)) + q(2, 3) - q(2, 4) - M) + reg(q(2, 1)) + reg(q(2, 2))
    total = total + jnp.sum(l)
    l = (relu(sq(q(3, 0)) - (q(3, 3) + q(3, 4)) - M)
         + reg(q(3, 1)) + reg(q(3, 2)))
    total = total + jnp.sum(l)
    l = (relu((q(4, 3) + q(4, 4)) - sq(q(4, 0)) + M)
         + reg(q(4, 1)) + reg(q(4, 2)))
    total = total + jnp.sum(l)
    direction = q(5, 1) / (clipn(q(5, 2)) * clipn(q(5, 3)))
    l = (relu(sq(q(5, 0)) - M) + reg(q(5, 2)) + reg(q(5, 3))
         + jnp.abs(1.0 - direction))
    total = total + jnp.sum(l)
    direction = q(6, 1) / (clipn(q(6, 2)) * clipn(q(6, 5)))
    l = (relu(sq(q(6, 0)) - M) + reg(q(6, 3)) + reg(q(6, 4)) + reg(q(6, 5))
         + jnp.abs(1.0 - direction))
    total = total + jnp.sum(l)
    l = (-(sq(q(7, 0)) - q(7, 3) - q(7, 4)) + M) + reg(q(7, 1)) + reg(q(7, 2))
    total = total + jnp.sum(l)

    o_ref[0, 0] = total / float(BATCH)


_tc_finish = pl.pallas_call(
    _tc_finish_body,
    out_shape=jax.ShapeDtypeStruct((1, 1), jnp.float32),
    in_specs=[pl.BlockSpec(memory_space=pltpu.VMEM)],
    out_specs=pl.BlockSpec(memory_space=pltpu.SMEM),
)


def kernel(nf1, nf2, nf3, nf4, disjoint, role_inclusion, role_chain, nf3_neg,
           class_emb, rel_emb):
    ce = class_emb.astype(jnp.float32)
    cex = ce[:, :DIM]
    crad = jnp.pad(ce[:, DIM], (0, 24))
    re = rel_emb.astype(jnp.float32)
    cat = jnp.concatenate(
        [nf1, nf2, nf3, nf4, disjoint, role_inclusion, role_chain, nf3_neg],
        axis=1).astype(jnp.int32)

    stage = _sc_stage1(cat, cex, crad, re)
    return _tc_finish(stage)[0, 0]

# --- scband reference (transcript-rebuilt; emitter-appended) ---
"""Pipeline reference for scband-em-elpp-3204045603019 (READ-ONLY COPY).

The authoritative reference and input builder live on the scoring server;
editing this copy changes nothing except your own understanding.
"""

import jax, jax.numpy as jnp
import numpy as np

CLASS_NUM = 1000
REL_NUM = 1000
DIM = 128
MARGIN = 0.1
REG_NORM = 1.0
B = 512


def setup_inputs(seed: int = 0) -> dict:
    key = jax.random.key(seed)
    ks = jax.random.split(key, 10)
    ce = jax.random.uniform(ks[0], (CLASS_NUM, DIM + 1), minval=-1.0, maxval=1.0, dtype=jnp.float32)
    ce = ce / jnp.linalg.norm(ce, axis=1, keepdims=True)
    re = jax.random.uniform(ks[1], (REL_NUM, DIM), minval=-1.0, maxval=1.0, dtype=jnp.float32)
    re = re / jnp.linalg.norm(re, axis=1, keepdims=True)
    nf1 = jax.random.randint(ks[2], (B, 2), 0, 900)
    nf2 = jax.random.randint(ks[3], (B, 3), 0, 900)
    nf3 = jax.random.randint(ks[4], (B, 3), 0, 900)
    nf4 = jax.random.randint(ks[5], (B, 3), 0, 900)
    disjoint = jax.random.randint(ks[6], (B, 2), 0, 900)
    role_inclusion = jax.random.randint(ks[7], (B, 2), 0, 900)
    role_chain = jax.random.randint(ks[8], (B, 3), 0, 900)
    nf3_neg = jax.random.randint(ks[9], (B, 3), 0, 900)
    return {"nf1": nf1, "nf2": nf2, "nf3": nf3, "nf4": nf4, "disjoint": disjoint,
            "role_inclusion": role_inclusion, "role_chain": role_chain, "nf3_neg": nf3_neg,
            "class_emb": ce, "rel_emb": re}


def _reg(x):
    return jnp.abs(jnp.linalg.norm(x, axis=1) - REG_NORM).reshape(-1, 1)


def _normalize(x):
    return x / jnp.clip(jnp.linalg.norm(x, axis=1, keepdims=True), 1e-12)


def _total_loss(class_emb, rel_emb, nf1, nf2, nf3, nf4, disjoint, role_inclusion, role_chain, nf3_neg):
    relu = jax.nn.relu
    m = MARGIN
    # nf1: C subsumed-by D
    c = class_emb[nf1[:, 0]]; d = class_emb[nf1[:, 1]]
    rc = jnp.abs(c[:, -1]); rd = jnp.abs(d[:, -1])
    x1 = c[:, :-1]; x2 = d[:, :-1]
    euc = jnp.linalg.norm(x1 - x2, axis=1)
    loss1 = relu(euc + rc - rd - m).reshape(-1, 1) + _reg(x1) + _reg(x2)
    # nf2: C and D subsumed-by E
    c = class_emb[nf2[:, 0]]; d = class_emb[nf2[:, 1]]; e = class_emb[nf2[:, 2]]
    rc = jnp.abs(c[:, -1]).reshape(-1, 1); rd = jnp.abs(d[:, -1]).reshape(-1, 1)
    x1 = c[:, :-1]; x2 = d[:, :-1]; x3 = e[:, :-1]
    sr = rc + rd
    dst = jnp.linalg.norm(x2 - x1, axis=1).reshape(-1, 1)
    dst2 = jnp.linalg.norm(x3 - x1, axis=1).reshape(-1, 1)
    dst3 = jnp.linalg.norm(x3 - x2, axis=1).reshape(-1, 1)
    loss2 = relu(dst - sr - m) + relu(dst2 - rc - m) + relu(dst3 - rd - m) + _reg(x1) + _reg(x2) + _reg(x3)
    # nf3: C subsumed-by exists R.D
    c = class_emb[nf3[:, 0]]; r = rel_emb[nf3[:, 1]]; d = class_emb[nf3[:, 2]]
    x1 = c[:, :-1]; x2 = d[:, :-1]
    rc = jnp.abs(c[:, -1]); rd = jnp.abs(d[:, -1])
    euc = jnp.linalg.norm(x1 + r - x2, axis=1)
    loss3 = relu(euc + rc - rd - m).reshape(-1, 1) + _reg(x1) + _reg(x2)
    # nf4: exists R.C subsumed-by D
    c = class_emb[nf4[:, 1]]; r = rel_emb[nf4[:, 0]]; d = class_emb[nf4[:, 2]]
    rc = jnp.abs(c[:, -1]).reshape(-1, 1); rd = jnp.abs(d[:, -1]).reshape(-1, 1)
    x1 = c[:, :-1]; x2 = d[:, :-1]
    sr = rc + rd
    dst = jnp.linalg.norm(x1 - r - x2, axis=1).reshape(-1, 1)
    loss4 = relu(dst - sr - m) + _reg(x1) + _reg(x2)
    # disjoint
    c = class_emb[disjoint[:, 0]]; d = class_emb[disjoint[:, 1]]
    rc = jnp.abs(c[:, -1]).reshape(-1, 1); rd = jnp.abs(d[:, -1]).reshape(-1, 1)
    x1 = c[:, :-1]; x2 = d[:, :-1]
    sr = rc + rd
    dst = jnp.linalg.norm(x2 - x1, axis=1).reshape(-1, 1)
    loss_dis = relu(sr - dst + m) + _reg(x1) + _reg(x2)
    # role inclusion
    r1 = rel_emb[role_inclusion[:, 0]]; r2 = rel_emb[role_inclusion[:, 1]]
    euc = jnp.linalg.norm(r2 - r1, axis=1)
    direction = (_normalize(r1) * _normalize(r2)).sum(axis=1)
    dir_loss = jnp.abs(1.0 - direction).reshape(-1, 1)
    loss_ri = relu(euc - m).reshape(-1, 1) + _reg(r1) + _reg(r2) + dir_loss
    # role chain
    cc = rel_emb[role_chain[:, 0]]; dd = rel_emb[role_chain[:, 1]]; ee = rel_emb[role_chain[:, 2]]
    s = ee - cc
    dst_dir = jnp.linalg.norm(s - dd, axis=1).reshape(-1, 1)
    dst_loss = relu(dst_dir - m)
    direction = (_normalize(cc + dd) * _normalize(ee)).sum(axis=1)
    dir_loss = jnp.abs(1.0 - direction).reshape(-1, 1)
    loss_rc = dst_loss + _reg(cc) + _reg(dd) + _reg(ee) + dir_loss
    # negative sampling loss on nf3-shaped triples
    c = class_emb[nf3_neg[:, 0]]; r = rel_emb[nf3_neg[:, 1]]; d = class_emb[nf3_neg[:, 2]]
    x1 = c[:, :-1]; x2 = d[:, :-1]
    rc = jnp.abs(c[:, -1]); rd = jnp.abs(d[:, -1])
    euc = jnp.linalg.norm(x1 + r - x2, axis=1)
    loss_neg = (-(euc - rc - rd) + m).reshape(-1, 1) + _reg(x1) + _reg(x2)
    total = (loss1.mean() + loss2.mean() + loss3.mean() + loss4.mean() +
             loss_dis.mean() + loss_ri.mean() + loss_rc.mean() + loss_neg.mean())
    return total


def reference(nf1, nf2, nf3, nf4, disjoint, role_inclusion, role_chain, nf3_neg, class_emb, rel_emb):
    return _total_loss(class_emb, rel_emb, nf1, nf2, nf3, nf4, disjoint, role_inclusion, role_chain, nf3_neg)

if __name__ == "__main__":
    import jax
    _d = setup_inputs()
    print(jax.jit(kernel)(*tuple(_d.values())))

</pallas_src>

<mosaic_0001>
#map = affine_map<(d0, d1) -> (0, 0)>
#map1 = affine_map<(d0, d1) -> (0)>
module attributes {stable_mosaic.version = 14 : i64} {
  func.func @_sc_stage1_body(%arg0: i32, %arg1: i32, %arg2: memref<512x21xi32, #tpu.memory_space<hbm>>, %arg3: memref<1000x128xf32, #tpu.memory_space<hbm>>, %arg4: memref<1024xf32, #tpu.memory_space<hbm>>, %arg5: memref<1000x128xf32, #tpu.memory_space<hbm>>, %arg6: memref<32x1024xf32, #tpu.memory_space<hbm>>, %arg7: memref<16x21xi32, #tpu.memory_space<vmem>>, %arg8: memref<336xi32, #tpu.memory_space<vmem>>, %arg9: memref<1024xf32, #tpu.memory_space<vmem>>, %arg10: memref<208x128xf32, #tpu.memory_space<vmem>>, %arg11: memref<128x128xf32, #tpu.memory_space<vmem>>, %arg12: memref<1024xf32, #tpu.memory_space<vmem>>, %arg13: memref<!tpu.dma_semaphore, #tpu.memory_space<semaphore_mem>>) attributes {dimension_semantics = [#tpu.dimension_semantics<core_parallel>, #tpu.dimension_semantics<subcore_parallel>], iteration_bounds = array<i64: 2, 16>, scalar_prefetch = 0 : i64, scratch_operands = 7 : i64, tpu.core_type = #tpu.core_type<sc_vector_subcore>, window_params = [{transform_indices = #map}, {transform_indices = #map}, {transform_indices = #map1}, {transform_indices = #map}, {transform_indices = #map}]} {
    %mul3A = arith.constant 2 : i32
    %mul3A_0 = arith.muli %arg1, %mul3A : i32
    %add3A = arith.addi %mul3A_0, %arg0 : i32
    %mul3A_1 = arith.constant 16 : i32
    %mul3A_2 = arith.muli %add3A, %mul3A_1 : i32
    %iota3A = tpu.iota {dimensions = array<i32: 0>} : vector<16xi32>
    %eq3A = arith.constant 15 : i32
    %eq3A_3 = vector.broadcast %eq3A : i32 to vector<16xi32>
    %eq3A_4 = arith.cmpi eq, %iota3A, %eq3A_3 : vector<16xi32>
    %dma_start3A = arith.constant 0 : i32
    %dma_start3A_5 = tpu.memref_slice %arg2[%mul3A_2, %dma_start3A] : memref<512x21xi32, #tpu.memory_space<hbm>> -> memref<16x21xi32, #tpu.memory_space<hbm>>
    %dma_start3A_6 = arith.constant 0 : i32
    %dma_start3A_7 = tpu.memref_slice %arg2[%mul3A_2, %dma_start3A_6] : memref<512x21xi32, #tpu.memory_space<hbm>> -> memref<16x21xi32, #tpu.memory_space<hbm>>
    tpu.enqueue_dma source(%dma_start3A_7 : memref<16x21xi32, #tpu.memory_space<hbm>>) target(%arg7 : memref<16x21xi32, #tpu.memory_space<vmem>>) target_semaphore(%arg13 : memref<!tpu.dma_semaphore, #tpu.memory_space<semaphore_mem>>)
    tpu.enqueue_dma source(%arg4 : memref<1024xf32, #tpu.memory_space<hbm>>) target(%arg9 : memref<1024xf32, #tpu.memory_space<vmem>>) target_semaphore(%arg13 : memref<!tpu.dma_semaphore, #tpu.memory_space<semaphore_mem>>)
    %dma_wait3A = arith.constant 0 : i32
    %dma_wait3A_8 = tpu.memref_slice %arg2[%mul3A_2, %dma_wait3A] : memref<512x21xi32, #tpu.memory_space<hbm>> -> memref<16x21xi32, #tpu.memory_space<hbm>>
    %dma_wait3A_9 = arith.constant 0 : i32
    %dma_wait3A_10 = tpu.memref_slice %arg2[%mul3A_2, %dma_wait3A_9] : memref<512x21xi32, #tpu.memory_space<hbm>> -> memref<16x21xi32, #tpu.memory_space<hbm>>
    tpu.wait_dma2 semaphore(%arg13 : memref<!tpu.dma_semaphore, #tpu.memory_space<semaphore_mem>>) src(%dma_wait3A_10 : memref<16x21xi32, #tpu.memory_space<hbm>>) dst(%arg7 : memref<16x21xi32, #tpu.memory_space<vmem>>)
    tpu.wait_dma2 semaphore(%arg13 : memref<!tpu.dma_semaphore, #tpu.memory_space<semaphore_mem>>) src(%arg4 : memref<1024xf32, #tpu.memory_space<hbm>>) dst(%arg9 : memref<1024xf32, #tpu.memory_space<vmem>>)
    %broadcast_in_dim3A = arith.constant 0 : i32
    %broadcast_in_dim3A_11 = vector.broadcast %broadcast_in_dim3A : i32 to vector<16xi32>
    %gather3A = tpu.vector_load_idx %arg7[%iota3A, %broadcast_in_dim3A_11] : memref<16x21xi32, #tpu.memory_space<vmem>>[vector<16xi32>, vector<16xi32>], vector<16xi32>,
    %swap3A = arith.constant 0 : index
    %swap3A_12 = tpu.vector_load %arg8[%swap3A] {strides = array<i32>} : memref<336xi32, #tpu.memory_space<vmem>>, vector<16xi32>,
    tpu.vector_store %arg8[%swap3A], %gather3A {strides = array<i32>} : memref<336xi32, #tpu.memory_space<vmem>>, vector<16xi32>,
    %broadcast_in_dim3A_13 = arith.constant 1 : i32
    %broadcast_in_dim3A_14 = vector.broadcast %broadcast_in_dim3A_13 : i32 to vector<16xi32>
    %gather3A_15 = tpu.vector_load_idx %arg7[%iota3A, %broadcast_in_dim3A_14] : memref<16x21xi32, #tpu.memory_space<vmem>>[vector<16xi32>, vector<16xi32>], vector<16xi32>,
    %swap3A_16 = arith.constant 16 : index
    %swap3A_17 = tpu.vector_load %arg8[%swap3A_16] {strides = array<i32>} : memref<336xi32, #tpu.memory_space<vmem>>, vector<16xi32>,
    tpu.vector_store %arg8[%swap3A_16], %gather3A_15 {strides = array<i32>} : memref<336xi32, #tpu.memory_space<vmem>>, vector<16xi32>,
    %broadcast_in_dim3A_18 = arith.constant 2 : i32
    %broadcast_in_dim3A_19 = vector.broadcast %broadcast_in_dim3A_18 : i32 to vector<16xi32>
    %gather3A_20 = tpu.vector_load_idx %arg7[%iota3A, %broadcast_in_dim3A_19] : memref<16x21xi32, #tpu.memory_space<vmem>>[vector<16xi32>, vector<16xi32>], vector<16xi32>,
    %swap3A_21 = arith.constant 32 : index
    %swap3A_22 = tpu.vector_load %arg8[%swap3A_21] {strides = array<i32>} : memref<336xi32, #tpu.memory_space<vmem>>, vector<16xi32>,
    tpu.vector_store %arg8[%swap3A_21], %gather3A_20 {strides = array<i32>} : memref<336xi32, #tpu.memory_space<vmem>>, vector<16xi32>,
    %broadcast_in_dim3A_23 = arith.constant 3 : i32
    %broadcast_in_dim3A_24 = vector.broadcast %broadcast_in_dim3A_23 : i32 to vector<16xi32>
    %gather3A_25 = tpu.vector_load_idx %arg7[%iota3A, %broadcast_in_dim3A_24] : memref<16x21xi32, #tpu.memory_space<vmem>>[vector<16xi32>, vector<16xi32>], vector<16xi32>,
    %swap3A_26 = arith.constant 48 : index
    %swap3A_27 = tpu.vector_load %arg8[%swap3A_26] {strides = array<i32>} : memref<336xi32, #tpu.memory_space<vmem>>, vector<16xi32>,
    tpu.vector_store %arg8[%swap3A_26], %gather3A_25 {strides = array<i32>} : memref<336xi32, #tpu.memory_space<vmem>>, vector<16xi32>,
    %broadcast_in_dim3A_28 = arith.constant 4 : i32
    %broadcast_in_dim3A_29 = vector.broadcast %broadcast_in_dim3A_28 : i32 to vector<16xi32>
    %gather3A_30 = tpu.vector_load_idx %arg7[%iota3A, %broadcast_in_dim3A_29] : memref<16x21xi32, #tpu.memory_space<vmem>>[vector<16xi32>, vector<16xi32>], vector<16xi32>,
    %swap3A_31 = arith.constant 64 : index
    %swap3A_32 = tpu.vector_load %arg8[%swap3A_31] {strides = array<i32>} : memref<336xi32, #tpu.memory_space<vmem>>, vector<16xi32>,
    tpu.vector_store %arg8[%swap3A_31], %gather3A_30 {strides = array<i32>} : memref<336xi32, #tpu.memory_space<vmem>>, vector<16xi32>,
    %broadcast_in_dim3A_33 = arith.constant 5 : i32
    %broadcast_in_dim3A_34 = vector.broadcast %broadcast_in_dim3A_33 : i32 to vector<16xi32>
    %gather3A_35 = tpu.vector_load_idx %arg7[%iota3A, %broadcast_in_dim3A_34] : memref<16x21xi32, #tpu.memory_space<vmem>>[vector<16xi32>, vector<16xi32>], vector<16xi32>,
    %swap3A_36 = arith.constant 80 : index
    %swap3A_37 = tpu.vector_load %arg8[%swap3A_36] {strides = array<i32>} : memref<336xi32, #tpu.memory_space<vmem>>, vector<16xi32>,
    tpu.vector_store %arg8[%swap3A_36], %gather3A_35 {strides = array<i32>} : memref<336xi32, #tpu.memory_space<vmem>>, vector<16xi32>,
    %broadcast_in_dim3A_38 = arith.constant 7 : i32
    %broadcast_in_dim3A_39 = vector.broadcast %broadcast_in_dim3A_38 : i32 to vector<16xi32>
    %gather3A_40 = tpu.vector_load_idx %arg7[%iota3A, %broadcast_in_dim3A_39] : memref<16x21xi32, #tpu.memory_space<vmem>>[vector<16xi32>, vector<16xi32>], vector<16xi32>,
    %swap3A_41 = arith.constant 96 : index
    %swap3A_42 = tpu.vector_load %arg8[%swap3A_41] {strides = array<i32>} : memref<336xi32, #tpu.memory_space<vmem>>, vector<16xi32>,
    tpu.vector_store %arg8[%swap3A_41], %gather3A_40 {strides = array<i32>} : memref<336xi32, #tpu.memory_space<vmem>>, vector<16xi32>,
    %broadcast_in_dim3A_43 = arith.constant 9 : i32
    %broadcast_in_dim3A_44 = vector.broadcast %broadcast_in_dim3A_43 : i32 to vector<16xi32>
    %gather3A_45 = tpu.vector_load_idx %arg7[%iota3A, %broadcast_in_dim3A_44] : memref<16x21xi32, #tpu.memory_space<vmem>>[vector<16xi32>, vector<16xi32>], vector<16xi32>,
    %swap3A_46 = arith.constant 112 : index
    %swap3A_47 = tpu.vector_load %arg8[%swap3A_46] {strides = array<i32>} : memref<336xi32, #tpu.memory_space<vmem>>, vector<16xi32>,
    tpu.vector_store %arg8[%swap3A_46], %gather3A_45 {strides = array<i32>} : memref<336xi32, #tpu.memory_space<vmem>>, vector<16xi32>,
    %broadcast_in_dim3A_48 = arith.constant 10 : i32
    %broadcast_in_dim3A_49 = vector.broadcast %broadcast_in_dim3A_48 : i32 to vector<16xi32>
    %gather3A_50 = tpu.vector_load_idx %arg7[%iota3A, %broadcast_in_dim3A_49] : memref<16x21xi32, #tpu.memory_space<vmem>>[vector<16xi32>, vector<16xi32>], vector<16xi32>,
    %swap3A_51 = arith.constant 128 : index
    %swap3A_52 = tpu.vector_load %arg8[%swap3A_51] {strides = array<i32>} : memref<336xi32, #tpu.memory_space<vmem>>, vector<16xi32>,
    tpu.vector_store %arg8[%swap3A_51], %gather3A_50 {strides = array<i32>} : memref<336xi32, #tpu.memory_space<vmem>>, vector<16xi32>,
    %broadcast_in_dim3A_53 = arith.constant 11 : i32
    %broadcast_in_dim3A_54 = vector.broadcast %broadcast_in_dim3A_53 : i32 to vector<16xi32>
    %gather3A_55 = tpu.vector_load_idx %arg7[%iota3A, %broadcast_in_dim3A_54] : memref<16x21xi32, #tpu.memory_space<vmem>>[vector<16xi32>, vector<16xi32>], vector<16xi32>,
    %swap3A_56 = arith.constant 144 : index
    %swap3A_57 = tpu.vector_load %arg8[%swap3A_56] {strides = array<i32>} : memref<336xi32, #tpu.memory_space<vmem>>, vector<16xi32>,
    tpu.vector_store %arg8[%swap3A_56], %gather3A_55 {strides = array<i32>} : memref<336xi32, #tpu.memory_space<vmem>>, vector<16xi32>,
    %broadcast_in_dim3A_58 = arith.constant 12 : i32
    %broadcast_in_dim3A_59 = vector.broadcast %broadcast_in_dim3A_58 : i32 to vector<16xi32>
    %gather3A_60 = tpu.vector_load_idx %arg7[%iota3A, %broadcast_in_dim3A_59] : memref<16x21xi32, #tpu.memory_space<vmem>>[vector<16xi32>, vector<16xi32>], vector<16xi32>,
    %swap3A_61 = arith.constant 160 : index
    %swap3A_62 = tpu.vector_load %arg8[%swap3A_61] {strides = array<i32>} : memref<336xi32, #tpu.memory_space<vmem>>, vector<16xi32>,
    tpu.vector_store %arg8[%swap3A_61], %gather3A_60 {strides = array<i32>} : memref<336xi32, #tpu.memory_space<vmem>>, vector<16xi32>,
    %broadcast_in_dim3A_63 = arith.constant 18 : i32
    %broadcast_in_dim3A_64 = vector.broadcast %broadcast_in_dim3A_63 : i32 to vector<16xi32>
    %gather3A_65 = tpu.vector_load_idx %arg7[%iota3A, %broadcast_in_dim3A_64] : memref<16x21xi32, #tpu.memory_space<vmem>>[vector<16xi32>, vector<16xi32>], vector<16xi32>,
    %swap3A_66 = arith.constant 176 : index
    %swap3A_67 = tpu.vector_load %arg8[%swap3A_66] {strides = array<i32>} : memref<336xi32, #tpu.memory_space<vmem>>, vector<16xi32>,
    tpu.vector_store %arg8[%swap3A_66], %gather3A_65 {strides = array<i32>} : memref<336xi32, #tpu.memory_space<vmem>>, vector<16xi32>,
    %broadcast_in_dim3A_68 = arith.constant 20 : i32
    %broadcast_in_dim3A_69 = vector.broadcast %broadcast_in_dim3A_68 : i32 to vector<16xi32>
    %gather3A_70 = tpu.vector_load_idx %arg7[%iota3A, %broadcast_in_dim3A_69] : memref<16x21xi32, #tpu.memory_space<vmem>>[vector<16xi32>, vector<16xi32>], vector<16xi32>,
    %swap3A_71 = arith.constant 192 : index
    %swap3A_72 = tpu.vector_load %arg8[%swap3A_71] {strides = array<i32>} : memref<336xi32, #tpu.memory_space<vmem>>, vector<16xi32>,
    tpu.vector_store %arg8[%swap3A_71], %gather3A_70 {strides = array<i32>} : memref<336xi32, #tpu.memory_space<vmem>>, vector<16xi32>,
    %broadcast_in_dim3A_73 = arith.constant 6 : i32
    %broadcast_in_dim3A_74 = vector.broadcast %broadcast_in_dim3A_73 : i32 to vector<16xi32>
    %gather3A_75 = tpu.vector_load_idx %arg7[%iota3A, %broadcast_in_dim3A_74] : memref<16x21xi32, #tpu.memory_space<vmem>>[vector<16xi32>, vector<16xi32>], vector<16xi32>,
    %swap3A_76 = arith.constant 208 : index
    %swap3A_77 = tpu.vector_load %arg8[%swap3A_76] {strides = array<i32>} : memref<336xi32, #tpu.memory_space<vmem>>, vector<16xi32>,
    tpu.vector_store %arg8[%swap3A_76], %gather3A_75 {strides = array<i32>} : memref<336xi32, #tpu.memory_space<vmem>>, vector<16xi32>,
    %broadcast_in_dim3A_78 = arith.constant 8 : i32
    %broadcast_in_dim3A_79 = vector.broadcast %broadcast_in_dim3A_78 : i32 to vector<16xi32>
    %gather3A_80 = tpu.vector_load_idx %arg7[%iota3A, %broadcast_in_dim3A_79] : memref<16x21xi32, #tpu.memory_space<vmem>>[vector<16xi32>, vector<16xi32>], vector<16xi32>,
    %swap3A_81 = arith.constant 224 : index
    %swap3A_82 = tpu.vector_load %arg8[%swap3A_81] {strides = array<i32>} : memref<336xi32, #tpu.memory_space<vmem>>, vector<16xi32>,
    tpu.vector_store %arg8[%swap3A_81], %gather3A_80 {strides = array<i32>} : memref<336xi32, #tpu.memory_space<vmem>>, vector<16xi32>,
    %broadcast_in_dim3A_83 = arith.constant 13 : i32
    %broadcast_in_dim3A_84 = vector.broadcast %broadcast_in_dim3A_83 : i32 to vector<16xi32>
    %gather3A_85 = tpu.vector_load_idx %arg7[%iota3A, %broadcast_in_dim3A_84] : memref<16x21xi32, #tpu.memory_space<vmem>>[vector<16xi32>, vector<16xi32>], vector<16xi32>,
    %swap3A_86 = arith.constant 240 : index
    %swap3A_87 = tpu.vector_load %arg8[%swap3A_86] {strides = array<i32>} : memref<336xi32, #tpu.memory_space<vmem>>, vector<16xi32>,
    tpu.vector_store %arg8[%swap3A_86], %gather3A_85 {strides = array<i32>} : memref<336xi32, #tpu.memory_space<vmem>>, vector<16xi32>,
    %broadcast_in_dim3A_88 = arith.constant 14 : i32
    %broadcast_in_dim3A_89 = vector.broadcast %broadcast_in_dim3A_88 : i32 to vector<16xi32>
    %gather3A_90 = tpu.vector_load_idx %arg7[%iota3A, %broadcast_in_dim3A_89] : memref<16x21xi32, #tpu.memory_space<vmem>>[vector<16xi32>, vector<16xi32>], vector<16xi32>,
    %swap3A_91 = arith.constant 256 : index
    %swap3A_92 = tpu.vector_load %arg8[%swap3A_91] {strides = array<i32>} : memref<336xi32, #tpu.memory_space<vmem>>, vector<16xi32>,
    tpu.vector_store %arg8[%swap3A_91], %gather3A_90 {strides = array<i32>} : memref<336xi32, #tpu.memory_space<vmem>>, vector<16xi32>,
    %broadcast_in_dim3A_93 = arith.constant 15 : i32
    %broadcast_in_dim3A_94 = vector.broadcast %broadcast_in_dim3A_93 : i32 to vector<16xi32>
    %gather3A_95 = tpu.vector_load_idx %arg7[%iota3A, %broadcast_in_dim3A_94] : memref<16x21xi32, #tpu.memory_space<vmem>>[vector<16xi32>, vector<16xi32>], vector<16xi32>,
    %swap3A_96 = arith.constant 272 : index
    %swap3A_97 = tpu.vector_load %arg8[%swap3A_96] {strides = array<i32>} : memref<336xi32, #tpu.memory_space<vmem>>, vector<16xi32>,
    tpu.vector_store %arg8[%swap3A_96], %gather3A_95 {strides = array<i32>} : memref<336xi32, #tpu.memory_space<vmem>>, vector<16xi32>,
    %broadcast_in_dim3A_98 = arith.constant 16 : i32
    %broadcast_in_dim3A_99 = vector.broadcast %broadcast_in_dim3A_98 : i32 to vector<16xi32>
    %gather3A_100 = tpu.vector_load_idx %arg7[%iota3A, %broadcast_in_dim3A_99] : memref<16x21xi32, #tpu.memory_space<vmem>>[vector<16xi32>, vector<16xi32>], vector<16xi32>,
    %swap3A_101 = arith.constant 288 : index
    %swap3A_102 = tpu.vector_load %arg8[%swap3A_101] {strides = array<i32>} : memref<336xi32, #tpu.memory_space<vmem>>, vector<16xi32>,
    tpu.vector_store %arg8[%swap3A_101], %gather3A_100 {strides = array<i32>} : memref<336xi32, #tpu.memory_space<vmem>>, vector<16xi32>,
    %broadcast_in_dim3A_103 = arith.constant 17 : i32
    %broadcast_in_dim3A_104 = vector.broadcast %broadcast_in_dim3A_103 : i32 to vector<16xi32>
    %gather3A_105 = tpu.vector_load_idx %arg7[%iota3A, %broadcast_in_dim3A_104] : memref<16x21xi32, #tpu.memory_space<vmem>>[vector<16xi32>, vector<16xi32>], vector<16xi32>,
    %swap3A_106 = arith.constant 304 : index
    %swap3A_107 = tpu.vector_load %arg8[%swap3A_106] {strides = array<i32>} : memref<336xi32, #tpu.memory_space<vmem>>, vector<16xi32>,
    tpu.vector_store %arg8[%swap3A_106], %gather3A_105 {strides = array<i32>} : memref<336xi32, #tpu.memory_space<vmem>>, vector<16xi32>,
    %broadcast_in_dim3A_108 = arith.constant 19 : i32
    %broadcast_in_dim3A_109 = vector.broadcast %broadcast_in_dim3A_108 : i32 to vector<16xi32>
    %gather3A_110 = tpu.vector_load_idx %arg7[%iota3A, %broadcast_in_dim3A_109] : memref<16x21xi32, #tpu.memory_space<vmem>>[vector<16xi32>, vector<16xi32>], vector<16xi32>,
    %swap3A_111 = arith.constant 320 : index
    %swap3A_112 = tpu.vector_load %arg8[%swap3A_111] {strides = array<i32>} : memref<336xi32, #tpu.memory_space<vmem>>, vector<16xi32>,
    tpu.vector_store %arg8[%swap3A_111], %gather3A_110 {strides = array<i32>} : memref<336xi32, #tpu.memory_space<vmem>>, vector<16xi32>,
    %dma_start3A_113 = arith.constant 0 : i32
    %dma_start3A_114 = arith.constant 0 : i32
    %dma_start3A_115 = tpu.memref_slice %arg10[%dma_start3A_113, %dma_start3A_114] : memref<208x128xf32, #tpu.memory_space<vmem>> -> memref<104x128xf32, #tpu.memory_space<vmem>>
    %dma_start3A_116 = arith.constant 0 : i32
    %dma_start3A_117 = tpu.memref_slice %arg8[%dma_start3A_116] : memref<336xi32, #tpu.memory_space<vmem>> -> memref<104xi32, #tpu.memory_space<vmem>>
    %dma_start3A_118 = arith.constant 0 : i32
    %dma_start3A_119 = arith.constant 0 : i32
    %dma_start3A_120 = tpu.memref_slice %arg3[%dma_start3A_118, %dma_start3A_119] : memref<1000x128xf32, #tpu.memory_space<hbm>> -> memref<1000x128xf32, #tpu.memory_space<hbm>>
    tpu.enqueue_indirect_dma source(%dma_start3A_120 : memref<1000x128xf32, #tpu.memory_space<hbm>>) target(%dma_start3A_115 : memref<104x128xf32, #tpu.memory_space<vmem>>) offsets(%dma_start3A_117 : memref<104xi32, #tpu.memory_space<vmem>>) semaphore(%arg13 : memref<!tpu.dma_semaphore, #tpu.memory_space<semaphore_mem>>)
    %dma_start3A_121 = arith.constant 104 : i32
    %dma_start3A_122 = arith.constant 0 : i32
    %dma_start3A_123 = tpu.memref_slice %arg10[%dma_start3A_121, %dma_start3A_122] : memref<208x128xf32, #tpu.memory_space<vmem>> -> memref<104x128xf32, #tpu.memory_space<vmem>>
    %dma_start3A_124 = arith.constant 104 : i32
    %dma_start3A_125 = tpu.memref_slice %arg8[%dma_start3A_124] : memref<336xi32, #tpu.memory_space<vmem>> -> memref<104xi32, #tpu.memory_space<vmem>>
    %dma_start3A_126 = arith.constant 0 : i32
    %dma_start3A_127 = arith.constant 0 : i32
    %dma_start3A_128 = tpu.memref_slice %arg3[%dma_start3A_126, %dma_start3A_127] : memref<1000x128xf32, #tpu.memory_space<hbm>> -> memref<1000x128xf32, #tpu.memory_space<hbm>>
    tpu.enqueue_indirect_dma source(%dma_start3A_128 : memref<1000x128xf32, #tpu.memory_space<hbm>>) target(%dma_start3A_123 : memref<104x128xf32, #tpu.memory_space<vmem>>) offsets(%dma_start3A_125 : memref<104xi32, #tpu.memory_space<vmem>>) semaphore(%arg13 : memref<!tpu.dma_semaphore, #tpu.memory_space<semaphore_mem>>)
    %dma_start3A_129 = arith.constant 208 : i32
    %dma_start3A_130 = tpu.memref_slice %arg8[%dma_start3A_129] : memref<336xi32, #tpu.memory_space<vmem>> -> memref<128xi32, #tpu.memory_space<vmem>>
    %dma_start3A_131 = arith.constant 0 : i32
    %dma_start3A_132 = arith.constant 0 : i32
    %dma_start3A_133 = tpu.memref_slice %arg5[%dma_start3A_131, %dma_start3A_132] : memref<1000x128xf32, #tpu.memory_space<hbm>> -> memref<1000x128xf32, #tpu.memory_space<hbm>>
    tpu.enqueue_indirect_dma source(%dma_start3A_133 : memref<1000x128xf32, #tpu.memory_space<hbm>>) target(%arg11 : memref<128x128xf32, #tpu.memory_space<vmem>>) offsets(%dma_start3A_130 : memref<128xi32, #tpu.memory_space<vmem>>) semaphore(%arg13 : memref<!tpu.dma_semaphore, #tpu.memory_space<semaphore_mem>>)
    %dma_wait3A_134 = arith.constant 0 : i32
    %dma_wait3A_135 = arith.constant 0 : i32
    %dma_wait3A_136 = tpu.memref_slice %arg10[%dma_wait3A_134, %dma_wait3A_135] : memref<208x128xf32, #tpu.memory_space<vmem>> -> memref<104x128xf32, #tpu.memory_space<vmem>>
    %dma_wait3A_137 = arith.constant 0 : i32
    %dma_wait3A_138 = tpu.memref_slice %arg8[%dma_wait3A_137] : memref<336xi32, #tpu.memory_space<vmem>> -> memref<104xi32, #tpu.memory_space<vmem>>
    %dma_wait3A_139 = arith.constant 0 : i32
    %dma_wait3A_140 = arith.constant 0 : i32
    %dma_wait3A_141 = tpu.memref_slice %arg3[%dma_wait3A_139, %dma_wait3A_140] : memref<1000x128xf32, #tpu.memory_space<hbm>> -> memref<1000x128xf32, #tpu.memory_space<hbm>>
    tpu.wait_indirect_dma semaphore(%arg13 : memref<!tpu.dma_semaphore, #tpu.memory_space<semaphore_mem>>) src(%dma_wait3A_141 : memref<1000x128xf32, #tpu.memory_space<hbm>>) dst(%dma_wait3A_136 : memref<104x128xf32, #tpu.memory_space<vmem>>)
    %dma_wait3A_142 = arith.constant 104 : i32
    %dma_wait3A_143 = arith.constant 0 : i32
    %dma_wait3A_144 = tpu.memref_slice %arg10[%dma_wait3A_142, %dma_wait3A_143] : memref<208x128xf32, #tpu.memory_space<vmem>> -> memref<104x128xf32, #tpu.memory_space<vmem>>
    %dma_wait3A_145 = arith.constant 104 : i32
    %dma_wait3A_146 = tpu.memref_slice %arg8[%dma_wait3A_145] : memref<336xi32, #tpu.memory_space<vmem>> -> memref<104xi32, #tpu.memory_space<vmem>>
    %dma_wait3A_147 = arith.constant 0 : i32
    %dma_wait3A_148 = arith.constant 0 : i32
    %dma_wait3A_149 = tpu.memref_slice %arg3[%dma_wait3A_147, %dma_wait3A_148] : memref<1000x128xf32, #tpu.memory_space<hbm>> -> memref<1000x128xf32, #tpu.memory_space<hbm>>
    tpu.wait_indirect_dma semaphore(%arg13 : memref<!tpu.dma_semaphore, #tpu.memory_space<semaphore_mem>>) src(%dma_wait3A_149 : memref<1000x128xf32, #tpu.memory_space<hbm>>) dst(%dma_wait3A_144 : memref<104x128xf32, #tpu.memory_space<vmem>>)
    %dma_wait3A_150 = arith.constant 208 : i32
    %dma_wait3A_151 = tpu.memref_slice %arg8[%dma_wait3A_150] : memref<336xi32, #tpu.memory_space<vmem>> -> memref<128xi32, #tpu.memory_space<vmem>>
    %dma_wait3A_152 = arith.constant 0 : i32
    %dma_wait3A_153 = arith.constant 0 : i32
    %dma_wait3A_154 = tpu.memref_slice %arg5[%dma_wait3A_152, %dma_wait3A_153] : memref<1000x128xf32, #tpu.memory_space<hbm>> -> memref<1000x128xf32, #tpu.memory_space<hbm>>
    tpu.wait_indirect_dma semaphore(%arg13 : memref<!tpu.dma_semaphore, #tpu.memory_space<semaphore_mem>>) src(%dma_wait3A_154 : memref<1000x128xf32, #tpu.memory_space<hbm>>) dst(%arg11 : memref<128x128xf32, #tpu.memory_space<vmem>>)
    %broadcast_in_dim3A_155 = arith.constant 0.000000e+00 : f32
    %broadcast_in_dim3A_156 = vector.broadcast %broadcast_in_dim3A_155 : f32 to vector<16xf32>
    %scan3A = arith.constant 0 : i32
    %scan3A_157 = arith.constant 0 : i32
    %scan3A_158 = arith.constant 16 : i32
    %scan3A_159 = arith.addi %scan3A_157, %scan3A_158 : i32
    %scan3A_160 = arith.constant 1 : i32
    %scan3A_161 = scf.for %scan3A_294 = %scan3A_157 to %scan3A_159 step %scan3A_160 iter_args(%scan3A_295 = %scan3A) -> (i32)  : i32 {
      %add3A_296 = arith.constant 0 : i32
      %add3A_297 = arith.addi %add3A_296, %scan3A_294 : i32
      %get3A_298 = arith.index_cast %add3A_297 : i32 to index
      %get3A_299 = arith.constant 0 : index
      %get3A_300 = tpu.vector_load %arg10[%get3A_298, %get3A_299] {strides = array<i32>} : memref<208x128xf32, #tpu.memory_space<vmem>>, vector<16xf32>,
      %add3A_301 = arith.constant 16 : i32
      %add3A_302 = arith.addi %add3A_301, %scan3A_294 : i32
      %get3A_303 = arith.index_cast %add3A_302 : i32 to index
      %get3A_304 = arith.constant 0 : index
      %get3A_305 = tpu.vector_load %arg10[%get3A_303, %get3A_304] {strides = array<i32>} : memref<208x128xf32, #tpu.memory_space<vmem>>, vector<16xf32>,
      %sub3A = arith.subf %get3A_300, %get3A_305 : vector<16xf32>
      %mul3A_306 = arith.mulf %sub3A, %sub3A : vector<16xf32>
      %add3A_307 = arith.addf %broadcast_in_dim3A_156, %mul3A_306 : vector<16xf32>
      %mul3A_308 = arith.mulf %get3A_300, %get3A_300 : vector<16xf32>
      %add3A_309 = arith.addf %broadcast_in_dim3A_156, %mul3A_308 : vector<16xf32>
      %mul3A_310 = arith.mulf %get3A_305, %get3A_305 : vector<16xf32>
      %add3A_311 = arith.addf %broadcast_in_dim3A_156, %mul3A_310 : vector<16xf32>
      %add3A_312 = arith.constant 0 : i32
      %add3A_313 = arith.addi %add3A_312, %scan3A_294 : i32
      %get3A_314 = arith.index_cast %add3A_313 : i32 to index
      %get3A_315 = arith.constant 16 : index
      %get3A_316 = tpu.vector_load %arg10[%get3A_314, %get3A_315] {strides = array<i32>} : memref<208x128xf32, #tpu.memory_space<vmem>>, vector<16xf32>,
      %add3A_317 = arith.constant 16 : i32
      %add3A_318 = arith.addi %add3A_317, %scan3A_294 : i32
      %get3A_319 = arith.index_cast %add3A_318 : i32 to index
      %get3A_320 = arith.constant 16 : index
      %get3A_321 = tpu.vector_load %arg10[%get3A_319, %get3A_320] {strides = array<i32>} : memref<208x128xf32, #tpu.memory_space<vmem>>, vector<16xf32>,
      %sub3A_322 = arith.subf %get3A_316, %get3A_321 : vector<16xf32>
      %mul3A_323 = arith.mulf %sub3A_322, %sub3A_322 : vector<16xf32>
      %add3A_324 = arith.addf %add3A_307, %mul3A_323 : vector<16xf32>
      %mul3A_325 = arith.mulf %get3A_316, %get3A_316 : vector<16xf32>
      %add3A_326 = arith.addf %add3A_309, %mul3A_325 : vector<16xf32>
      %mul3A_327 = arith.mulf %get3A_321, %get3A_321 : vector<16xf32>
      %add3A_328 = arith.addf %add3A_311, %mul3A_327 : vector<16xf32>
      %add3A_329 = arith.constant 0 : i32
      %add3A_330 = arith.addi %add3A_329, %scan3A_294 : i32
      %get3A_331 = arith.index_cast %add3A_330 : i32 to index
      %get3A_332 = arith.constant 32 : index
      %get3A_333 = tpu.vector_load %arg10[%get3A_331, %get3A_332] {strides = array<i32>} : memref<208x128xf32, #tpu.memory_space<vmem>>, vector<16xf32>,
      %add3A_334 = arith.constant 16 : i32
      %add3A_335 = arith.addi %add3A_334, %scan3A_294 : i32
      %get3A_336 = arith.index_cast %add3A_335 : i32 to index
      %get3A_337 = arith.constant 32 : index
      %get3A_338 = tpu.vector_load %arg10[%get3A_336, %get3A_337] {strides = array<i32>} : memref<208x128xf32, #tpu.memory_space<vmem>>, vector<16xf32>,
      %sub3A_339 = arith.subf %get3A_333, %get3A_338 : vector<16xf32>
      %mul3A_340 = arith.mulf %sub3A_339, %sub3A_339 : vector<16xf32>
      %add3A_341 = arith.addf %add3A_324, %mul3A_340 : vector<16xf32>
      %mul3A_342 = arith.mulf %get3A_333, %get3A_333 : vector<16xf32>
      %add3A_343 = arith.addf %add3A_326, %mul3A_342 : vector<16xf32>
      %mul3A_344 = arith.mulf %get3A_338, %get3A_338 : vector<16xf32>
      %add3A_345 = arith.addf %add3A_328, %mul3A_344 : vector<16xf32>
      %add3A_346 = arith.constant 0 : i32
      %add3A_347 = arith.addi %add3A_346, %scan3A_294 : i32
      %get3A_348 = arith.index_cast %add3A_347 : i32 to index
      %get3A_349 = arith.constant 48 : index
      %get3A_350 = tpu.vector_load %arg10[%get3A_348, %get3A_349] {strides = array<i32>} : memref<208x128xf32, #tpu.memory_space<vmem>>, vector<16xf32>,
      %add3A_351 = arith.constant 16 : i32
      %add3A_352 = arith.addi %add3A_351, %scan3A_294 : i32
      %get3A_353 = arith.index_cast %add3A_352 : i32 to index
      %get3A_354 = arith.constant 48 : index
      %get3A_355 = tpu.vector_load %arg10[%get3A_353, %get3A_354] {strides = array<i32>} : memref<208x128xf32, #tpu.memory_space<vmem>>, vector<16xf32>,
      %sub3A_356 = arith.subf %get3A_350, %get3A_355 : vector<16xf32>
      %mul3A_357 = arith.mulf %sub3A_356, %sub3A_356 : vector<16xf32>
      %add3A_358 = arith.addf %add3A_341, %mul3A_357 : vector<16xf32>
      %mul3A_359 = arith.mulf %get3A_350, %get3A_350 : vector<16xf32>
      %add3A_360 = arith.addf %add3A_343, %mul3A_359 : vector<16xf32>
      %mul3A_361 = arith.mulf %get3A_355, %get3A_355 : vector<16xf32>
      %add3A_362 = arith.addf %add3A_345, %mul3A_361 : vector<16xf32>
      %add3A_363 = arith.constant 0 : i32
      %add3A_364 = arith.addi %add3A_363, %scan3A_294 : i32
      %get3A_365 = arith.index_cast %add3A_364 : i32 to index
      %get3A_366 = arith.constant 64 : index
      %get3A_367 = tpu.vector_load %arg10[%get3A_365, %get3A_366] {strides = array<i32>} : memref<208x128xf32, #tpu.memory_space<vmem>>, vector<16xf32>,
      %add3A_368 = arith.constant 16 : i32
      %add3A_369 = arith.addi %add3A_368, %scan3A_294 : i32
      %get3A_370 = arith.index_cast %add3A_369 : i32 to index
      %get3A_371 = arith.constant 64 : index
      %get3A_372 = tpu.vector_load %arg10[%get3A_370, %get3A_371] {strides = array<i32>} : memref<208x128xf32, #tpu.memory_space<vmem>>, vector<16xf32>,
      %sub3A_373 = arith.subf %get3A_367, %get3A_372 : vector<16xf32>
      %mul3A_374 = arith.mulf %sub3A_373, %sub3A_373 : vector<16xf32>
      %add3A_375 = arith.addf %add3A_358, %mul3A_374 : vector<16xf32>
      %mul3A_376 = arith.mulf %get3A_367, %get3A_367 : vector<16xf32>
      %add3A_377 = arith.addf %add3A_360, %mul3A_376 : vector<16xf32>
      %mul3A_378 = arith.mulf %get3A_372, %get3A_372 : vector<16xf32>
      %add3A_379 = arith.addf %add3A_362, %mul3A_378 : vector<16xf32>
      %add3A_380 = arith.constant 0 : i32
      %add3A_381 = arith.addi %add3A_380, %scan3A_294 : i32
      %get3A_382 = arith.index_cast %add3A_381 : i32 to index
      %get3A_383 = arith.constant 80 : index
      %get3A_384 = tpu.vector_load %arg10[%get3A_382, %get3A_383] {strides = array<i32>} : memref<208x128xf32, #tpu.memory_space<vmem>>, vector<16xf32>,
      %add3A_385 = arith.constant 16 : i32
      %add3A_386 = arith.addi %add3A_385, %scan3A_294 : i32
      %get3A_387 = arith.index_cast %add3A_386 : i32 to index
      %get3A_388 = arith.constant 80 : index
      %get3A_389 = tpu.vector_load %arg10[%get3A_387, %get3A_388] {strides = array<i32>} : memref<208x128xf32, #tpu.memory_space<vmem>>, vector<16xf32>,
      %sub3A_390 = arith.subf %get3A_384, %get3A_389 : vector<16xf32>
      %mul3A_391 = arith.mulf %sub3A_390, %sub3A_390 : vector<16xf32>
      %add3A_392 = arith.addf %add3A_375, %mul3A_391 : vector<16xf32>
      %mul3A_393 = arith.mulf %get3A_384, %get3A_384 : vector<16xf32>
      %add3A_394 = arith.addf %add3A_377, %mul3A_393 : vector<16xf32>
      %mul3A_395 = arith.mulf %get3A_389, %get3A_389 : vector<16xf32>
      %add3A_396 = arith.addf %add3A_379, %mul3A_395 : vector<16xf32>
      %add3A_397 = arith.constant 0 : i32
      %add3A_398 = arith.addi %add3A_397, %scan3A_294 : i32
      %get3A_399 = arith.index_cast %add3A_398 : i32 to index
      %get3A_400 = arith.constant 96 : index
      %get3A_401 = tpu.vector_load %arg10[%get3A_399, %get3A_400] {strides = array<i32>} : memref<208x128xf32, #tpu.memory_space<vmem>>, vector<16xf32>,
      %add3A_402 = arith.constant 16 : i32
      %add3A_403 = arith.addi %add3A_402, %scan3A_294 : i32
      %get3A_404 = arith.index_cast %add3A_403 : i32 to index
      %get3A_405 = arith.constant 96 : index
      %get3A_406 = tpu.vector_load %arg10[%get3A_404, %get3A_405] {strides = array<i32>} : memref<208x128xf32, #tpu.memory_space<vmem>>, vector<16xf32>,
      %sub3A_407 = arith.subf %get3A_401, %get3A_406 : vector<16xf32>
      %mul3A_408 = arith.mulf %sub3A_407, %sub3A_407 : vector<16xf32>
      %add3A_409 = arith.addf %add3A_392, %mul3A_408 : vector<16xf32>
      %mul3A_410 = arith.mulf %get3A_401, %get3A_401 : vector<16xf32>
      %add3A_411 = arith.addf %add3A_394, %mul3A_410 : vector<16xf32>
      %mul3A_412 = arith.mulf %get3A_406, %get3A_406 : vector<16xf32>
      %add3A_413 = arith.addf %add3A_396, %mul3A_412 : vector<16xf32>
      %add3A_414 = arith.constant 0 : i32
      %add3A_415 = arith.addi %add3A_414, %scan3A_294 : i32
      %get3A_416 = arith.index_cast %add3A_415 : i32 to index
      %get3A_417 = arith.constant 112 : index
      %get3A_418 = tpu.vector_load %arg10[%get3A_416, %get3A_417] {strides = array<i32>} : memref<208x128xf32, #tpu.memory_space<vmem>>, vector<16xf32>,
      %add3A_419 = arith.constant 16 : i32
      %add3A_420 = arith.addi %add3A_419, %scan3A_294 : i32
      %get3A_421 = arith.index_cast %add3A_420 : i32 to index
      %get3A_422 = arith.constant 112 : index
      %get3A_423 = tpu.vector_load %arg10[%get3A_421, %get3A_422] {strides = array<i32>} : memref<208x128xf32, #tpu.memory_space<vmem>>, vector<16xf32>,
      %sub3A_424 = arith.subf %get3A_418, %get3A_423 : vector<16xf32>
      %mul3A_425 = arith.mulf %sub3A_424, %sub3A_424 : vector<16xf32>
      %add3A_426 = arith.addf %add3A_409, %mul3A_425 : vector<16xf32>
      %mul3A_427 = arith.mulf %get3A_418, %get3A_418 : vector<16xf32>
      %add3A_428 = arith.addf %add3A_411, %mul3A_427 : vector<16xf32>
      %mul3A_429 = arith.mulf %get3A_423, %get3A_423 : vector<16xf32>
      %add3A_430 = arith.addf %add3A_413, %mul3A_429 : vector<16xf32>
      %reduce_sum3A = arith.constant true
      %reduce_sum3A_431 = vector.broadcast %reduce_sum3A : i1 to vector<16xi1>
      %reduce_sum3A_432 = tpu.scan <sum>, %add3A_426 masked %reduce_sum3A_431 : vector<16xf32>, vector<16xi1> -> vector<16xf32>
      %reduce_sum3A_433 = vector.extract %reduce_sum3A_432[15] : f32 from vector<16xf32>
      %broadcast_in_dim3A_434 = vector.broadcast %reduce_sum3A_433 : f32 to vector<16xf32>
      %broadcast_in_dim3A_435 = arith.constant 0 : i32
      %broadcast_in_dim3A_436 = vector.broadcast %broadcast_in_dim3A_435 : i32 to vector<16xi32>
      %add3A_437 = vector.broadcast %scan3A_294 : i32 to vector<16xi32>
      %add3A_438 = arith.addi %broadcast_in_dim3A_436, %add3A_437 : vector<16xi32>
      tpu.vector_store_idx %arg12[%add3A_438], %broadcast_in_dim3A_434 masked %eq3A_4 : memref<1024xf32, #tpu.memory_space<vmem>>[vector<16xi32>], vector<16xf32>, vector<16xi1>
      %reduce_sum3A_439 = arith.constant true
      %reduce_sum3A_440 = vector.broadcast %reduce_sum3A_439 : i1 to vector<16xi1>
      %reduce_sum3A_441 = tpu.scan <sum>, %add3A_428 masked %reduce_sum3A_440 : vector<16xf32>, vector<16xi1> -> vector<16xf32>
      %reduce_sum3A_442 = vector.extract %reduce_sum3A_441[15] : f32 from vector<16xf32>
      %broadcast_in_dim3A_443 = vector.broadcast %reduce_sum3A_442 : f32 to vector<16xf32>
      %broadcast_in_dim3A_444 = arith.constant 16 : i32
      %broadcast_in_dim3A_445 = vector.broadcast %broadcast_in_dim3A_444 : i32 to vector<16xi32>
      %add3A_446 = vector.broadcast %scan3A_294 : i32 to vector<16xi32>
      %add3A_447 = arith.addi %broadcast_in_dim3A_445, %add3A_446 : vector<16xi32>
      tpu.vector_store_idx %arg12[%add3A_447], %broadcast_in_dim3A_443 masked %eq3A_4 : memref<1024xf32, #tpu.memory_space<vmem>>[vector<16xi32>], vector<16xf32>, vector<16xi1>
      %reduce_sum3A_448 = arith.constant true
      %reduce_sum3A_449 = vector.broadcast %reduce_sum3A_448 : i1 to vector<16xi1>
      %reduce_sum3A_450 = tpu.scan <sum>, %add3A_430 masked %reduce_sum3A_449 : vector<16xf32>, vector<16xi1> -> vector<16xf32>
      %reduce_sum3A_451 = vector.extract %reduce_sum3A_450[15] : f32 from vector<16xf32>
      %broadcast_in_dim3A_452 = vector.broadcast %reduce_sum3A_451 : f32 to vector<16xf32>
      %broadcast_in_dim3A_453 = arith.constant 32 : i32
      %broadcast_in_dim3A_454 = vector.broadcast %broadcast_in_dim3A_453 : i32 to vector<16xi32>
      %add3A_455 = vector.broadcast %scan3A_294 : i32 to vector<16xi32>
      %add3A_456 = arith.addi %broadcast_in_dim3A_454, %add3A_455 : vector<16xi32>
      tpu.vector_store_idx %arg12[%add3A_456], %broadcast_in_dim3A_452 masked %eq3A_4 : memref<1024xf32, #tpu.memory_space<vmem>>[vector<16xi32>], vector<16xf32>, vector<16xi1>
      %scan3A_457 = arith.constant 0 : i32
      scf.yield %scan3A_457 : i32
    }
    %scan3A_162 = arith.constant 16 : i32
    %get3A = arith.constant 0 : index
    %get3A_163 = tpu.vector_load %arg8[%get3A] {strides = array<i32>} : memref<336xi32, #tpu.memory_space<vmem>>, vector<16xi32>,
    %gather3A_164 = tpu.vector_load_idx %arg9[%get3A_163] : memref<1024xf32, #tpu.memory_space<vmem>>[vector<16xi32>], vector<16xf32>,
    %abs3A = math.absf %gather3A_164 : vector<16xf32>
    %add3A_165 = arith.constant 48 : i32
    %add3A_166 = vector.broadcast %add3A_165 : i32 to vector<16xi32>
    %add3A_167 = arith.addi %iota3A, %add3A_166 : vector<16xi32>
    tpu.vector_store_idx %arg12[%add3A_167], %abs3A : memref<1024xf32, #tpu.memory_space<vmem>>[vector<16xi32>], vector<16xf32>,
    %get3A_168 = arith.constant 16 : index
    %get3A_169 = tpu.vector_load %arg8[%get3A_168] {strides = array<i32>} : memref<336xi32, #tpu.memory_space<vmem>>, vector<16xi32>,
    %gather3A_170 = tpu.vector_load_idx %arg9[%get3A_169] : memref<1024xf32, #tpu.memory_space<vmem>>[vector<16xi32>], vector<16xf32>,
    %abs3A_171 = math.absf %gather3A_170 : vector<16xf32>
    %add3A_172 = arith.constant 64 : i32
    %add3A_173 = vector.broadcast %add3A_172 : i32 to vector<16xi32>
    %add3A_174 = arith.addi %iota3A, %add3A_173 : vector<16xi32>
    tpu.vector_store_idx %arg12[%add3A_174], %abs3A_171 : memref<1024xf32, #tpu.memory_space<vmem>>[vector<16xi32>], vector<16xf32>,
    %scan3A_175 = arith.constant 0 : i32
    %scan3A_176 = arith.constant 0 : i32
    %scan3A_177 = arith.constant 16 : i32
    %scan3A_178 = arith.addi %scan3A_176, %scan3A_177 : i32
    %scan3A_179 = arith.constant 1 : i32
    %scan3A_180 = scf.for %scan3A_294 = %scan3A_176 to %scan3A_178 step %scan3A_179 iter_args(%scan3A_295 = %scan3A_175) -> (i32)  : i32 {
      %add3A_296 = arith.constant 144 : i32
      %add3A_297 = arith.addi %add3A_296, %scan3A_294 : i32
      %get3A_298 = arith.index_cast %add3A_297 : i32 to index
      %get3A_299 = arith.constant 0 : index
      %get3A_300 = tpu.vector_load %arg10[%get3A_298, %get3A_299] {strides = array<i32>} : memref<208x128xf32, #tpu.memory_space<vmem>>, vector<16xf32>,
      %add3A_301 = arith.constant 160 : i32
      %add3A_302 = arith.addi %add3A_301, %scan3A_294 : i32
      %get3A_303 = arith.index_cast %add3A_302 : i32 to index
      %get3A_304 = arith.constant 0 : index
      %get3A_305 = tpu.vector_load %arg10[%get3A_303, %get3A_304] {strides = array<i32>} : memref<208x128xf32, #tpu.memory_space<vmem>>, vector<16xf32>,
      %sub3A = arith.subf %get3A_300, %get3A_305 : vector<16xf32>
      %mul3A_306 = arith.mulf %sub3A, %sub3A : vector<16xf32>
      %add3A_307 = arith.addf %broadcast_in_dim3A_156, %mul3A_306 : vector<16xf32>
      %mul3A_308 = arith.mulf %get3A_300, %get3A_300 : vector<16xf32>
      %add3A_309 = arith.addf %broadcast_in_dim3A_156, %mul3A_308 : vector<16xf32>
      %mul3A_310 = arith.mulf %get3A_305, %get3A_305 : vector<16xf32>
      %add3A_311 = arith.addf %broadcast_in_dim3A_156, %mul3A_310 : vector<16xf32>
      %add3A_312 = arith.constant 144 : i32
      %add3A_313 = arith.addi %add3A_312, %scan3A_294 : i32
      %get3A_314 = arith.index_cast %add3A_313 : i32 to index
      %get3A_315 = arith.constant 16 : index
      %get3A_316 = tpu.vector_load %arg10[%get3A_314, %get3A_315] {strides = array<i32>} : memref<208x128xf32, #tpu.memory_space<vmem>>, vector<16xf32>,
      %add3A_317 = arith.constant 160 : i32
      %add3A_318 = arith.addi %add3A_317, %scan3A_294 : i32
      %get3A_319 = arith.index_cast %add3A_318 : i32 to index
      %get3A_320 = arith.constant 16 : index
      %get3A_321 = tpu.vector_load %arg10[%get3A_319, %get3A_320] {strides = array<i32>} : memref<208x128xf32, #tpu.memory_space<vmem>>, vector<16xf32>,
      %sub3A_322 = arith.subf %get3A_316, %get3A_321 : vector<16xf32>
      %mul3A_323 = arith.mulf %sub3A_322, %sub3A_322 : vector<16xf32>
      %add3A_324 = arith.addf %add3A_307, %mul3A_323 : vector<16xf32>
      %mul3A_325 = arith.mulf %get3A_316, %get3A_316 : vector<16xf32>
      %add3A_326 = arith.addf %add3A_309, %mul3A_325 : vector<16xf32>
      %mul3A_327 = arith.mulf %get3A_321, %get3A_321 : vector<16xf32>
      %add3A_328 = arith.addf %add3A_311, %mul3A_327 : vector<16xf32>
      %add3A_329 = arith.constant 144 : i32
      %add3A_330 = arith.addi %add3A_329, %scan3A_294 : i32
      %get3A_331 = arith.index_cast %add3A_330 : i32 to index
      %get3A_332 = arith.constant 32 : index
      %get3A_333 = tpu.vector_load %arg10[%get3A_331, %get3A_332] {strides = array<i32>} : memref<208x128xf32, #tpu.memory_space<vmem>>, vector<16xf32>,
      %add3A_334 = arith.constant 160 : i32
      %add3A_335 = arith.addi %add3A_334, %scan3A_294 : i32
      %get3A_336 = arith.index_cast %add3A_335 : i32 to index
      %get3A_337 = arith.constant 32 : index
      %get3A_338 = tpu.vector_load %arg10[%get3A_336, %get3A_337] {strides = array<i32>} : memref<208x128xf32, #tpu.memory_space<vmem>>, vector<16xf32>,
      %sub3A_339 = arith.subf %get3A_333, %get3A_338 : vector<16xf32>
      %mul3A_340 = arith.mulf %sub3A_339, %sub3A_339 : vector<16xf32>
      %add3A_341 = arith.addf %add3A_324, %mul3A_340 : vector<16xf32>
      %mul3A_342 = arith.mulf %get3A_333, %get3A_333 : vector<16xf32>
      %add3A_343 = arith.addf %add3A_326, %mul3A_342 : vector<16xf32>
      %mul3A_344 = arith.mulf %get3A_338, %get3A_338 : vector<16xf32>
      %add3A_345 = arith.addf %add3A_328, %mul3A_344 : vector<16xf32>
      %add3A_346 = arith.constant 144 : i32
      %add3A_347 = arith.addi %add3A_346, %scan3A_294 : i32
      %get3A_348 = arith.index_cast %add3A_347 : i32 to index
      %get3A_349 = arith.constant 48 : index
      %get3A_350 = tpu.vector_load %arg10[%get3A_348, %get3A_349] {strides = array<i32>} : memref<208x128xf32, #tpu.memory_space<vmem>>, vector<16xf32>,
      %add3A_351 = arith.constant 160 : i32
      %add3A_352 = arith.addi %add3A_351, %scan3A_294 : i32
      %get3A_353 = arith.index_cast %add3A_352 : i32 to index
      %get3A_354 = arith.constant 48 : index
      %get3A_355 = tpu.vector_load %arg10[%get3A_353, %get3A_354] {strides = array<i32>} : memref<208x128xf32, #tpu.memory_space<vmem>>, vector<16xf32>,
      %sub3A_356 = arith.subf %get3A_350, %get3A_355 : vector<16xf32>
      %mul3A_357 = arith.mulf %sub3A_356, %sub3A_356 : vector<16xf32>
      %add3A_358 = arith.addf %add3A_341, %mul3A_357 : vector<16xf32>
      %mul3A_359 = arith.mulf %get3A_350, %get3A_350 : vector<16xf32>
      %add3A_360 = arith.addf %add3A_343, %mul3A_359 : vector<16xf32>
      %mul3A_361 = arith.mulf %get3A_355, %get3A_355 : vector<16xf32>
      %add3A_362 = arith.addf %add3A_345, %mul3A_361 : vector<16xf32>
      %add3A_363 = arith.constant 144 : i32
      %add3A_364 = arith.addi %add3A_363, %scan3A_294 : i32
      %get3A_365 = arith.index_cast %add3A_364 : i32 to index
      %get3A_366 = arith.constant 64 : index
      %get3A_367 = tpu.vector_load %arg10[%get3A_365, %get3A_366] {strides = array<i32>} : memref<208x128xf32, #tpu.memory_space<vmem>>, vector<16xf32>,
      %add3A_368 = arith.constant 160 : i32
      %add3A_369 = arith.addi %add3A_368, %scan3A_294 : i32
      %get3A_370 = arith.index_cast %add3A_369 : i32 to index
      %get3A_371 = arith.constant 64 : index
      %get3A_372 = tpu.vector_load %arg10[%get3A_370, %get3A_371] {strides = array<i32>} : memref<208x128xf32, #tpu.memory_space<vmem>>, vector<16xf32>,
      %sub3A_373 = arith.subf %get3A_367, %get3A_372 : vector<16xf32>
      %mul3A_374 = arith.mulf %sub3A_373, %sub3A_373 : vector<16xf32>
      %add3A_375 = arith.addf %add3A_358, %mul3A_374 : vector<16xf32>
      %mul3A_376 = arith.mulf %get3A_367, %get3A_367 : vector<16xf32>
      %add3A_377 = arith.addf %add3A_360, %mul3A_376 : vector<16xf32>
      %mul3A_378 = arith.mulf %get3A_372, %get3A_372 : vector<16xf32>
      %add3A_379 = arith.addf %add3A_362, %mul3A_378 : vector<16xf32>
      %add3A_380 = arith.constant 144 : i32
      %add3A_381 = arith.addi %add3A_380, %scan3A_294 : i32
      %get3A_382 = arith.index_cast %add3A_381 : i32 to index
      %get3A_383 = arith.constant 80 : index
      %get3A_384 = tpu.vector_load %arg10[%get3A_382, %get3A_383] {strides = array<i32>} : memref<208x128xf32, #tpu.memory_space<vmem>>, vector<16xf32>,
      %add3A_385 = arith.constant 160 : i32
      %add3A_386 = arith.addi %add3A_385, %scan3A_294 : i32
      %get3A_387 = arith.index_cast %add3A_386 : i32 to index
      %get3A_388 = arith.constant 80 : index
      %get3A_389 = tpu.vector_load %arg10[%get3A_387, %get3A_388] {strides = array<i32>} : memref<208x128xf32, #tpu.memory_space<vmem>>, vector<16xf32>,
      %sub3A_390 = arith.subf %get3A_384, %get3A_389 : vector<16xf32>
      %mul3A_391 = arith.mulf %sub3A_390, %sub3A_390 : vector<16xf32>
      %add3A_392 = arith.addf %add3A_375, %mul3A_391 : vector<16xf32>
      %mul3A_393 = arith.mulf %get3A_384, %get3A_384 : vector<16xf32>
      %add3A_394 = arith.addf %add3A_377, %mul3A_393 : vector<16xf32>
      %mul3A_395 = arith.mulf %get3A_389, %get3A_389 : vector<16xf32>
      %add3A_396 = arith.addf %add3A_379, %mul3A_395 : vector<16xf32>
      %add3A_397 = arith.constant 144 : i32
      %add3A_398 = arith.addi %add3A_397, %scan3A_294 : i32
      %get3A_399 = arith.index_cast %add3A_398 : i32 to index
      %get3A_400 = arith.constant 96 : index
      %get3A_401 = tpu.vector_load %arg10[%get3A_399, %get3A_400] {strides = array<i32>} : memref<208x128xf32, #tpu.memory_space<vmem>>, vector<16xf32>,
      %add3A_402 = arith.constant 160 : i32
      %add3A_403 = arith.addi %add3A_402, %scan3A_294 : i32
      %get3A_404 = arith.index_cast %add3A_403 : i32 to index
      %get3A_405 = arith.constant 96 : index
      %get3A_406 = tpu.vector_load %arg10[%get3A_404, %get3A_405] {strides = array<i32>} : memref<208x128xf32, #tpu.memory_space<vmem>>, vector<16xf32>,
      %sub3A_407 = arith.subf %get3A_401, %get3A_406 : vector<16xf32>
      %mul3A_408 = arith.mulf %sub3A_407, %sub3A_407 : vector<16xf32>
      %add3A_409 = arith.addf %add3A_392, %mul3A_408 : vector<16xf32>
      %mul3A_410 = arith.mulf %get3A_401, %get3A_401 : vector<16xf32>
      %add3A_411 = arith.addf %add3A_394, %mul3A_410 : vector<16xf32>
      %mul3A_412 = arith.mulf %get3A_406, %get3A_406 : vector<16xf32>
      %add3A_413 = arith.addf %add3A_396, %mul3A_412 : vector<16xf32>
      %add3A_414 = arith.constant 144 : i32
      %add3A_415 = arith.addi %add3A_414, %scan3A_294 : i32
      %get3A_416 = arith.index_cast %add3A_415 : i32 to index
      %get3A_417 = arith.constant 112 : index
      %get3A_418 = tpu.vector_load %arg10[%get3A_416, %get3A_417] {strides = array<i32>} : memref<208x128xf32, #tpu.memory_space<vmem>>, vector<16xf32>,
      %add3A_419 = arith.constant 160 : i32
      %add3A_420 = arith.addi %add3A_419, %scan3A_294 : i32
      %get3A_421 = arith.index_cast %add3A_420 : i32 to index
      %get3A_422 = arith.constant 112 : index
      %get3A_423 = tpu.vector_load %arg10[%get3A_421, %get3A_422] {strides = array<i32>} : memref<208x128xf32, #tpu.memory_space<vmem>>, vector<16xf32>,
      %sub3A_424 = arith.subf %get3A_418, %get3A_423 : vector<16xf32>
      %mul3A_425 = arith.mulf %sub3A_424, %sub3A_424 : vector<16xf32>
      %add3A_426 = arith.addf %add3A_409, %mul3A_425 : vector<16xf32>
      %mul3A_427 = arith.mulf %get3A_418, %get3A_418 : vector<16xf32>
      %add3A_428 = arith.addf %add3A_411, %mul3A_427 : vector<16xf32>
      %mul3A_429 = arith.mulf %get3A_423, %get3A_423 : vector<16xf32>
      %add3A_430 = arith.addf %add3A_413, %mul3A_429 : vector<16xf32>
      %reduce_sum3A = arith.constant true
      %reduce_sum3A_431 = vector.broadcast %reduce_sum3A : i1 to vector<16xi1>
      %reduce_sum3A_432 = tpu.scan <sum>, %add3A_426 masked %reduce_sum3A_431 : vector<16xf32>, vector<16xi1> -> vector<16xf32>
      %reduce_sum3A_433 = vector.extract %reduce_sum3A_432[15] : f32 from vector<16xf32>
      %broadcast_in_dim3A_434 = vector.broadcast %reduce_sum3A_433 : f32 to vector<16xf32>
      %broadcast_in_dim3A_435 = arith.constant 512 : i32
      %broadcast_in_dim3A_436 = vector.broadcast %broadcast_in_dim3A_435 : i32 to vector<16xi32>
      %add3A_437 = vector.broadcast %scan3A_294 : i32 to vector<16xi32>
      %add3A_438 = arith.addi %broadcast_in_dim3A_436, %add3A_437 : vector<16xi32>
      tpu.vector_store_idx %arg12[%add3A_438], %broadcast_in_dim3A_434 masked %eq3A_4 : memref<1024xf32, #tpu.memory_space<vmem>>[vector<16xi32>], vector<16xf32>, vector<16xi1>
      %reduce_sum3A_439 = arith.constant true
      %reduce_sum3A_440 = vector.broadcast %reduce_sum3A_439 : i1 to vector<16xi1>
      %reduce_sum3A_441 = tpu.scan <sum>, %add3A_428 masked %reduce_sum3A_440 : vector<16xf32>, vector<16xi1> -> vector<16xf32>
      %reduce_sum3A_442 = vector.extract %reduce_sum3A_441[15] : f32 from vector<16xf32>
      %broadcast_in_dim3A_443 = vector.broadcast %reduce_sum3A_442 : f32 to vector<16xf32>
      %broadcast_in_dim3A_444 = arith.constant 528 : i32
      %broadcast_in_dim3A_445 = vector.broadcast %broadcast_in_dim3A_444 : i32 to vector<16xi32>
      %add3A_446 = vector.broadcast %scan3A_294 : i32 to vector<16xi32>
      %add3A_447 = arith.addi %broadcast_in_dim3A_445, %add3A_446 : vector<16xi32>
      tpu.vector_store_idx %arg12[%add3A_447], %broadcast_in_dim3A_443 masked %eq3A_4 : memref<1024xf32, #tpu.memory_space<vmem>>[vector<16xi32>], vector<16xf32>, vector<16xi1>
      %reduce_sum3A_448 = arith.constant true
      %reduce_sum3A_449 = vector.broadcast %reduce_sum3A_448 : i1 to vector<16xi1>
      %reduce_sum3A_450 = tpu.scan <sum>, %add3A_430 masked %reduce_sum3A_449 : vector<16xf32>, vector<16xi1> -> vector<16xf32>
      %reduce_sum3A_451 = vector.extract %reduce_sum3A_450[15] : f32 from vector<16xf32>
      %broadcast_in_dim3A_452 = vector.broadcast %reduce_sum3A_451 : f32 to vector<16xf32>
      %broadcast_in_dim3A_453 = arith.constant 544 : i32
      %broadcast_in_dim3A_454 = vector.broadcast %broadcast_in_dim3A_453 : i32 to vector<16xi32>
      %add3A_455 = vector.broadcast %scan3A_294 : i32 to vector<16xi32>
      %add3A_456 = arith.addi %broadcast_in_dim3A_454, %add3A_455 : vector<16xi32>
      tpu.vector_store_idx %arg12[%add3A_456], %broadcast_in_dim3A_452 masked %eq3A_4 : memref<1024xf32, #tpu.memory_space<vmem>>[vector<16xi32>], vector<16xf32>, vector<16xi1>
      %scan3A_457 = arith.constant 0 : i32
      scf.yield %scan3A_457 : i32
    }
    %scan3A_181 = arith.constant 16 : i32
    %get3A_182 = arith.constant 144 : index
    %get3A_183 = tpu.vector_load %arg8[%get3A_182] {strides = array<i32>} : memref<336xi32, #tpu.memory_space<vmem>>, vector<16xi32>,
    %gather3A_184 = tpu.vector_load_idx %arg9[%get3A_183] : memref<1024xf32, #tpu.memory_space<vmem>>[vector<16xi32>], vector<16xf32>,
    %abs3A_185 = math.absf %gather3A_184 : vector<16xf32>
    %add3A_186 = arith.constant 560 : i32
    %add3A_187 = vector.broadcast %add3A_186 : i32 to vector<16xi32>
    %add3A_188 = arith.addi %iota3A, %add3A_187 : vector<16xi32>
    tpu.vector_store_idx %arg12[%add3A_188], %abs3A_185 : memref<1024xf32, #tpu.memory_space<vmem>>[vector<16xi32>], vector<16xf32>,
    %get3A_189 = arith.constant 160 : index
    %get3A_190 = tpu.vector_load %arg8[%get3A_189] {strides = array<i32>} : memref<336xi32, #tpu.memory_space<vmem>>, vector<16xi32>,
    %gather3A_191 = tpu.vector_load_idx %arg9[%get3A_190] : memref<1024xf32, #tpu.memory_space<vmem>>[vector<16xi32>], vector<16xf32>,
    %abs3A_192 = math.absf %gather3A_191 : vector<16xf32>
    %add3A_193 = arith.constant 576 : i32
    %add3A_194 = vector.broadcast %add3A_193 : i32 to vector<16xi32>
    %add3A_195 = arith.addi %iota3A, %add3A_194 : vector<16xi32>
    tpu.vector_store_idx %arg12[%add3A_195], %abs3A_192 : memref<1024xf32, #tpu.memory_space<vmem>>[vector<16xi32>], vector<16xf32>,
    %scan3A_196 = arith.constant 0 : i32
    %scan3A_197 = arith.constant 0 : i32
    %scan3A_198 = arith.constant 16 : i32
    %scan3A_199 = arith.addi %scan3A_197, %scan3A_198 : i32
    %scan3A_200 = arith.constant 1 : i32
    %scan3A_201 = scf.for %scan3A_294 = %scan3A_197 to %scan3A_199 step %scan3A_200 iter_args(%scan3A_295 = %scan3A_196) -> (i32)  : i32 {
      %add3A_296 = arith.constant 32 : i32
      %add3A_297 = arith.addi %add3A_296, %scan3A_294 : i32
      %get3A_298 = arith.index_cast %add3A_297 : i32 to index
      %get3A_299 = arith.constant 0 : index
      %get3A_300 = tpu.vector_load %arg10[%get3A_298, %get3A_299] {strides = array<i32>} : memref<208x128xf32, #tpu.memory_space<vmem>>, vector<16xf32>,
      %add3A_301 = arith.constant 48 : i32
      %add3A_302 = arith.addi %add3A_301, %scan3A_294 : i32
      %get3A_303 = arith.index_cast %add3A_302 : i32 to index
      %get3A_304 = arith.constant 0 : index
      %get3A_305 = tpu.vector_load %arg10[%get3A_303, %get3A_304] {strides = array<i32>} : memref<208x128xf32, #tpu.memory_space<vmem>>, vector<16xf32>,
      %add3A_306 = arith.constant 64 : i32
      %add3A_307 = arith.addi %add3A_306, %scan3A_294 : i32
      %get3A_308 = arith.index_cast %add3A_307 : i32 to index
      %get3A_309 = arith.constant 0 : index
      %get3A_310 = tpu.vector_load %arg10[%get3A_308, %get3A_309] {strides = array<i32>} : memref<208x128xf32, #tpu.memory_space<vmem>>, vector<16xf32>,
      %sub3A = arith.subf %get3A_305, %get3A_300 : vector<16xf32>
      %sub3A_311 = arith.subf %get3A_310, %get3A_300 : vector<16xf32>
      %sub3A_312 = arith.subf %get3A_310, %get3A_305 : vector<16xf32>
      %mul3A_313 = arith.mulf %sub3A, %sub3A : vector<16xf32>
      %add3A_314 = arith.addf %broadcast_in_dim3A_156, %mul3A_313 : vector<16xf32>
      %mul3A_315 = arith.mulf %sub3A_311, %sub3A_311 : vector<16xf32>
      %add3A_316 = arith.addf %broadcast_in_dim3A_156, %mul3A_315 : vector<16xf32>
      %mul3A_317 = arith.mulf %sub3A_312, %sub3A_312 : vector<16xf32>
      %add3A_318 = arith.addf %broadcast_in_dim3A_156, %mul3A_317 : vector<16xf32>
      %mul3A_319 = arith.mulf %get3A_300, %get3A_300 : vector<16xf32>
      %add3A_320 = arith.addf %broadcast_in_dim3A_156, %mul3A_319 : vector<16xf32>
      %mul3A_321 = arith.mulf %get3A_305, %get3A_305 : vector<16xf32>
      %add3A_322 = arith.addf %broadcast_in_dim3A_156, %mul3A_321 : vector<16xf32>
      %mul3A_323 = arith.mulf %get3A_310, %get3A_310 : vector<16xf32>
      %add3A_324 = arith.addf %broadcast_in_dim3A_156, %mul3A_323 : vector<16xf32>
      %add3A_325 = arith.constant 32 : i32
      %add3A_326 = arith.addi %add3A_325, %scan3A_294 : i32
      %get3A_327 = arith.index_cast %add3A_326 : i32 to index
      %get3A_328 = arith.constant 16 : index
      %get3A_329 = tpu.vector_load %arg10[%get3A_327, %get3A_328] {strides = array<i32>} : memref<208x128xf32, #tpu.memory_space<vmem>>, vector<16xf32>,
      %add3A_330 = arith.constant 48 : i32
      %add3A_331 = arith.addi %add3A_330, %scan3A_294 : i32
      %get3A_332 = arith.index_cast %add3A_331 : i32 to index
      %get3A_333 = arith.constant 16 : index
      %get3A_334 = tpu.vector_load %arg10[%get3A_332, %get3A_333] {strides = array<i32>} : memref<208x128xf32, #tpu.memory_space<vmem>>, vector<16xf32>,
      %add3A_335 = arith.constant 64 : i32
      %add3A_336 = arith.addi %add3A_335, %scan3A_294 : i32
      %get3A_337 = arith.index_cast %add3A_336 : i32 to index
      %get3A_338 = arith.constant 16 : index
      %get3A_339 = tpu.vector_load %arg10[%get3A_337, %get3A_338] {strides = array<i32>} : memref<208x128xf32, #tpu.memory_space<vmem>>, vector<16xf32>,
      %sub3A_340 = arith.subf %get3A_334, %get3A_329 : vector<16xf32>
      %sub3A_341 = arith.subf %get3A_339, %get3A_329 : vector<16xf32>
      %sub3A_342 = arith.subf %get3A_339, %get3A_334 : vector<16xf32>
      %mul3A_343 = arith.mulf %sub3A_340, %sub3A_340 : vector<16xf32>
      %add3A_344 = arith.addf %add3A_314, %mul3A_343 : vector<16xf32>
      %mul3A_345 = arith.mulf %sub3A_341, %sub3A_341 : vector<16xf32>
      %add3A_346 = arith.addf %add3A_316, %mul3A_345 : vector<16xf32>
      %mul3A_347 = arith.mulf %sub3A_342, %sub3A_342 : vector<16xf32>
      %add3A_348 = arith.addf %add3A_318, %mul3A_347 : vector<16xf32>
      %mul3A_349 = arith.mulf %get3A_329, %get3A_329 : vector<16xf32>
      %add3A_350 = arith.addf %add3A_320, %mul3A_349 : vector<16xf32>
      %mul3A_351 = arith.mulf %get3A_334, %get3A_334 : vector<16xf32>
      %add3A_352 = arith.addf %add3A_322, %mul3A_351 : vector<16xf32>
      %mul3A_353 = arith.mulf %get3A_339, %get3A_339 : vector<16xf32>
      %add3A_354 = arith.addf %add3A_324, %mul3A_353 : vector<16xf32>
      %add3A_355 = arith.constant 32 : i32
      %add3A_356 = arith.addi %add3A_355, %scan3A_294 : i32
      %get3A_357 = arith.index_cast %add3A_356 : i32 to index
      %get3A_358 = arith.constant 32 : index
      %get3A_359 = tpu.vector_load %arg10[%get3A_357, %get3A_358] {strides = array<i32>} : memref<208x128xf32, #tpu.memory_space<vmem>>, vector<16xf32>,
      %add3A_360 = arith.constant 48 : i32
      %add3A_361 = arith.addi %add3A_360, %scan3A_294 : i32
      %get3A_362 = arith.index_cast %add3A_361 : i32 to index
      %get3A_363 = arith.constant 32 : index
      %get3A_364 = tpu.vector_load %arg10[%get3A_362, %get3A_363] {strides = array<i32>} : memref<208x128xf32, #tpu.memory_space<vmem>>, vector<16xf32>,
      %add3A_365 = arith.constant 64 : i32
      %add3A_366 = arith.addi %add3A_365, %scan3A_294 : i32
      %get3A_367 = arith.index_cast %add3A_366 : i32 to index
      %get3A_368 = arith.constant 32 : index
      %get3A_369 = tpu.vector_load %arg10[%get3A_367, %get3A_368] {strides = array<i32>} : memref<208x128xf32, #tpu.memory_space<vmem>>, vector<16xf32>,
      %sub3A_370 = arith.subf %get3A_364, %get3A_359 : vector<16xf32>
      %sub3A_371 = arith.subf %get3A_369, %get3A_359 : vector<16xf32>
      %sub3A_372 = arith.subf %get3A_369, %get3A_364 : vector<16xf32>
      %mul3A_373 = arith.mulf %sub3A_370, %sub3A_370 : vector<16xf32>
      %add3A_374 = arith.addf %add3A_344, %mul3A_373 : vector<16xf32>
      %mul3A_375 = arith.mulf %sub3A_371, %sub3A_371 : vector<16xf32>
      %add3A_376 = arith.addf %add3A_346, %mul3A_375 : vector<16xf32>
      %mul3A_377 = arith.mulf %sub3A_372, %sub3A_372 : vector<16xf32>
      %add3A_378 = arith.addf %add3A_348, %mul3A_377 : vector<16xf32>
      %mul3A_379 = arith.mulf %get3A_359, %get3A_359 : vector<16xf32>
      %add3A_380 = arith.addf %add3A_350, %mul3A_379 : vector<16xf32>
      %mul3A_381 = arith.mulf %get3A_364, %get3A_364 : vector<16xf32>
      %add3A_382 = arith.addf %add3A_352, %mul3A_381 : vector<16xf32>
      %mul3A_383 = arith.mulf %get3A_369, %get3A_369 : vector<16xf32>
      %add3A_384 = arith.addf %add3A_354, %mul3A_383 : vector<16xf32>
      %add3A_385 = arith.constant 32 : i32
      %add3A_386 = arith.addi %add3A_385, %scan3A_294 : i32
      %get3A_387 = arith.index_cast %add3A_386 : i32 to index
      %get3A_388 = arith.constant 48 : index
      %get3A_389 = tpu.vector_load %arg10[%get3A_387, %get3A_388] {strides = array<i32>} : memref<208x128xf32, #tpu.memory_space<vmem>>, vector<16xf32>,
      %add3A_390 = arith.constant 48 : i32
      %add3A_391 = arith.addi %add3A_390, %scan3A_294 : i32
      %get3A_392 = arith.index_cast %add3A_391 : i32 to index
      %get3A_393 = arith.constant 48 : index
      %get3A_394 = tpu.vector_load %arg10[%get3A_392, %get3A_393] {strides = array<i32>} : memref<208x128xf32, #tpu.memory_space<vmem>>, vector<16xf32>,
      %add3A_395 = arith.constant 64 : i32
      %add3A_396 = arith.addi %add3A_395, %scan3A_294 : i32
      %get3A_397 = arith.index_cast %add3A_396 : i32 to index
      %get3A_398 = arith.constant 48 : index
      %get3A_399 = tpu.vector_load %arg10[%get3A_397, %get3A_398] {strides = array<i32>} : memref<208x128xf32, #tpu.memory_space<vmem>>, vector<16xf32>,
      %sub3A_400 = arith.subf %get3A_394, %get3A_389 : vector<16xf32>
      %sub3A_401 = arith.subf %get3A_399, %get3A_389 : vector<16xf32>
      %sub3A_402 = arith.subf %get3A_399, %get3A_394 : vector<16xf32>
      %mul3A_403 = arith.mulf %sub3A_400, %sub3A_400 : vector<16xf32>
      %add3A_404 = arith.addf %add3A_374, %mul3A_403 : vector<16xf32>
      %mul3A_405 = arith.mulf %sub3A_401, %sub3A_401 : vector<16xf32>
      %add3A_406 = arith.addf %add3A_376, %mul3A_405 : vector<16xf32>
      %mul3A_407 = arith.mulf %sub3A_402, %sub3A_402 : vector<16xf32>
      %add3A_408 = arith.addf %add3A_378, %mul3A_407 : vector<16xf32>
      %mul3A_409 = arith.mulf %get3A_389, %get3A_389 : vector<16xf32>
      %add3A_410 = arith.addf %add3A_380, %mul3A_409 : vector<16xf32>
      %mul3A_411 = arith.mulf %get3A_394, %get3A_394 : vector<16xf32>
      %add3A_412 = arith.addf %add3A_382, %mul3A_411 : vector<16xf32>
      %mul3A_413 = arith.mulf %get3A_399, %get3A_399 : vector<16xf32>
      %add3A_414 = arith.addf %add3A_384, %mul3A_413 : vector<16xf32>
      %add3A_415 = arith.constant 32 : i32
      %add3A_416 = arith.addi %add3A_415, %scan3A_294 : i32
      %get3A_417 = arith.index_cast %add3A_416 : i32 to index
      %get3A_418 = arith.constant 64 : index
      %get3A_419 = tpu.vector_load %arg10[%get3A_417, %get3A_418] {strides = array<i32>} : memref<208x128xf32, #tpu.memory_space<vmem>>, vector<16xf32>,
      %add3A_420 = arith.constant 48 : i32
      %add3A_421 = arith.addi %add3A_420, %scan3A_294 : i32
      %get3A_422 = arith.index_cast %add3A_421 : i32 to index
      %get3A_423 = arith.constant 64 : index
      %get3A_424 = tpu.vector_load %arg10[%get3A_422, %get3A_423] {strides = array<i32>} : memref<208x128xf32, #tpu.memory_space<vmem>>, vector<16xf32>,
      %add3A_425 = arith.constant 64 : i32
      %add3A_426 = arith.addi %add3A_425, %scan3A_294 : i32
      %get3A_427 = arith.index_cast %add3A_426 : i32 to index
      %get3A_428 = arith.constant 64 : index
      %get3A_429 = tpu.vector_load %arg10[%get3A_427, %get3A_428] {strides = array<i32>} : memref<208x128xf32, #tpu.memory_space<vmem>>, vector<16xf32>,
      %sub3A_430 = arith.subf %get3A_424, %get3A_419 : vector<16xf32>
      %sub3A_431 = arith.subf %get3A_429, %get3A_419 : vector<16xf32>
      %sub3A_432 = arith.subf %get3A_429, %get3A_424 : vector<16xf32>
      %mul3A_433 = arith.mulf %sub3A_430, %sub3A_430 : vector<16xf32>
      %add3A_434 = arith.addf %add3A_404, %mul3A_433 : vector<16xf32>
      %mul3A_435 = arith.mulf %sub3A_431, %sub3A_431 : vector<16xf32>
      %add3A_436 = arith.addf %add3A_406, %mul3A_435 : vector<16xf32>
      %mul3A_437 = arith.mulf %sub3A_432, %sub3A_432 : vector<16xf32>
      %add3A_438 = arith.addf %add3A_408, %mul3A_437 : vector<16xf32>
      %mul3A_439 = arith.mulf %get3A_419, %get3A_419 : vector<16xf32>
      %add3A_440 = arith.addf %add3A_410, %mul3A_439 : vector<16xf32>
      %mul3A_441 = arith.mulf %get3A_424, %get3A_424 : vector<16xf32>
      %add3A_442 = arith.addf %add3A_412, %mul3A_441 : vector<16xf32>
      %mul3A_443 = arith.mulf %get3A_429, %get3A_429 : vector<16xf32>
      %add3A_444 = arith.addf %add3A_414, %mul3A_443 : vector<16xf32>
      %add3A_445 = arith.constant 32 : i32
      %add3A_446 = arith.addi %add3A_445, %scan3A_294 : i32
      %get3A_447 = arith.index_cast %add3A_446 : i32 to index
      %get3A_448 = arith.constant 80 : index
      %get3A_449 = tpu.vector_load %arg10[%get3A_447, %get3A_448] {strides = array<i32>} : memref<208x128xf32, #tpu.memory_space<vmem>>, vector<16xf32>,
      %add3A_450 = arith.constant 48 : i32
      %add3A_451 = arith.addi %add3A_450, %scan3A_294 : i32
      %get3A_452 = arith.index_cast %add3A_451 : i32 to index
      %get3A_453 = arith.constant 80 : index
      %get3A_454 = tpu.vector_load %arg10[%get3A_452, %get3A_453] {strides = array<i32>} : memref<208x128xf32, #tpu.memory_space<vmem>>, vector<16xf32>,
      %add3A_455 = arith.constant 64 : i32
      %add3A_456 = arith.addi %add3A_455, %scan3A_294 : i32
      %get3A_457 = arith.index_cast %add3A_456 : i32 to index
      %get3A_458 = arith.constant 80 : index
      %get3A_459 = tpu.vector_load %arg10[%get3A_457, %get3A_458] {strides = array<i32>} : memref<208x128xf32, #tpu.memory_space<vmem>>, vector<16xf32>,
      %sub3A_460 = arith.subf %get3A_454, %get3A_449 : vector<16xf32>
      %sub3A_461 = arith.subf %get3A_459, %get3A_449 : vector<16xf32>
      %sub3A_462 = arith.subf %get3A_459, %get3A_454 : vector<16xf32>
      %mul3A_463 = arith.mulf %sub3A_460, %sub3A_460 : vector<16xf32>
      %add3A_464 = arith.addf %add3A_434, %mul3A_463 : vector<16xf32>
      %mul3A_465 = arith.mulf %sub3A_461, %sub3A_461 : vector<16xf32>
      %add3A_466 = arith.addf %add3A_436, %mul3A_465 : vector<16xf32>
      %mul3A_467 = arith.mulf %sub3A_462, %sub3A_462 : vector<16xf32>
      %add3A_468 = arith.addf %add3A_438, %mul3A_467 : vector<16xf32>
      %mul3A_469 = arith.mulf %get3A_449, %get3A_449 : vector<16xf32>
      %add3A_470 = arith.addf %add3A_440, %mul3A_469 : vector<16xf32>
      %mul3A_471 = arith.mulf %get3A_454, %get3A_454 : vector<16xf32>
      %add3A_472 = arith.addf %add3A_442, %mul3A_471 : vector<16xf32>
      %mul3A_473 = arith.mulf %get3A_459, %get3A_459 : vector<16xf32>
      %add3A_474 = arith.addf %add3A_444, %mul3A_473 : vector<16xf32>
      %add3A_475 = arith.constant 32 : i32
      %add3A_476 = arith.addi %add3A_475, %scan3A_294 : i32
      %get3A_477 = arith.index_cast %add3A_476 : i32 to index
      %get3A_478 = arith.constant 96 : index
      %get3A_479 = tpu.vector_load %arg10[%get3A_477, %get3A_478] {strides = array<i32>} : memref<208x128xf32, #tpu.memory_space<vmem>>, vector<16xf32>,
      %add3A_480 = arith.constant 48 : i32
      %add3A_481 = arith.addi %add3A_480, %scan3A_294 : i32
      %get3A_482 = arith.index_cast %add3A_481 : i32 to index
      %get3A_483 = arith.constant 96 : index
      %get3A_484 = tpu.vector_load %arg10[%get3A_482, %get3A_483] {strides = array<i32>} : memref<208x128xf32, #tpu.memory_space<vmem>>, vector<16xf32>,
      %add3A_485 = arith.constant 64 : i32
      %add3A_486 = arith.addi %add3A_485, %scan3A_294 : i32
      %get3A_487 = arith.index_cast %add3A_486 : i32 to index
      %get3A_488 = arith.constant 96 : index
      %get3A_489 = tpu.vector_load %arg10[%get3A_487, %get3A_488] {strides = array<i32>} : memref<208x128xf32, #tpu.memory_space<vmem>>, vector<16xf32>,
      %sub3A_490 = arith.subf %get3A_484, %get3A_479 : vector<16xf32>
      %sub3A_491 = arith.subf %get3A_489, %get3A_479 : vector<16xf32>
      %sub3A_492 = arith.subf %get3A_489, %get3A_484 : vector<16xf32>
      %mul3A_493 = arith.mulf %sub3A_490, %sub3A_490 : vector<16xf32>
      %add3A_494 = arith.addf %add3A_464, %mul3A_493 : vector<16xf32>
      %mul3A_495 = arith.mulf %sub3A_491, %sub3A_491 : vector<16xf32>
      %add3A_496 = arith.addf %add3A_466, %mul3A_495 : vector<16xf32>
      %mul3A_497 = arith.mulf %sub3A_492, %sub3A_492 : vector<16xf32>
      %add3A_498 = arith.addf %add3A_468, %mul3A_497 : vector<16xf32>
      %mul3A_499 = arith.mulf %get3A_479, %get3A_479 : vector<16xf32>
      %add3A_500 = arith.addf %add3A_470, %mul3A_499 : vector<16xf32>
      %mul3A_501 = arith.mulf %get3A_484, %get3A_484 : vector<16xf32>
      %add3A_502 = arith.addf %add3A_472, %mul3A_501 : vector<16xf32>
      %mul3A_503 = arith.mulf %get3A_489, %get3A_489 : vector<16xf32>
      %add3A_504 = arith.addf %add3A_474, %mul3A_503 : vector<16xf32>
      %add3A_505 = arith.constant 32 : i32
      %add3A_506 = arith.addi %add3A_505, %scan3A_294 : i32
      %get3A_507 = arith.index_cast %add3A_506 : i32 to index
      %get3A_508 = arith.constant 112 : index
      %get3A_509 = tpu.vector_load %arg10[%get3A_507, %get3A_508] {strides = array<i32>} : memref<208x128xf32, #tpu.memory_space<vmem>>, vector<16xf32>,
      %add3A_510 = arith.constant 48 : i32
      %add3A_511 = arith.addi %add3A_510, %scan3A_294 : i32
      %get3A_512 = arith.index_cast %add3A_511 : i32 to index
      %get3A_513 = arith.constant 112 : index
      %get3A_514 = tpu.vector_load %arg10[%get3A_512, %get3A_513] {strides = array<i32>} : memref<208x128xf32, #tpu.memory_space<vmem>>, vector<16xf32>,
      %add3A_515 = arith.constant 64 : i32
      %add3A_516 = arith.addi %add3A_515, %scan3A_294 : i32
      %get3A_517 = arith.index_cast %add3A_516 : i32 to index
      %get3A_518 = arith.constant 112 : index
      %get3A_519 = tpu.vector_load %arg10[%get3A_517, %get3A_518] {strides = array<i32>} : memref<208x128xf32, #tpu.memory_space<vmem>>, vector<16xf32>,
      %sub3A_520 = arith.subf %get3A_514, %get3A_509 : vector<16xf32>
      %sub3A_521 = arith.subf %get3A_519, %get3A_509 : vector<16xf32>
      %sub3A_522 = arith.subf %get3A_519, %get3A_514 : vector<16xf32>
      %mul3A_523 = arith.mulf %sub3A_520, %sub3A_520 : vector<16xf32>
      %add3A_524 = arith.addf %add3A_494, %mul3A_523 : vector<16xf32>
      %mul3A_525 = arith.mulf %sub3A_521, %sub3A_521 : vector<16xf32>
      %add3A_526 = arith.addf %add3A_496, %mul3A_525 : vector<16xf32>
      %mul3A_527 = arith.mulf %sub3A_522, %sub3A_522 : vector<16xf32>
      %add3A_528 = arith.addf %add3A_498, %mul3A_527 : vector<16xf32>
      %mul3A_529 = arith.mulf %get3A_509, %get3A_509 : vector<16xf32>
      %add3A_530 = arith.addf %add3A_500, %mul3A_529 : vector<16xf32>
      %mul3A_531 = arith.mulf %get3A_514, %get3A_514 : vector<16xf32>
      %add3A_532 = arith.addf %add3A_502, %mul3A_531 : vector<16xf32>
      %mul3A_533 = arith.mulf %get3A_519, %get3A_519 : vector<16xf32>
      %add3A_534 = arith.addf %add3A_504, %mul3A_533 : vector<16xf32>
      %reduce_sum3A = arith.constant true
      %reduce_sum3A_535 = vector.broadcast %reduce_sum3A : i1 to vector<16xi1>
      %reduce_sum3A_536 = tpu.scan <sum>, %add3A_524 masked %reduce_sum3A_535 : vector<16xf32>, vector<16xi1> -> vector<16xf32>
      %reduce_sum3A_537 = vector.extract %reduce_sum3A_536[15] : f32 from vector<16xf32>
      %broadcast_in_dim3A_538 = vector.broadcast %reduce_sum3A_537 : f32 to vector<16xf32>
      %broadcast_in_dim3A_539 = arith.constant 128 : i32
      %broadcast_in_dim3A_540 = vector.broadcast %broadcast_in_dim3A_539 : i32 to vector<16xi32>
      %add3A_541 = vector.broadcast %scan3A_294 : i32 to vector<16xi32>
      %add3A_542 = arith.addi %broadcast_in_dim3A_540, %add3A_541 : vector<16xi32>
      tpu.vector_store_idx %arg12[%add3A_542], %broadcast_in_dim3A_538 masked %eq3A_4 : memref<1024xf32, #tpu.memory_space<vmem>>[vector<16xi32>], vector<16xf32>, vector<16xi1>
      %reduce_sum3A_543 = arith.constant true
      %reduce_sum3A_544 = vector.broadcast %reduce_sum3A_543 : i1 to vector<16xi1>
      %reduce_sum3A_545 = tpu.scan <sum>, %add3A_526 masked %reduce_sum3A_544 : vector<16xf32>, vector<16xi1> -> vector<16xf32>
      %reduce_sum3A_546 = vector.extract %reduce_sum3A_545[15] : f32 from vector<16xf32>
      %broadcast_in_dim3A_547 = vector.broadcast %reduce_sum3A_546 : f32 to vector<16xf32>
      %broadcast_in_dim3A_548 = arith.constant 144 : i32
      %broadcast_in_dim3A_549 = vector.broadcast %broadcast_in_dim3A_548 : i32 to vector<16xi32>
      %add3A_550 = vector.broadcast %scan3A_294 : i32 to vector<16xi32>
      %add3A_551 = arith.addi %broadcast_in_dim3A_549, %add3A_550 : vector<16xi32>
      tpu.vector_store_idx %arg12[%add3A_551], %broadcast_in_dim3A_547 masked %eq3A_4 : memref<1024xf32, #tpu.memory_space<vmem>>[vector<16xi32>], vector<16xf32>, vector<16xi1>
      %reduce_sum3A_552 = arith.constant true
      %reduce_sum3A_553 = vector.broadcast %reduce_sum3A_552 : i1 to vector<16xi1>
      %reduce_sum3A_554 = tpu.scan <sum>, %add3A_528 masked %reduce_sum3A_553 : vector<16xf32>, vector<16xi1> -> vector<16xf32>
      %reduce_sum3A_555 = vector.extract %reduce_sum3A_554[15] : f32 from vector<16xf32>
      %broadcast_in_dim3A_556 = vector.broadcast %reduce_sum3A_555 : f32 to vector<16xf32>
      %broadcast_in_dim3A_557 = arith.constant 160 : i32
      %broadcast_in_dim3A_558 = vector.broadcast %broadcast_in_dim3A_557 : i32 to vector<16xi32>
      %add3A_559 = vector.broadcast %scan3A_294 : i32 to vector<16xi32>
      %add3A_560 = arith.addi %broadcast_in_dim3A_558, %add3A_559 : vector<16xi32>
      tpu.vector_store_idx %arg12[%add3A_560], %broadcast_in_dim3A_556 masked %eq3A_4 : memref<1024xf32, #tpu.memory_space<vmem>>[vector<16xi32>], vector<16xf32>, vector<16xi1>
      %reduce_sum3A_561 = arith.constant true
      %reduce_sum3A_562 = vector.broadcast %reduce_sum3A_561 : i1 to vector<16xi1>
      %reduce_sum3A_563 = tpu.scan <sum>, %add3A_530 masked %reduce_sum3A_562 : vector<16xf32>, vector<16xi1> -> vector<16xf32>
      %reduce_sum3A_564 = vector.extract %reduce_sum3A_563[15] : f32 from vector<16xf32>
      %broadcast_in_dim3A_565 = vector.broadcast %reduce_sum3A_564 : f32 to vector<16xf32>
      %broadcast_in_dim3A_566 = arith.constant 176 : i32
      %broadcast_in_dim3A_567 = vector.broadcast %broadcast_in_dim3A_566 : i32 to vector<16xi32>
      %add3A_568 = vector.broadcast %scan3A_294 : i32 to vector<16xi32>
      %add3A_569 = arith.addi %broadcast_in_dim3A_567, %add3A_568 : vector<16xi32>
      tpu.vector_store_idx %arg12[%add3A_569], %broadcast_in_dim3A_565 masked %eq3A_4 : memref<1024xf32, #tpu.memory_space<vmem>>[vector<16xi32>], vector<16xf32>, vector<16xi1>
      %reduce_sum3A_570 = arith.constant true
      %reduce_sum3A_571 = vector.broadcast %reduce_sum3A_570 : i1 to vector<16xi1>
      %reduce_sum3A_572 = tpu.scan <sum>, %add3A_532 masked %reduce_sum3A_571 : vector<16xf32>, vector<16xi1> -> vector<16xf32>
      %reduce_sum3A_573 = vector.extract %reduce_sum3A_572[15] : f32 from vector<16xf32>
      %broadcast_in_dim3A_574 = vector.broadcast %reduce_sum3A_573 : f32 to vector<16xf32>
      %broadcast_in_dim3A_575 = arith.constant 192 : i32
      %broadcast_in_dim3A_576 = vector.broadcast %broadcast_in_dim3A_575 : i32 to vector<16xi32>
      %add3A_577 = vector.broadcast %scan3A_294 : i32 to vector<16xi32>
      %add3A_578 = arith.addi %broadcast_in_dim3A_576, %add3A_577 : vector<16xi32>
      tpu.vector_store_idx %arg12[%add3A_578], %broadcast_in_dim3A_574 masked %eq3A_4 : memref<1024xf32, #tpu.memory_space<vmem>>[vector<16xi32>], vector<16xf32>, vector<16xi1>
      %reduce_sum3A_579 = arith.constant true
      %reduce_sum3A_580 = vector.broadcast %reduce_sum3A_579 : i1 to vector<16xi1>
      %reduce_sum3A_581 = tpu.scan <sum>, %add3A_534 masked %reduce_sum3A_580 : vector<16xf32>, vector<16xi1> -> vector<16xf32>
      %reduce_sum3A_582 = vector.extract %reduce_sum3A_581[15] : f32 from vector<16xf32>
      %broadcast_in_dim3A_583 = vector.broadcast %reduce_sum3A_582 : f32 to vector<16xf32>
      %broadcast_in_dim3A_584 = arith.constant 208 : i32
      %broadcast_in_dim3A_585 = vector.broadcast %broadcast_in_dim3A_584 : i32 to vector<16xi32>
      %add3A_586 = vector.broadcast %scan3A_294 : i32 to vector<16xi32>
      %add3A_587 = arith.addi %broadcast_in_dim3A_585, %add3A_586 : vector<16xi32>
      tpu.vector_store_idx %arg12[%add3A_587], %broadcast_in_dim3A_583 masked %eq3A_4 : memref<1024xf32, #tpu.memory_space<vmem>>[vector<16xi32>], vector<16xf32>, vector<16xi1>
      %scan3A_588 = arith.constant 0 : i32
      scf.yield %scan3A_588 : i32
    }
    %scan3A_202 = arith.constant 16 : i32
    %get3A_203 = arith.constant 32 : index
    %get3A_204 = tpu.vector_load %arg8[%get3A_203] {strides = array<i32>} : memref<336xi32, #tpu.memory_space<vmem>>, vector<16xi32>,
    %gather3A_205 = tpu.vector_load_idx %arg9[%get3A_204] : memref<1024xf32, #tpu.memory_space<vmem>>[vector<16xi32>], vector<16xf32>,
    %abs3A_206 = math.absf %gather3A_205 : vector<16xf32>
    %add3A_207 = arith.constant 224 : i32
    %add3A_208 = vector.broadcast %add3A_207 : i32 to vector<16xi32>
    %add3A_209 = arith.addi %iota3A, %add3A_208 : vector<16xi32>
    tpu.vector_store_idx %arg12[%add3A_209], %abs3A_206 : memref<1024xf32, #tpu.memory_space<vmem>>[vector<16xi32>], vector<16xf32>,
    %get3A_210 = arith.constant 48 : index
    %get3A_211 = tpu.vector_load %arg8[%get3A_210] {strides = array<i32>} : memref<336xi32, #tpu.memory_space<vmem>>, vector<16xi32>,
    %gather3A_212 = tpu.vector_load_idx %arg9[%get3A_211] : memref<1024xf32, #tpu.memory_space<vmem>>[vector<16xi32>], vector<16xf32>,
    %abs3A_213 = math.absf %gather3A_212 : vector<16xf32>
    %add3A_214 = arith.constant 240 : i32
    %add3A_215 = vector.broadcast %add3A_214 : i32 to vector<16xi32>
    %add3A_216 = arith.addi %iota3A, %add3A_215 : vector<16xi32>
    tpu.vector_store_idx %arg12[%add3A_216], %abs3A_213 : memref<1024xf32, #tpu.memory_space<vmem>>[vector<16xi32>], vector<16xf32>,
    %scan3A_217 = arith.constant 0 : i32
    %scan3A_218 = arith.constant 0 : i32
    %scan3A_219 = arith.constant 16 : i32
    %scan3A_220 = arith.addi %scan3A_218, %scan3A_219 : i32
    %scan3A_221 = arith.constant 1 : i32
    %scan3A_222 = scf.for %scan3A_294 = %scan3A_218 to %scan3A_220 step %scan3A_221 iter_args(%scan3A_295 = %scan3A_217) -> (i32)  : i32 {
      %add3A_296 = arith.constant 80 : i32
      %add3A_297 = arith.addi %add3A_296, %scan3A_294 : i32
      %get3A_298 = arith.index_cast %add3A_297 : i32 to index
      %get3A_299 = arith.constant 0 : index
      %get3A_300 = tpu.vector_load %arg10[%get3A_298, %get3A_299] {strides = array<i32>} : memref<208x128xf32, #tpu.memory_space<vmem>>, vector<16xf32>,
      %add3A_301 = arith.constant 0 : i32
      %add3A_302 = arith.addi %add3A_301, %scan3A_294 : i32
      %get3A_303 = arith.index_cast %add3A_302 : i32 to index
      %get3A_304 = arith.constant 0 : index
      %get3A_305 = tpu.vector_load %arg11[%get3A_303, %get3A_304] {strides = array<i32>} : memref<128x128xf32, #tpu.memory_space<vmem>>, vector<16xf32>,
      %add3A_306 = arith.constant 96 : i32
      %add3A_307 = arith.addi %add3A_306, %scan3A_294 : i32
      %get3A_308 = arith.index_cast %add3A_307 : i32 to index
      %get3A_309 = arith.constant 0 : index
      %get3A_310 = tpu.vector_load %arg10[%get3A_308, %get3A_309] {strides = array<i32>} : memref<208x128xf32, #tpu.memory_space<vmem>>, vector<16xf32>,
      %mul3A_311 = arith.constant 1.000000e+00 : f32
      %mul3A_312 = vector.broadcast %mul3A_311 : f32 to vector<16xf32>
      %mul3A_313 = arith.mulf %mul3A_312, %get3A_305 : vector<16xf32>
      %add3A_314 = arith.addf %get3A_300, %mul3A_313 : vector<16xf32>
      %sub3A = arith.subf %add3A_314, %get3A_310 : vector<16xf32>
      %mul3A_315 = arith.mulf %sub3A, %sub3A : vector<16xf32>
      %add3A_316 = arith.addf %broadcast_in_dim3A_156, %mul3A_315 : vector<16xf32>
      %mul3A_317 = arith.mulf %get3A_300, %get3A_300 : vector<16xf32>
      %add3A_318 = arith.addf %broadcast_in_dim3A_156, %mul3A_317 : vector<16xf32>
      %mul3A_319 = arith.mulf %get3A_310, %get3A_310 : vector<16xf32>
      %add3A_320 = arith.addf %broadcast_in_dim3A_156, %mul3A_319 : vector<16xf32>
      %add3A_321 = arith.constant 80 : i32
      %add3A_322 = arith.addi %add3A_321, %scan3A_294 : i32
      %get3A_323 = arith.index_cast %add3A_322 : i32 to index
      %get3A_324 = arith.constant 16 : index
      %get3A_325 = tpu.vector_load %arg10[%get3A_323, %get3A_324] {strides = array<i32>} : memref<208x128xf32, #tpu.memory_space<vmem>>, vector<16xf32>,
      %add3A_326 = arith.constant 0 : i32
      %add3A_327 = arith.addi %add3A_326, %scan3A_294 : i32
      %get3A_328 = arith.index_cast %add3A_327 : i32 to index
      %get3A_329 = arith.constant 16 : index
      %get3A_330 = tpu.vector_load %arg11[%get3A_328, %get3A_329] {strides = array<i32>} : memref<128x128xf32, #tpu.memory_space<vmem>>, vector<16xf32>,
      %add3A_331 = arith.constant 96 : i32
      %add3A_332 = arith.addi %add3A_331, %scan3A_294 : i32
      %get3A_333 = arith.index_cast %add3A_332 : i32 to index
      %get3A_334 = arith.constant 16 : index
      %get3A_335 = tpu.vector_load %arg10[%get3A_333, %get3A_334] {strides = array<i32>} : memref<208x128xf32, #tpu.memory_space<vmem>>, vector<16xf32>,
      %mul3A_336 = arith.constant 1.000000e+00 : f32
      %mul3A_337 = vector.broadcast %mul3A_336 : f32 to vector<16xf32>
      %mul3A_338 = arith.mulf %mul3A_337, %get3A_330 : vector<16xf32>
      %add3A_339 = arith.addf %get3A_325, %mul3A_338 : vector<16xf32>
      %sub3A_340 = arith.subf %add3A_339, %get3A_335 : vector<16xf32>
      %mul3A_341 = arith.mulf %sub3A_340, %sub3A_340 : vector<16xf32>
      %add3A_342 = arith.addf %add3A_316, %mul3A_341 : vector<16xf32>
      %mul3A_343 = arith.mulf %get3A_325, %get3A_325 : vector<16xf32>
      %add3A_344 = arith.addf %add3A_318, %mul3A_343 : vector<16xf32>
      %mul3A_345 = arith.mulf %get3A_335, %get3A_335 : vector<16xf32>
      %add3A_346 = arith.addf %add3A_320, %mul3A_345 : vector<16xf32>
      %add3A_347 = arith.constant 80 : i32
      %add3A_348 = arith.addi %add3A_347, %scan3A_294 : i32
      %get3A_349 = arith.index_cast %add3A_348 : i32 to index
      %get3A_350 = arith.constant 32 : index
      %get3A_351 = tpu.vector_load %arg10[%get3A_349, %get3A_350] {strides = array<i32>} : memref<208x128xf32, #tpu.memory_space<vmem>>, vector<16xf32>,
      %add3A_352 = arith.constant 0 : i32
      %add3A_353 = arith.addi %add3A_352, %scan3A_294 : i32
      %get3A_354 = arith.index_cast %add3A_353 : i32 to index
      %get3A_355 = arith.constant 32 : index
      %get3A_356 = tpu.vector_load %arg11[%get3A_354, %get3A_355] {strides = array<i32>} : memref<128x128xf32, #tpu.memory_space<vmem>>, vector<16xf32>,
      %add3A_357 = arith.constant 96 : i32
      %add3A_358 = arith.addi %add3A_357, %scan3A_294 : i32
      %get3A_359 = arith.index_cast %add3A_358 : i32 to index
      %get3A_360 = arith.constant 32 : index
      %get3A_361 = tpu.vector_load %arg10[%get3A_359, %get3A_360] {strides = array<i32>} : memref<208x128xf32, #tpu.memory_space<vmem>>, vector<16xf32>,
      %mul3A_362 = arith.constant 1.000000e+00 : f32
      %mul3A_363 = vector.broadcast %mul3A_362 : f32 to vector<16xf32>
      %mul3A_364 = arith.mulf %mul3A_363, %get3A_356 : vector<16xf32>
      %add3A_365 = arith.addf %get3A_351, %mul3A_364 : vector<16xf32>
      %sub3A_366 = arith.subf %add3A_365, %get3A_361 : vector<16xf32>
      %mul3A_367 = arith.mulf %sub3A_366, %sub3A_366 : vector<16xf32>
      %add3A_368 = arith.addf %add3A_342, %mul3A_367 : vector<16xf32>
      %mul3A_369 = arith.mulf %get3A_351, %get3A_351 : vector<16xf32>
      %add3A_370 = arith.addf %add3A_344, %mul3A_369 : vector<16xf32>
      %mul3A_371 = arith.mulf %get3A_361, %get3A_361 : vector<16xf32>
      %add3A_372 = arith.addf %add3A_346, %mul3A_371 : vector<16xf32>
      %add3A_373 = arith.constant 80 : i32
      %add3A_374 = arith.addi %add3A_373, %scan3A_294 : i32
      %get3A_375 = arith.index_cast %add3A_374 : i32 to index
      %get3A_376 = arith.constant 48 : index
      %get3A_377 = tpu.vector_load %arg10[%get3A_375, %get3A_376] {strides = array<i32>} : memref<208x128xf32, #tpu.memory_space<vmem>>, vector<16xf32>,
      %add3A_378 = arith.constant 0 : i32
      %add3A_379 = arith.addi %add3A_378, %scan3A_294 : i32
      %get3A_380 = arith.index_cast %add3A_379 : i32 to index
      %get3A_381 = arith.constant 48 : index
      %get3A_382 = tpu.vector_load %arg11[%get3A_380, %get3A_381] {strides = array<i32>} : memref<128x128xf32, #tpu.memory_space<vmem>>, vector<16xf32>,
      %add3A_383 = arith.constant 96 : i32
      %add3A_384 = arith.addi %add3A_383, %scan3A_294 : i32
      %get3A_385 = arith.index_cast %add3A_384 : i32 to index
      %get3A_386 = arith.constant 48 : index
      %get3A_387 = tpu.vector_load %arg10[%get3A_385, %get3A_386] {strides = array<i32>} : memref<208x128xf32, #tpu.memory_space<vmem>>, vector<16xf32>,
      %mul3A_388 = arith.constant 1.000000e+00 : f32
      %mul3A_389 = vector.broadcast %mul3A_388 : f32 to vector<16xf32>
      %mul3A_390 = arith.mulf %mul3A_389, %get3A_382 : vector<16xf32>
      %add3A_391 = arith.addf %get3A_377, %mul3A_390 : vector<16xf32>
      %sub3A_392 = arith.subf %add3A_391, %get3A_387 : vector<16xf32>
      %mul3A_393 = arith.mulf %sub3A_392, %sub3A_392 : vector<16xf32>
      %add3A_394 = arith.addf %add3A_368, %mul3A_393 : vector<16xf32>
      %mul3A_395 = arith.mulf %get3A_377, %get3A_377 : vector<16xf32>
      %add3A_396 = arith.addf %add3A_370, %mul3A_395 : vector<16xf32>
      %mul3A_397 = arith.mulf %get3A_387, %get3A_387 : vector<16xf32>
      %add3A_398 = arith.addf %add3A_372, %mul3A_397 : vector<16xf32>
      %add3A_399 = arith.constant 80 : i32
      %add3A_400 = arith.addi %add3A_399, %scan3A_294 : i32
      %get3A_401 = arith.index_cast %add3A_400 : i32 to index
      %get3A_402 = arith.constant 64 : index
      %get3A_403 = tpu.vector_load %arg10[%get3A_401, %get3A_402] {strides = array<i32>} : memref<208x128xf32, #tpu.memory_space<vmem>>, vector<16xf32>,
      %add3A_404 = arith.constant 0 : i32
      %add3A_405 = arith.addi %add3A_404, %scan3A_294 : i32
      %get3A_406 = arith.index_cast %add3A_405 : i32 to index
      %get3A_407 = arith.constant 64 : index
      %get3A_408 = tpu.vector_load %arg11[%get3A_406, %get3A_407] {strides = array<i32>} : memref<128x128xf32, #tpu.memory_space<vmem>>, vector<16xf32>,
      %add3A_409 = arith.constant 96 : i32
      %add3A_410 = arith.addi %add3A_409, %scan3A_294 : i32
      %get3A_411 = arith.index_cast %add3A_410 : i32 to index
      %get3A_412 = arith.constant 64 : index
      %get3A_413 = tpu.vector_load %arg10[%get3A_411, %get3A_412] {strides = array<i32>} : memref<208x128xf32, #tpu.memory_space<vmem>>, vector<16xf32>,
      %mul3A_414 = arith.constant 1.000000e+00 : f32
      %mul3A_415 = vector.broadcast %mul3A_414 : f32 to vector<16xf32>
      %mul3A_416 = arith.mulf %mul3A_415, %get3A_408 : vector<16xf32>
      %add3A_417 = arith.addf %get3A_403, %mul3A_416 : vector<16xf32>
      %sub3A_418 = arith.subf %add3A_417, %get3A_413 : vector<16xf32>
      %mul3A_419 = arith.mulf %sub3A_418, %sub3A_418 : vector<16xf32>
      %add3A_420 = arith.addf %add3A_394, %mul3A_419 : vector<16xf32>
      %mul3A_421 = arith.mulf %get3A_403, %get3A_403 : vector<16xf32>
      %add3A_422 = arith.addf %add3A_396, %mul3A_421 : vector<16xf32>
      %mul3A_423 = arith.mulf %get3A_413, %get3A_413 : vector<16xf32>
      %add3A_424 = arith.addf %add3A_398, %mul3A_423 : vector<16xf32>
      %add3A_425 = arith.constant 80 : i32
      %add3A_426 = arith.addi %add3A_425, %scan3A_294 : i32
      %get3A_427 = arith.index_cast %add3A_426 : i32 to index
      %get3A_428 = arith.constant 80 : index
      %get3A_429 = tpu.vector_load %arg10[%get3A_427, %get3A_428] {strides = array<i32>} : memref<208x128xf32, #tpu.memory_space<vmem>>, vector<16xf32>,
      %add3A_430 = arith.constant 0 : i32
      %add3A_431 = arith.addi %add3A_430, %scan3A_294 : i32
      %get3A_432 = arith.index_cast %add3A_431 : i32 to index
      %get3A_433 = arith.constant 80 : index
      %get3A_434 = tpu.vector_load %arg11[%get3A_432, %get3A_433] {strides = array<i32>} : memref<128x128xf32, #tpu.memory_space<vmem>>, vector<16xf32>,
      %add3A_435 = arith.constant 96 : i32
      %add3A_436 = arith.addi %add3A_435, %scan3A_294 : i32
      %get3A_437 = arith.index_cast %add3A_436 : i32 to index
      %get3A_438 = arith.constant 80 : index
      %get3A_439 = tpu.vector_load %arg10[%get3A_437, %get3A_438] {strides = array<i32>} : memref<208x128xf32, #tpu.memory_space<vmem>>, vector<16xf32>,
      %mul3A_440 = arith.constant 1.000000e+00 : f32
      %mul3A_441 = vector.broadcast %mul3A_440 : f32 to vector<16xf32>
      %mul3A_442 = arith.mulf %mul3A_441, %get3A_434 : vector<16xf32>
      %add3A_443 = arith.addf %get3A_429, %mul3A_442 : vector<16xf32>
      %sub3A_444 = arith.subf %add3A_443, %get3A_439 : vector<16xf32>
      %mul3A_445 = arith.mulf %sub3A_444, %sub3A_444 : vector<16xf32>
      %add3A_446 = arith.addf %add3A_420, %mul3A_445 : vector<16xf32>
      %mul3A_447 = arith.mulf %get3A_429, %get3A_429 : vector<16xf32>
      %add3A_448 = arith.addf %add3A_422, %mul3A_447 : vector<16xf32>
      %mul3A_449 = arith.mulf %get3A_439, %get3A_439 : vector<16xf32>
      %add3A_450 = arith.addf %add3A_424, %mul3A_449 : vector<16xf32>
      %add3A_451 = arith.constant 80 : i32
      %add3A_452 = arith.addi %add3A_451, %scan3A_294 : i32
      %get3A_453 = arith.index_cast %add3A_452 : i32 to index
      %get3A_454 = arith.constant 96 : index
      %get3A_455 = tpu.vector_load %arg10[%get3A_453, %get3A_454] {strides = array<i32>} : memref<208x128xf32, #tpu.memory_space<vmem>>, vector<16xf32>,
      %add3A_456 = arith.constant 0 : i32
      %add3A_457 = arith.addi %add3A_456, %scan3A_294 : i32
      %get3A_458 = arith.index_cast %add3A_457 : i32 to index
      %get3A_459 = arith.constant 96 : index
      %get3A_460 = tpu.vector_load %arg11[%get3A_458, %get3A_459] {strides = array<i32>} : memref<128x128xf32, #tpu.memory_space<vmem>>, vector<16xf32>,
      %add3A_461 = arith.constant 96 : i32
      %add3A_462 = arith.addi %add3A_461, %scan3A_294 : i32
      %get3A_463 = arith.index_cast %add3A_462 : i32 to index
      %get3A_464 = arith.constant 96 : index
      %get3A_465 = tpu.vector_load %arg10[%get3A_463, %get3A_464] {strides = array<i32>} : memref<208x128xf32, #tpu.memory_space<vmem>>, vector<16xf32>,
      %mul3A_466 = arith.constant 1.000000e+00 : f32
      %mul3A_467 = vector.broadcast %mul3A_466 : f32 to vector<16xf32>
      %mul3A_468 = arith.mulf %mul3A_467, %get3A_460 : vector<16xf32>
      %add3A_469 = arith.addf %get3A_455, %mul3A_468 : vector<16xf32>
      %sub3A_470 = arith.subf %add3A_469, %get3A_465 : vector<16xf32>
      %mul3A_471 = arith.mulf %sub3A_470, %sub3A_470 : vector<16xf32>
      %add3A_472 = arith.addf %add3A_446, %mul3A_471 : vector<16xf32>
      %mul3A_473 = arith.mulf %get3A_455, %get3A_455 : vector<16xf32>
      %add3A_474 = arith.addf %add3A_448, %mul3A_473 : vector<16xf32>
      %mul3A_475 = arith.mulf %get3A_465, %get3A_465 : vector<16xf32>
      %add3A_476 = arith.addf %add3A_450, %mul3A_475 : vector<16xf32>
      %add3A_477 = arith.constant 80 : i32
      %add3A_478 = arith.addi %add3A_477, %scan3A_294 : i32
      %get3A_479 = arith.index_cast %add3A_478 : i32 to index
      %get3A_480 = arith.constant 112 : index
      %get3A_481 = tpu.vector_load %arg10[%get3A_479, %get3A_480] {strides = array<i32>} : memref<208x128xf32, #tpu.memory_space<vmem>>, vector<16xf32>,
      %add3A_482 = arith.constant 0 : i32
      %add3A_483 = arith.addi %add3A_482, %scan3A_294 : i32
      %get3A_484 = arith.index_cast %add3A_483 : i32 to index
      %get3A_485 = arith.constant 112 : index
      %get3A_486 = tpu.vector_load %arg11[%get3A_484, %get3A_485] {strides = array<i32>} : memref<128x128xf32, #tpu.memory_space<vmem>>, vector<16xf32>,
      %add3A_487 = arith.constant 96 : i32
      %add3A_488 = arith.addi %add3A_487, %scan3A_294 : i32
      %get3A_489 = arith.index_cast %add3A_488 : i32 to index
      %get3A_490 = arith.constant 112 : index
      %get3A_491 = tpu.vector_load %arg10[%get3A_489, %get3A_490] {strides = array<i32>} : memref<208x128xf32, #tpu.memory_space<vmem>>, vector<16xf32>,
      %mul3A_492 = arith.constant 1.000000e+00 : f32
      %mul3A_493 = vector.broadcast %mul3A_492 : f32 to vector<16xf32>
      %mul3A_494 = arith.mulf %mul3A_493, %get3A_486 : vector<16xf32>
      %add3A_495 = arith.addf %get3A_481, %mul3A_494 : vector<16xf32>
      %sub3A_496 = arith.subf %add3A_495, %get3A_491 : vector<16xf32>
      %mul3A_497 = arith.mulf %sub3A_496, %sub3A_496 : vector<16xf32>
      %add3A_498 = arith.addf %add3A_472, %mul3A_497 : vector<16xf32>
      %mul3A_499 = arith.mulf %get3A_481, %get3A_481 : vector<16xf32>
      %add3A_500 = arith.addf %add3A_474, %mul3A_499 : vector<16xf32>
      %mul3A_501 = arith.mulf %get3A_491, %get3A_491 : vector<16xf32>
      %add3A_502 = arith.addf %add3A_476, %mul3A_501 : vector<16xf32>
      %reduce_sum3A = arith.constant true
      %reduce_sum3A_503 = vector.broadcast %reduce_sum3A : i1 to vector<16xi1>
      %reduce_sum3A_504 = tpu.scan <sum>, %add3A_498 masked %reduce_sum3A_503 : vector<16xf32>, vector<16xi1> -> vector<16xf32>
      %reduce_sum3A_505 = vector.extract %reduce_sum3A_504[15] : f32 from vector<16xf32>
      %broadcast_in_dim3A_506 = vector.broadcast %reduce_sum3A_505 : f32 to vector<16xf32>
      %broadcast_in_dim3A_507 = arith.constant 256 : i32
      %broadcast_in_dim3A_508 = vector.broadcast %broadcast_in_dim3A_507 : i32 to vector<16xi32>
      %add3A_509 = vector.broadcast %scan3A_294 : i32 to vector<16xi32>
      %add3A_510 = arith.addi %broadcast_in_dim3A_508, %add3A_509 : vector<16xi32>
      tpu.vector_store_idx %arg12[%add3A_510], %broadcast_in_dim3A_506 masked %eq3A_4 : memref<1024xf32, #tpu.memory_space<vmem>>[vector<16xi32>], vector<16xf32>, vector<16xi1>
      %reduce_sum3A_511 = arith.constant true
      %reduce_sum3A_512 = vector.broadcast %reduce_sum3A_511 : i1 to vector<16xi1>
      %reduce_sum3A_513 = tpu.scan <sum>, %add3A_500 masked %reduce_sum3A_512 : vector<16xf32>, vector<16xi1> -> vector<16xf32>
      %reduce_sum3A_514 = vector.extract %reduce_sum3A_513[15] : f32 from vector<16xf32>
      %broadcast_in_dim3A_515 = vector.broadcast %reduce_sum3A_514 : f32 to vector<16xf32>
      %broadcast_in_dim3A_516 = arith.constant 272 : i32
      %broadcast_in_dim3A_517 = vector.broadcast %broadcast_in_dim3A_516 : i32 to vector<16xi32>
      %add3A_518 = vector.broadcast %scan3A_294 : i32 to vector<16xi32>
      %add3A_519 = arith.addi %broadcast_in_dim3A_517, %add3A_518 : vector<16xi32>
      tpu.vector_store_idx %arg12[%add3A_519], %broadcast_in_dim3A_515 masked %eq3A_4 : memref<1024xf32, #tpu.memory_space<vmem>>[vector<16xi32>], vector<16xf32>, vector<16xi1>
      %reduce_sum3A_520 = arith.constant true
      %reduce_sum3A_521 = vector.broadcast %reduce_sum3A_520 : i1 to vector<16xi1>
      %reduce_sum3A_522 = tpu.scan <sum>, %add3A_502 masked %reduce_sum3A_521 : vector<16xf32>, vector<16xi1> -> vector<16xf32>
      %reduce_sum3A_523 = vector.extract %reduce_sum3A_522[15] : f32 from vector<16xf32>
      %broadcast_in_dim3A_524 = vector.broadcast %reduce_sum3A_523 : f32 to vector<16xf32>
      %broadcast_in_dim3A_525 = arith.constant 288 : i32
      %broadcast_in_dim3A_526 = vector.broadcast %broadcast_in_dim3A_525 : i32 to vector<16xi32>
      %add3A_527 = vector.broadcast %scan3A_294 : i32 to vector<16xi32>
      %add3A_528 = arith.addi %broadcast_in_dim3A_526, %add3A_527 : vector<16xi32>
      tpu.vector_store_idx %arg12[%add3A_528], %broadcast_in_dim3A_524 masked %eq3A_4 : memref<1024xf32, #tpu.memory_space<vmem>>[vector<16xi32>], vector<16xf32>, vector<16xi1>
      %scan3A_529 = arith.constant 0 : i32
      scf.yield %scan3A_529 : i32
    }
    %scan3A_223 = arith.constant 16 : i32
    %get3A_224 = arith.constant 80 : index
    %get3A_225 = tpu.vector_load %arg8[%get3A_224] {strides = array<i32>} : memref<336xi32, #tpu.memory_space<vmem>>, vector<16xi32>,
    %gather3A_226 = tpu.vector_load_idx %arg9[%get3A_225] : memref<1024xf32, #tpu.memory_space<vmem>>[vector<16xi32>], vector<16xf32>,
    %abs3A_227 = math.absf %gather3A_226 : vector<16xf32>
    %add3A_228 = arith.constant 304 : i32
    %add3A_229 = vector.broadcast %add3A_228 : i32 to vector<16xi32>
    %add3A_230 = arith.addi %iota3A, %add3A_229 : vector<16xi32>
    tpu.vector_store_idx %arg12[%add3A_230], %abs3A_227 : memref<1024xf32, #tpu.memory_space<vmem>>[vector<16xi32>], vector<16xf32>,
    %get3A_231 = arith.constant 96 : index
    %get3A_232 = tpu.vector_load %arg8[%get3A_231] {strides = array<i32>} : memref<336xi32, #tpu.memory_space<vmem>>, vector<16xi32>,
    %gather3A_233 = tpu.vector_load_idx %arg9[%get3A_232] : memref<1024xf32, #tpu.memory_space<vmem>>[vector<16xi32>], vector<16xf32>,
    %abs3A_234 = math.absf %gather3A_233 : vector<16xf32>
    %add3A_235 = arith.constant 320 : i32
    %add3A_236 = vector.broadcast %add3A_235 : i32 to vector<16xi32>
    %add3A_237 = arith.addi %iota3A, %add3A_236 : vector<16xi32>
    tpu.vector_store_idx %arg12[%add3A_237], %abs3A_234 : memref<1024xf32, #tpu.memory_space<vmem>>[vector<16xi32>], vector<16xf32>,
    %scan3A_238 = arith.constant 0 : i32
    %scan3A_239 = arith.constant 0 : i32
    %scan3A_240 = arith.constant 16 : i32
    %scan3A_241 = arith.addi %scan3A_239, %scan3A_240 : i32
    %scan3A_242 = arith.constant 1 : i32
    %scan3A_243 = scf.for %scan3A_294 = %scan3A_239 to %scan3A_241 step %scan3A_242 iter_args(%scan3A_295 = %scan3A_238) -> (i32)  : i32 {
      %add3A_296 = arith.constant 112 : i32
      %add3A_297 = arith.addi %add3A_296, %scan3A_294 : i32
      %get3A_298 = arith.index_cast %add3A_297 : i32 to index
      %get3A_299 = arith.constant 0 : index
      %get3A_300 = tpu.vector_load %arg10[%get3A_298, %get3A_299] {strides = array<i32>} : memref<208x128xf32, #tpu.memory_space<vmem>>, vector<16xf32>,
      %add3A_301 = arith.constant 16 : i32
      %add3A_302 = arith.addi %add3A_301, %scan3A_294 : i32
      %get3A_303 = arith.index_cast %add3A_302 : i32 to index
      %get3A_304 = arith.constant 0 : index
      %get3A_305 = tpu.vector_load %arg11[%get3A_303, %get3A_304] {strides = array<i32>} : memref<128x128xf32, #tpu.memory_space<vmem>>, vector<16xf32>,
      %add3A_306 = arith.constant 128 : i32
      %add3A_307 = arith.addi %add3A_306, %scan3A_294 : i32
      %get3A_308 = arith.index_cast %add3A_307 : i32 to index
      %get3A_309 = arith.constant 0 : index
      %get3A_310 = tpu.vector_load %arg10[%get3A_308, %get3A_309] {strides = array<i32>} : memref<208x128xf32, #tpu.memory_space<vmem>>, vector<16xf32>,
      %mul3A_311 = arith.constant -1.000000e+00 : f32
      %mul3A_312 = vector.broadcast %mul3A_311 : f32 to vector<16xf32>
      %mul3A_313 = arith.mulf %mul3A_312, %get3A_305 : vector<16xf32>
      %add3A_314 = arith.addf %get3A_300, %mul3A_313 : vector<16xf32>
      %sub3A = arith.subf %add3A_314, %get3A_310 : vector<16xf32>
      %mul3A_315 = arith.mulf %sub3A, %sub3A : vector<16xf32>
      %add3A_316 = arith.addf %broadcast_in_dim3A_156, %mul3A_315 : vector<16xf32>
      %mul3A_317 = arith.mulf %get3A_300, %get3A_300 : vector<16xf32>
      %add3A_318 = arith.addf %broadcast_in_dim3A_156, %mul3A_317 : vector<16xf32>
      %mul3A_319 = arith.mulf %get3A_310, %get3A_310 : vector<16xf32>
      %add3A_320 = arith.addf %broadcast_in_dim3A_156, %mul3A_319 : vector<16xf32>
      %add3A_321 = arith.constant 112 : i32
      %add3A_322 = arith.addi %add3A_321, %scan3A_294 : i32
      %get3A_323 = arith.index_cast %add3A_322 : i32 to index
      %get3A_324 = arith.constant 16 : index
      %get3A_325 = tpu.vector_load %arg10[%get3A_323, %get3A_324] {strides = array<i32>} : memref<208x128xf32, #tpu.memory_space<vmem>>, vector<16xf32>,
      %add3A_326 = arith.constant 16 : i32
      %add3A_327 = arith.addi %add3A_326, %scan3A_294 : i32
      %get3A_328 = arith.index_cast %add3A_327 : i32 to index
      %get3A_329 = arith.constant 16 : index
      %get3A_330 = tpu.vector_load %arg11[%get3A_328, %get3A_329] {strides = array<i32>} : memref<128x128xf32, #tpu.memory_space<vmem>>, vector<16xf32>,
      %add3A_331 = arith.constant 128 : i32
      %add3A_332 = arith.addi %add3A_331, %scan3A_294 : i32
      %get3A_333 = arith.index_cast %add3A_332 : i32 to index
      %get3A_334 = arith.constant 16 : index
      %get3A_335 = tpu.vector_load %arg10[%get3A_333, %get3A_334] {strides = array<i32>} : memref<208x128xf32, #tpu.memory_space<vmem>>, vector<16xf32>,
      %mul3A_336 = arith.constant -1.000000e+00 : f32
      %mul3A_337 = vector.broadcast %mul3A_336 : f32 to vector<16xf32>
      %mul3A_338 = arith.mulf %mul3A_337, %get3A_330 : vector<16xf32>
      %add3A_339 = arith.addf %get3A_325, %mul3A_338 : vector<16xf32>
      %sub3A_340 = arith.subf %add3A_339, %get3A_335 : vector<16xf32>
      %mul3A_341 = arith.mulf %sub3A_340, %sub3A_340 : vector<16xf32>
      %add3A_342 = arith.addf %add3A_316, %mul3A_341 : vector<16xf32>
      %mul3A_343 = arith.mulf %get3A_325, %get3A_325 : vector<16xf32>
      %add3A_344 = arith.addf %add3A_318, %mul3A_343 : vector<16xf32>
      %mul3A_345 = arith.mulf %get3A_335, %get3A_335 : vector<16xf32>
      %add3A_346 = arith.addf %add3A_320, %mul3A_345 : vector<16xf32>
      %add3A_347 = arith.constant 112 : i32
      %add3A_348 = arith.addi %add3A_347, %scan3A_294 : i32
      %get3A_349 = arith.index_cast %add3A_348 : i32 to index
      %get3A_350 = arith.constant 32 : index
      %get3A_351 = tpu.vector_load %arg10[%get3A_349, %get3A_350] {strides = array<i32>} : memref<208x128xf32, #tpu.memory_space<vmem>>, vector<16xf32>,
      %add3A_352 = arith.constant 16 : i32
      %add3A_353 = arith.addi %add3A_352, %scan3A_294 : i32
      %get3A_354 = arith.index_cast %add3A_353 : i32 to index
      %get3A_355 = arith.constant 32 : index
      %get3A_356 = tpu.vector_load %arg11[%get3A_354, %get3A_355] {strides = array<i32>} : memref<128x128xf32, #tpu.memory_space<vmem>>, vector<16xf32>,
      %add3A_357 = arith.constant 128 : i32
      %add3A_358 = arith.addi %add3A_357, %scan3A_294 : i32
      %get3A_359 = arith.index_cast %add3A_358 : i32 to index
      %get3A_360 = arith.constant 32 : index
      %get3A_361 = tpu.vector_load %arg10[%get3A_359, %get3A_360] {strides = array<i32>} : memref<208x128xf32, #tpu.memory_space<vmem>>, vector<16xf32>,
      %mul3A_362 = arith.constant -1.000000e+00 : f32
      %mul3A_363 = vector.broadcast %mul3A_362 : f32 to vector<16xf32>
      %mul3A_364 = arith.mulf %mul3A_363, %get3A_356 : vector<16xf32>
      %add3A_365 = arith.addf %get3A_351, %mul3A_364 : vector<16xf32>
      %sub3A_366 = arith.subf %add3A_365, %get3A_361 : vector<16xf32>
      %mul3A_367 = arith.mulf %sub3A_366, %sub3A_366 : vector<16xf32>
      %add3A_368 = arith.addf %add3A_342, %mul3A_367 : vector<16xf32>
      %mul3A_369 = arith.mulf %get3A_351, %get3A_351 : vector<16xf32>
      %add3A_370 = arith.addf %add3A_344, %mul3A_369 : vector<16xf32>
      %mul3A_371 = arith.mulf %get3A_361, %get3A_361 : vector<16xf32>
      %add3A_372 = arith.addf %add3A_346, %mul3A_371 : vector<16xf32>
      %add3A_373 = arith.constant 112 : i32
      %add3A_374 = arith.addi %add3A_373, %scan3A_294 : i32
      %get3A_375 = arith.index_cast %add3A_374 : i32 to index
      %get3A_376 = arith.constant 48 : index
      %get3A_377 = tpu.vector_load %arg10[%get3A_375, %get3A_376] {strides = array<i32>} : memref<208x128xf32, #tpu.memory_space<vmem>>, vector<16xf32>,
      %add3A_378 = arith.constant 16 : i32
      %add3A_379 = arith.addi %add3A_378, %scan3A_294 : i32
      %get3A_380 = arith.index_cast %add3A_379 : i32 to index
      %get3A_381 = arith.constant 48 : index
      %get3A_382 = tpu.vector_load %arg11[%get3A_380, %get3A_381] {strides = array<i32>} : memref<128x128xf32, #tpu.memory_space<vmem>>, vector<16xf32>,
      %add3A_383 = arith.constant 128 : i32
      %add3A_384 = arith.addi %add3A_383, %scan3A_294 : i32
      %get3A_385 = arith.index_cast %add3A_384 : i32 to index
      %get3A_386 = arith.constant 48 : index
      %get3A_387 = tpu.vector_load %arg10[%get3A_385, %get3A_386] {strides = array<i32>} : memref<208x128xf32, #tpu.memory_space<vmem>>, vector<16xf32>,
      %mul3A_388 = arith.constant -1.000000e+00 : f32
      %mul3A_389 = vector.broadcast %mul3A_388 : f32 to vector<16xf32>
      %mul3A_390 = arith.mulf %mul3A_389, %get3A_382 : vector<16xf32>
      %add3A_391 = arith.addf %get3A_377, %mul3A_390 : vector<16xf32>
      %sub3A_392 = arith.subf %add3A_391, %get3A_387 : vector<16xf32>
      %mul3A_393 = arith.mulf %sub3A_392, %sub3A_392 : vector<16xf32>
      %add3A_394 = arith.addf %add3A_368, %mul3A_393 : vector<16xf32>
      %mul3A_395 = arith.mulf %get3A_377, %get3A_377 : vector<16xf32>
      %add3A_396 = arith.addf %add3A_370, %mul3A_395 : vector<16xf32>
      %mul3A_397 = arith.mulf %get3A_387, %get3A_387 : vector<16xf32>
      %add3A_398 = arith.addf %add3A_372, %mul3A_397 : vector<16xf32>
      %add3A_399 = arith.constant 112 : i32
      %add3A_400 = arith.addi %add3A_399, %scan3A_294 : i32
      %get3A_401 = arith.index_cast %add3A_400 : i32 to index
      %get3A_402 = arith.constant 64 : index
      %get3A_403 = tpu.vector_load %arg10[%get3A_401, %get3A_402] {strides = array<i32>} : memref<208x128xf32, #tpu.memory_space<vmem>>, vector<16xf32>,
      %add3A_404 = arith.constant 16 : i32
      %add3A_405 = arith.addi %add3A_404, %scan3A_294 : i32
      %get3A_406 = arith.index_cast %add3A_405 : i32 to index
      %get3A_407 = arith.constant 64 : index
      %get3A_408 = tpu.vector_load %arg11[%get3A_406, %get3A_407] {strides = array<i32>} : memref<128x128xf32, #tpu.memory_space<vmem>>, vector<16xf32>,
      %add3A_409 = arith.constant 128 : i32
      %add3A_410 = arith.addi %add3A_409, %scan3A_294 : i32
      %get3A_411 = arith.index_cast %add3A_410 : i32 to index
      %get3A_412 = arith.constant 64 : index
      %get3A_413 = tpu.vector_load %arg10[%get3A_411, %get3A_412] {strides = array<i32>} : memref<208x128xf32, #tpu.memory_space<vmem>>, vector<16xf32>,
      %mul3A_414 = arith.constant -1.000000e+00 : f32
      %mul3A_415 = vector.broadcast %mul3A_414 : f32 to vector<16xf32>
      %mul3A_416 = arith.mulf %mul3A_415, %get3A_408 : vector<16xf32>
      %add3A_417 = arith.addf %get3A_403, %mul3A_416 : vector<16xf32>
      %sub3A_418 = arith.subf %add3A_417, %get3A_413 : vector<16xf32>
      %mul3A_419 = arith.mulf %sub3A_418, %sub3A_418 : vector<16xf32>
      %add3A_420 = arith.addf %add3A_394, %mul3A_419 : vector<16xf32>
      %mul3A_421 = arith.mulf %get3A_403, %get3A_403 : vector<16xf32>
      %add3A_422 = arith.addf %add3A_396, %mul3A_421 : vector<16xf32>
      %mul3A_423 = arith.mulf %get3A_413, %get3A_413 : vector<16xf32>
      %add3A_424 = arith.addf %add3A_398, %mul3A_423 : vector<16xf32>
      %add3A_425 = arith.constant 112 : i32
      %add3A_426 = arith.addi %add3A_425, %scan3A_294 : i32
      %get3A_427 = arith.index_cast %add3A_426 : i32 to index
      %get3A_428 = arith.constant 80 : index
      %get3A_429 = tpu.vector_load %arg10[%get3A_427, %get3A_428] {strides = array<i32>} : memref<208x128xf32, #tpu.memory_space<vmem>>, vector<16xf32>,
      %add3A_430 = arith.constant 16 : i32
      %add3A_431 = arith.addi %add3A_430, %scan3A_294 : i32
      %get3A_432 = arith.index_cast %add3A_431 : i32 to index
      %get3A_433 = arith.constant 80 : index
      %get3A_434 = tpu.vector_load %arg11[%get3A_432, %get3A_433] {strides = array<i32>} : memref<128x128xf32, #tpu.memory_space<vmem>>, vector<16xf32>,
      %add3A_435 = arith.constant 128 : i32
      %add3A_436 = arith.addi %add3A_435, %scan3A_294 : i32
      %get3A_437 = arith.index_cast %add3A_436 : i32 to index
      %get3A_438 = arith.constant 80 : index
      %get3A_439 = tpu.vector_load %arg10[%get3A_437, %get3A_438] {strides = array<i32>} : memref<208x128xf32, #tpu.memory_space<vmem>>, vector<16xf32>,
      %mul3A_440 = arith.constant -1.000000e+00 : f32
      %mul3A_441 = vector.broadcast %mul3A_440 : f32 to vector<16xf32>
      %mul3A_442 = arith.mulf %mul3A_441, %get3A_434 : vector<16xf32>
      %add3A_443 = arith.addf %get3A_429, %mul3A_442 : vector<16xf32>
      %sub3A_444 = arith.subf %add3A_443, %get3A_439 : vector<16xf32>
      %mul3A_445 = arith.mulf %sub3A_444, %sub3A_444 : vector<16xf32>
      %add3A_446 = arith.addf %add3A_420, %mul3A_445 : vector<16xf32>
      %mul3A_447 = arith.mulf %get3A_429, %get3A_429 : vector<16xf32>
      %add3A_448 = arith.addf %add3A_422, %mul3A_447 : vector<16xf32>
      %mul3A_449 = arith.mulf %get3A_439, %get3A_439 : vector<16xf32>
      %add3A_450 = arith.addf %add3A_424, %mul3A_449 : vector<16xf32>
      %add3A_451 = arith.constant 112 : i32
      %add3A_452 = arith.addi %add3A_451, %scan3A_294 : i32
      %get3A_453 = arith.index_cast %add3A_452 : i32 to index
      %get3A_454 = arith.constant 96 : index
      %get3A_455 = tpu.vector_load %arg10[%get3A_453, %get3A_454] {strides = array<i32>} : memref<208x128xf32, #tpu.memory_space<vmem>>, vector<16xf32>,
      %add3A_456 = arith.constant 16 : i32
      %add3A_457 = arith.addi %add3A_456, %scan3A_294 : i32
      %get3A_458 = arith.index_cast %add3A_457 : i32 to index
      %get3A_459 = arith.constant 96 : index
      %get3A_460 = tpu.vector_load %arg11[%get3A_458, %get3A_459] {strides = array<i32>} : memref<128x128xf32, #tpu.memory_space<vmem>>, vector<16xf32>,
      %add3A_461 = arith.constant 128 : i32
      %add3A_462 = arith.addi %add3A_461, %scan3A_294 : i32
      %get3A_463 = arith.index_cast %add3A_462 : i32 to index
      %get3A_464 = arith.constant 96 : index
      %get3A_465 = tpu.vector_load %arg10[%get3A_463, %get3A_464] {strides = array<i32>} : memref<208x128xf32, #tpu.memory_space<vmem>>, vector<16xf32>,
      %mul3A_466 = arith.constant -1.000000e+00 : f32
      %mul3A_467 = vector.broadcast %mul3A_466 : f32 to vector<16xf32>
      %mul3A_468 = arith.mulf %mul3A_467, %get3A_460 : vector<16xf32>
      %add3A_469 = arith.addf %get3A_455, %mul3A_468 : vector<16xf32>
      %sub3A_470 = arith.subf %add3A_469, %get3A_465 : vector<16xf32>
      %mul3A_471 = arith.mulf %sub3A_470, %sub3A_470 : vector<16xf32>
      %add3A_472 = arith.addf %add3A_446, %mul3A_471 : vector<16xf32>
      %mul3A_473 = arith.mulf %get3A_455, %get3A_455 : vector<16xf32>
      %add3A_474 = arith.addf %add3A_448, %mul3A_473 : vector<16xf32>
      %mul3A_475 = arith.mulf %get3A_465, %get3A_465 : vector<16xf32>
      %add3A_476 = arith.addf %add3A_450, %mul3A_475 : vector<16xf32>
      %add3A_477 = arith.constant 112 : i32
      %add3A_478 = arith.addi %add3A_477, %scan3A_294 : i32
      %get3A_479 = arith.index_cast %add3A_478 : i32 to index
      %get3A_480 = arith.constant 112 : index
      %get3A_481 = tpu.vector_load %arg10[%get3A_479, %get3A_480] {strides = array<i32>} : memref<208x128xf32, #tpu.memory_space<vmem>>, vector<16xf32>,
      %add3A_482 = arith.constant 16 : i32
      %add3A_483 = arith.addi %add3A_482, %scan3A_294 : i32
      %get3A_484 = arith.index_cast %add3A_483 : i32 to index
      %get3A_485 = arith.constant 112 : index
      %get3A_486 = tpu.vector_load %arg11[%get3A_484, %get3A_485] {strides = array<i32>} : memref<128x128xf32, #tpu.memory_space<vmem>>, vector<16xf32>,
      %add3A_487 = arith.constant 128 : i32
      %add3A_488 = arith.addi %add3A_487, %scan3A_294 : i32
      %get3A_489 = arith.index_cast %add3A_488 : i32 to index
      %get3A_490 = arith.constant 112 : index
      %get3A_491 = tpu.vector_load %arg10[%get3A_489, %get3A_490] {strides = array<i32>} : memref<208x128xf32, #tpu.memory_space<vmem>>, vector<16xf32>,
      %mul3A_492 = arith.constant -1.000000e+00 : f32
      %mul3A_493 = vector.broadcast %mul3A_492 : f32 to vector<16xf32>
      %mul3A_494 = arith.mulf %mul3A_493, %get3A_486 : vector<16xf32>
      %add3A_495 = arith.addf %get3A_481, %mul3A_494 : vector<16xf32>
      %sub3A_496 = arith.subf %add3A_495, %get3A_491 : vector<16xf32>
      %mul3A_497 = arith.mulf %sub3A_496, %sub3A_496 : vector<16xf32>
      %add3A_498 = arith.addf %add3A_472, %mul3A_497 : vector<16xf32>
      %mul3A_499 = arith.mulf %get3A_481, %get3A_481 : vector<16xf32>
      %add3A_500 = arith.addf %add3A_474, %mul3A_499 : vector<16xf32>
      %mul3A_501 = arith.mulf %get3A_491, %get3A_491 : vector<16xf32>
      %add3A_502 = arith.addf %add3A_476, %mul3A_501 : vector<16xf32>
      %reduce_sum3A = arith.constant true
      %reduce_sum3A_503 = vector.broadcast %reduce_sum3A : i1 to vector<16xi1>
      %reduce_sum3A_504 = tpu.scan <sum>, %add3A_498 masked %reduce_sum3A_503 : vector<16xf32>, vector<16xi1> -> vector<16xf32>
      %reduce_sum3A_505 = vector.extract %reduce_sum3A_504[15] : f32 from vector<16xf32>
      %broadcast_in_dim3A_506 = vector.broadcast %reduce_sum3A_505 : f32 to vector<16xf32>
      %broadcast_in_dim3A_507 = arith.constant 384 : i32
      %broadcast_in_dim3A_508 = vector.broadcast %broadcast_in_dim3A_507 : i32 to vector<16xi32>
      %add3A_509 = vector.broadcast %scan3A_294 : i32 to vector<16xi32>
      %add3A_510 = arith.addi %broadcast_in_dim3A_508, %add3A_509 : vector<16xi32>
      tpu.vector_store_idx %arg12[%add3A_510], %broadcast_in_dim3A_506 masked %eq3A_4 : memref<1024xf32, #tpu.memory_space<vmem>>[vector<16xi32>], vector<16xf32>, vector<16xi1>
      %reduce_sum3A_511 = arith.constant true
      %reduce_sum3A_512 = vector.broadcast %reduce_sum3A_511 : i1 to vector<16xi1>
      %reduce_sum3A_513 = tpu.scan <sum>, %add3A_500 masked %reduce_sum3A_512 : vector<16xf32>, vector<16xi1> -> vector<16xf32>
      %reduce_sum3A_514 = vector.extract %reduce_sum3A_513[15] : f32 from vector<16xf32>
      %broadcast_in_dim3A_515 = vector.broadcast %reduce_sum3A_514 : f32 to vector<16xf32>
      %broadcast_in_dim3A_516 = arith.constant 400 : i32
      %broadcast_in_dim3A_517 = vector.broadcast %broadcast_in_dim3A_516 : i32 to vector<16xi32>
      %add3A_518 = vector.broadcast %scan3A_294 : i32 to vector<16xi32>
      %add3A_519 = arith.addi %broadcast_in_dim3A_517, %add3A_518 : vector<16xi32>
      tpu.vector_store_idx %arg12[%add3A_519], %broadcast_in_dim3A_515 masked %eq3A_4 : memref<1024xf32, #tpu.memory_space<vmem>>[vector<16xi32>], vector<16xf32>, vector<16xi1>
      %reduce_sum3A_520 = arith.constant true
      %reduce_sum3A_521 = vector.broadcast %reduce_sum3A_520 : i1 to vector<16xi1>
      %reduce_sum3A_522 = tpu.scan <sum>, %add3A_502 masked %reduce_sum3A_521 : vector<16xf32>, vector<16xi1> -> vector<16xf32>
      %reduce_sum3A_523 = vector.extract %reduce_sum3A_522[15] : f32 from vector<16xf32>
      %broadcast_in_dim3A_524 = vector.broadcast %reduce_sum3A_523 : f32 to vector<16xf32>
      %broadcast_in_dim3A_525 = arith.constant 416 : i32
      %broadcast_in_dim3A_526 = vector.broadcast %broadcast_in_dim3A_525 : i32 to vector<16xi32>
      %add3A_527 = vector.broadcast %scan3A_294 : i32 to vector<16xi32>
      %add3A_528 = arith.addi %broadcast_in_dim3A_526, %add3A_527 : vector<16xi32>
      tpu.vector_store_idx %arg12[%add3A_528], %broadcast_in_dim3A_524 masked %eq3A_4 : memref<1024xf32, #tpu.memory_space<vmem>>[vector<16xi32>], vector<16xf32>, vector<16xi1>
      %scan3A_529 = arith.constant 0 : i32
      scf.yield %scan3A_529 : i32
    }
    %scan3A_244 = arith.constant 16 : i32
    %get3A_245 = arith.constant 112 : index
    %get3A_246 = tpu.vector_load %arg8[%get3A_245] {strides = array<i32>} : memref<336xi32, #tpu.memory_space<vmem>>, vector<16xi32>,
    %gather3A_247 = tpu.vector_load_idx %arg9[%get3A_246] : memref<1024xf32, #tpu.memory_space<vmem>>[vector<16xi32>], vector<16xf32>,
    %abs3A_248 = math.absf %gather3A_247 : vector<16xf32>
    %add3A_249 = arith.constant 432 : i32
    %add3A_250 = vector.broadcast %add3A_249 : i32 to vector<16xi32>
    %add3A_251 = arith.addi %iota3A, %add3A_250 : vector<16xi32>
    tpu.vector_store_idx %arg12[%add3A_251], %abs3A_248 : memref<1024xf32, #tpu.memory_space<vmem>>[vector<16xi32>], vector<16xf32>,
    %get3A_252 = arith.constant 128 : index
    %get3A_253 = tpu.vector_load %arg8[%get3A_252] {strides = array<i32>} : memref<336xi32, #tpu.memory_space<vmem>>, vector<16xi32>,
    %gather3A_254 = tpu.vector_load_idx %arg9[%get3A_253] : memref<1024xf32, #tpu.memory_space<vmem>>[vector<16xi32>], vector<16xf32>,
    %abs3A_255 = math.absf %gather3A_254 : vector<16xf32>
    %add3A_256 = arith.constant 448 : i32
    %add3A_257 = vector.broadcast %add3A_256 : i32 to vector<16xi32>
    %add3A_258 = arith.addi %iota3A, %add3A_257 : vector<16xi32>
    tpu.vector_store_idx %arg12[%add3A_258], %abs3A_255 : memref<1024xf32, #tpu.memory_space<vmem>>[vector<16xi32>], vector<16xf32>,
    %scan3A_259 = arith.constant 0 : i32
    %scan3A_260 = arith.constant 0 : i32
    %scan3A_261 = arith.constant 16 : i32
    %scan3A_262 = arith.addi %scan3A_260, %scan3A_261 : i32
    %scan3A_263 = arith.constant 1 : i32
    %scan3A_264 = scf.for %scan3A_294 = %scan3A_260 to %scan3A_262 step %scan3A_263 iter_args(%scan3A_295 = %scan3A_259) -> (i32)  : i32 {
      %add3A_296 = arith.constant 176 : i32
      %add3A_297 = arith.addi %add3A_296, %scan3A_294 : i32
      %get3A_298 = arith.index_cast %add3A_297 : i32 to index
      %get3A_299 = arith.constant 0 : index
      %get3A_300 = tpu.vector_load %arg10[%get3A_298, %get3A_299] {strides = array<i32>} : memref<208x128xf32, #tpu.memory_space<vmem>>, vector<16xf32>,
      %add3A_301 = arith.constant 112 : i32
      %add3A_302 = arith.addi %add3A_301, %scan3A_294 : i32
      %get3A_303 = arith.index_cast %add3A_302 : i32 to index
      %get3A_304 = arith.constant 0 : index
      %get3A_305 = tpu.vector_load %arg11[%get3A_303, %get3A_304] {strides = array<i32>} : memref<128x128xf32, #tpu.memory_space<vmem>>, vector<16xf32>,
      %add3A_306 = arith.constant 192 : i32
      %add3A_307 = arith.addi %add3A_306, %scan3A_294 : i32
      %get3A_308 = arith.index_cast %add3A_307 : i32 to index
      %get3A_309 = arith.constant 0 : index
      %get3A_310 = tpu.vector_load %arg10[%get3A_308, %get3A_309] {strides = array<i32>} : memref<208x128xf32, #tpu.memory_space<vmem>>, vector<16xf32>,
      %mul3A_311 = arith.constant 1.000000e+00 : f32
      %mul3A_312 = vector.broadcast %mul3A_311 : f32 to vector<16xf32>
      %mul3A_313 = arith.mulf %mul3A_312, %get3A_305 : vector<16xf32>
      %add3A_314 = arith.addf %get3A_300, %mul3A_313 : vector<16xf32>
      %sub3A = arith.subf %add3A_314, %get3A_310 : vector<16xf32>
      %mul3A_315 = arith.mulf %sub3A, %sub3A : vector<16xf32>
      %add3A_316 = arith.addf %broadcast_in_dim3A_156, %mul3A_315 : vector<16xf32>
      %mul3A_317 = arith.mulf %get3A_300, %get3A_300 : vector<16xf32>
      %add3A_318 = arith.addf %broadcast_in_dim3A_156, %mul3A_317 : vector<16xf32>
      %mul3A_319 = arith.mulf %get3A_310, %get3A_310 : vector<16xf32>
      %add3A_320 = arith.addf %broadcast_in_dim3A_156, %mul3A_319 : vector<16xf32>
      %add3A_321 = arith.constant 176 : i32
      %add3A_322 = arith.addi %add3A_321, %scan3A_294 : i32
      %get3A_323 = arith.index_cast %add3A_322 : i32 to index
      %get3A_324 = arith.constant 16 : index
      %get3A_325 = tpu.vector_load %arg10[%get3A_323, %get3A_324] {strides = array<i32>} : memref<208x128xf32, #tpu.memory_space<vmem>>, vector<16xf32>,
      %add3A_326 = arith.constant 112 : i32
      %add3A_327 = arith.addi %add3A_326, %scan3A_294 : i32
      %get3A_328 = arith.index_cast %add3A_327 : i32 to index
      %get3A_329 = arith.constant 16 : index
      %get3A_330 = tpu.vector_load %arg11[%get3A_328, %get3A_329] {strides = array<i32>} : memref<128x128xf32, #tpu.memory_space<vmem>>, vector<16xf32>,
      %add3A_331 = arith.constant 192 : i32
      %add3A_332 = arith.addi %add3A_331, %scan3A_294 : i32
      %get3A_333 = arith.index_cast %add3A_332 : i32 to index
      %get3A_334 = arith.constant 16 : index
      %get3A_335 = tpu.vector_load %arg10[%get3A_333, %get3A_334] {strides = array<i32>} : memref<208x128xf32, #tpu.memory_space<vmem>>, vector<16xf32>,
      %mul3A_336 = arith.constant 1.000000e+00 : f32
      %mul3A_337 = vector.broadcast %mul3A_336 : f32 to vector<16xf32>
      %mul3A_338 = arith.mulf %mul3A_337, %get3A_330 : vector<16xf32>
      %add3A_339 = arith.addf %get3A_325, %mul3A_338 : vector<16xf32>
      %sub3A_340 = arith.subf %add3A_339, %get3A_335 : vector<16xf32>
      %mul3A_341 = arith.mulf %sub3A_340, %sub3A_340 : vector<16xf32>
      %add3A_342 = arith.addf %add3A_316, %mul3A_341 : vector<16xf32>
      %mul3A_343 = arith.mulf %get3A_325, %get3A_325 : vector<16xf32>
      %add3A_344 = arith.addf %add3A_318, %mul3A_343 : vector<16xf32>
      %mul3A_345 = arith.mulf %get3A_335, %get3A_335 : vector<16xf32>
      %add3A_346 = arith.addf %add3A_320, %mul3A_345 : vector<16xf32>
      %add3A_347 = arith.constant 176 : i32
      %add3A_348 = arith.addi %add3A_347, %scan3A_294 : i32
      %get3A_349 = arith.index_cast %add3A_348 : i32 to index
      %get3A_350 = arith.constant 32 : index
      %get3A_351 = tpu.vector_load %arg10[%get3A_349, %get3A_350] {strides = array<i32>} : memref<208x128xf32, #tpu.memory_space<vmem>>, vector<16xf32>,
      %add3A_352 = arith.constant 112 : i32
      %add3A_353 = arith.addi %add3A_352, %scan3A_294 : i32
      %get3A_354 = arith.index_cast %add3A_353 : i32 to index
      %get3A_355 = arith.constant 32 : index
      %get3A_356 = tpu.vector_load %arg11[%get3A_354, %get3A_355] {strides = array<i32>} : memref<128x128xf32, #tpu.memory_space<vmem>>, vector<16xf32>,
      %add3A_357 = arith.constant 192 : i32
      %add3A_358 = arith.addi %add3A_357, %scan3A_294 : i32
      %get3A_359 = arith.index_cast %add3A_358 : i32 to index
      %get3A_360 = arith.constant 32 : index
      %get3A_361 = tpu.vector_load %arg10[%get3A_359, %get3A_360] {strides = array<i32>} : memref<208x128xf32, #tpu.memory_space<vmem>>, vector<16xf32>,
      %mul3A_362 = arith.constant 1.000000e+00 : f32
      %mul3A_363 = vector.broadcast %mul3A_362 : f32 to vector<16xf32>
      %mul3A_364 = arith.mulf %mul3A_363, %get3A_356 : vector<16xf32>
      %add3A_365 = arith.addf %get3A_351, %mul3A_364 : vector<16xf32>
      %sub3A_366 = arith.subf %add3A_365, %get3A_361 : vector<16xf32>
      %mul3A_367 = arith.mulf %sub3A_366, %sub3A_366 : vector<16xf32>
      %add3A_368 = arith.addf %add3A_342, %mul3A_367 : vector<16xf32>
      %mul3A_369 = arith.mulf %get3A_351, %get3A_351 : vector<16xf32>
      %add3A_370 = arith.addf %add3A_344, %mul3A_369 : vector<16xf32>
      %mul3A_371 = arith.mulf %get3A_361, %get3A_361 : vector<16xf32>
      %add3A_372 = arith.addf %add3A_346, %mul3A_371 : vector<16xf32>
      %add3A_373 = arith.constant 176 : i32
      %add3A_374 = arith.addi %add3A_373, %scan3A_294 : i32
      %get3A_375 = arith.index_cast %add3A_374 : i32 to index
      %get3A_376 = arith.constant 48 : index
      %get3A_377 = tpu.vector_load %arg10[%get3A_375, %get3A_376] {strides = array<i32>} : memref<208x128xf32, #tpu.memory_space<vmem>>, vector<16xf32>,
      %add3A_378 = arith.constant 112 : i32
      %add3A_379 = arith.addi %add3A_378, %scan3A_294 : i32
      %get3A_380 = arith.index_cast %add3A_379 : i32 to index
      %get3A_381 = arith.constant 48 : index
      %get3A_382 = tpu.vector_load %arg11[%get3A_380, %get3A_381] {strides = array<i32>} : memref<128x128xf32, #tpu.memory_space<vmem>>, vector<16xf32>,
      %add3A_383 = arith.constant 192 : i32
      %add3A_384 = arith.addi %add3A_383, %scan3A_294 : i32
      %get3A_385 = arith.index_cast %add3A_384 : i32 to index
      %get3A_386 = arith.constant 48 : index
      %get3A_387 = tpu.vector_load %arg10[%get3A_385, %get3A_386] {strides = array<i32>} : memref<208x128xf32, #tpu.memory_space<vmem>>, vector<16xf32>,
      %mul3A_388 = arith.constant 1.000000e+00 : f32
      %mul3A_389 = vector.broadcast %mul3A_388 : f32 to vector<16xf32>
      %mul3A_390 = arith.mulf %mul3A_389, %get3A_382 : vector<16xf32>
      %add3A_391 = arith.addf %get3A_377, %mul3A_390 : vector<16xf32>
      %sub3A_392 = arith.subf %add3A_391, %get3A_387 : vector<16xf32>
      %mul3A_393 = arith.mulf %sub3A_392, %sub3A_392 : vector<16xf32>
      %add3A_394 = arith.addf %add3A_368, %mul3A_393 : vector<16xf32>
      %mul3A_395 = arith.mulf %get3A_377, %get3A_377 : vector<16xf32>
      %add3A_396 = arith.addf %add3A_370, %mul3A_395 : vector<16xf32>
      %mul3A_397 = arith.mulf %get3A_387, %get3A_387 : vector<16xf32>
      %add3A_398 = arith.addf %add3A_372, %mul3A_397 : vector<16xf32>
      %add3A_399 = arith.constant 176 : i32
      %add3A_400 = arith.addi %add3A_399, %scan3A_294 : i32
      %get3A_401 = arith.index_cast %add3A_400 : i32 to index
      %get3A_402 = arith.constant 64 : index
      %get3A_403 = tpu.vector_load %arg10[%get3A_401, %get3A_402] {strides = array<i32>} : memref<208x128xf32, #tpu.memory_space<vmem>>, vector<16xf32>,
      %add3A_404 = arith.constant 112 : i32
      %add3A_405 = arith.addi %add3A_404, %scan3A_294 : i32
      %get3A_406 = arith.index_cast %add3A_405 : i32 to index
      %get3A_407 = arith.constant 64 : index
      %get3A_408 = tpu.vector_load %arg11[%get3A_406, %get3A_407] {strides = array<i32>} : memref<128x128xf32, #tpu.memory_space<vmem>>, vector<16xf32>,
      %add3A_409 = arith.constant 192 : i32
      %add3A_410 = arith.addi %add3A_409, %scan3A_294 : i32
      %get3A_411 = arith.index_cast %add3A_410 : i32 to index
      %get3A_412 = arith.constant 64 : index
      %get3A_413 = tpu.vector_load %arg10[%get3A_411, %get3A_412] {strides = array<i32>} : memref<208x128xf32, #tpu.memory_space<vmem>>, vector<16xf32>,
      %mul3A_414 = arith.constant 1.000000e+00 : f32
      %mul3A_415 = vector.broadcast %mul3A_414 : f32 to vector<16xf32>
      %mul3A_416 = arith.mulf %mul3A_415, %get3A_408 : vector<16xf32>
      %add3A_417 = arith.addf %get3A_403, %mul3A_416 : vector<16xf32>
      %sub3A_418 = arith.subf %add3A_417, %get3A_413 : vector<16xf32>
      %mul3A_419 = arith.mulf %sub3A_418, %sub3A_418 : vector<16xf32>
      %add3A_420 = arith.addf %add3A_394, %mul3A_419 : vector<16xf32>
      %mul3A_421 = arith.mulf %get3A_403, %get3A_403 : vector<16xf32>
      %add3A_422 = arith.addf %add3A_396, %mul3A_421 : vector<16xf32>
      %mul3A_423 = arith.mulf %get3A_413, %get3A_413 : vector<16xf32>
      %add3A_424 = arith.addf %add3A_398, %mul3A_423 : vector<16xf32>
      %add3A_425 = arith.constant 176 : i32
      %add3A_426 = arith.addi %add3A_425, %scan3A_294 : i32
      %get3A_427 = arith.index_cast %add3A_426 : i32 to index
      %get3A_428 = arith.constant 80 : index
      %get3A_429 = tpu.vector_load %arg10[%get3A_427, %get3A_428] {strides = array<i32>} : memref<208x128xf32, #tpu.memory_space<vmem>>, vector<16xf32>,
      %add3A_430 = arith.constant 112 : i32
      %add3A_431 = arith.addi %add3A_430, %scan3A_294 : i32
      %get3A_432 = arith.index_cast %add3A_431 : i32 to index
      %get3A_433 = arith.constant 80 : index
      %get3A_434 = tpu.vector_load %arg11[%get3A_432, %get3A_433] {strides = array<i32>} : memref<128x128xf32, #tpu.memory_space<vmem>>, vector<16xf32>,
      %add3A_435 = arith.constant 192 : i32
      %add3A_436 = arith.addi %add3A_435, %scan3A_294 : i32
      %get3A_437 = arith.index_cast %add3A_436 : i32 to index
      %get3A_438 = arith.constant 80 : index
      %get3A_439 = tpu.vector_load %arg10[%get3A_437, %get3A_438] {strides = array<i32>} : memref<208x128xf32, #tpu.memory_space<vmem>>, vector<16xf32>,
      %mul3A_440 = arith.constant 1.000000e+00 : f32
      %mul3A_441 = vector.broadcast %mul3A_440 : f32 to vector<16xf32>
      %mul3A_442 = arith.mulf %mul3A_441, %get3A_434 : vector<16xf32>
      %add3A_443 = arith.addf %get3A_429, %mul3A_442 : vector<16xf32>
      %sub3A_444 = arith.subf %add3A_443, %get3A_439 : vector<16xf32>
      %mul3A_445 = arith.mulf %sub3A_444, %sub3A_444 : vector<16xf32>
      %add3A_446 = arith.addf %add3A_420, %mul3A_445 : vector<16xf32>
      %mul3A_447 = arith.mulf %get3A_429, %get3A_429 : vector<16xf32>
      %add3A_448 = arith.addf %add3A_422, %mul3A_447 : vector<16xf32>
      %mul3A_449 = arith.mulf %get3A_439, %get3A_439 : vector<16xf32>
      %add3A_450 = arith.addf %add3A_424, %mul3A_449 : vector<16xf32>
      %add3A_451 = arith.constant 176 : i32
      %add3A_452 = arith.addi %add3A_451, %scan3A_294 : i32
      %get3A_453 = arith.index_cast %add3A_452 : i32 to index
      %get3A_454 = arith.constant 96 : index
      %get3A_455 = tpu.vector_load %arg10[%get3A_453, %get3A_454] {strides = array<i32>} : memref<208x128xf32, #tpu.memory_space<vmem>>, vector<16xf32>,
      %add3A_456 = arith.constant 112 : i32
      %add3A_457 = arith.addi %add3A_456, %scan3A_294 : i32
      %get3A_458 = arith.index_cast %add3A_457 : i32 to index
      %get3A_459 = arith.constant 96 : index
      %get3A_460 = tpu.vector_load %arg11[%get3A_458, %get3A_459] {strides = array<i32>} : memref<128x128xf32, #tpu.memory_space<vmem>>, vector<16xf32>,
      %add3A_461 = arith.constant 192 : i32
      %add3A_462 = arith.addi %add3A_461, %scan3A_294 : i32
      %get3A_463 = arith.index_cast %add3A_462 : i32 to index
      %get3A_464 = arith.constant 96 : index
      %get3A_465 = tpu.vector_load %arg10[%get3A_463, %get3A_464] {strides = array<i32>} : memref<208x128xf32, #tpu.memory_space<vmem>>, vector<16xf32>,
      %mul3A_466 = arith.constant 1.000000e+00 : f32
      %mul3A_467 = vector.broadcast %mul3A_466 : f32 to vector<16xf32>
      %mul3A_468 = arith.mulf %mul3A_467, %get3A_460 : vector<16xf32>
      %add3A_469 = arith.addf %get3A_455, %mul3A_468 : vector<16xf32>
      %sub3A_470 = arith.subf %add3A_469, %get3A_465 : vector<16xf32>
      %mul3A_471 = arith.mulf %sub3A_470, %sub3A_470 : vector<16xf32>
      %add3A_472 = arith.addf %add3A_446, %mul3A_471 : vector<16xf32>
      %mul3A_473 = arith.mulf %get3A_455, %get3A_455 : vector<16xf32>
      %add3A_474 = arith.addf %add3A_448, %mul3A_473 : vector<16xf32>
      %mul3A_475 = arith.mulf %get3A_465, %get3A_465 : vector<16xf32>
      %add3A_476 = arith.addf %add3A_450, %mul3A_475 : vector<16xf32>
      %add3A_477 = arith.constant 176 : i32
      %add3A_478 = arith.addi %add3A_477, %scan3A_294 : i32
      %get3A_479 = arith.index_cast %add3A_478 : i32 to index
      %get3A_480 = arith.constant 112 : index
      %get3A_481 = tpu.vector_load %arg10[%get3A_479, %get3A_480] {strides = array<i32>} : memref<208x128xf32, #tpu.memory_space<vmem>>, vector<16xf32>,
      %add3A_482 = arith.constant 112 : i32
      %add3A_483 = arith.addi %add3A_482, %scan3A_294 : i32
      %get3A_484 = arith.index_cast %add3A_483 : i32 to index
      %get3A_485 = arith.constant 112 : index
      %get3A_486 = tpu.vector_load %arg11[%get3A_484, %get3A_485] {strides = array<i32>} : memref<128x128xf32, #tpu.memory_space<vmem>>, vector<16xf32>,
      %add3A_487 = arith.constant 192 : i32
      %add3A_488 = arith.addi %add3A_487, %scan3A_294 : i32
      %get3A_489 = arith.index_cast %add3A_488 : i32 to index
      %get3A_490 = arith.constant 112 : index
      %get3A_491 = tpu.vector_load %arg10[%get3A_489, %get3A_490] {strides = array<i32>} : memref<208x128xf32, #tpu.memory_space<vmem>>, vector<16xf32>,
      %mul3A_492 = arith.constant 1.000000e+00 : f32
      %mul3A_493 = vector.broadcast %mul3A_492 : f32 to vector<16xf32>
      %mul3A_494 = arith.mulf %mul3A_493, %get3A_486 : vector<16xf32>
      %add3A_495 = arith.addf %get3A_481, %mul3A_494 : vector<16xf32>
      %sub3A_496 = arith.subf %add3A_495, %get3A_491 : vector<16xf32>
      %mul3A_497 = arith.mulf %sub3A_496, %sub3A_496 : vector<16xf32>
      %add3A_498 = arith.addf %add3A_472, %mul3A_497 : vector<16xf32>
      %mul3A_499 = arith.mulf %get3A_481, %get3A_481 : vector<16xf32>
      %add3A_500 = arith.addf %add3A_474, %mul3A_499 : vector<16xf32>
      %mul3A_501 = arith.mulf %get3A_491, %get3A_491 : vector<16xf32>
      %add3A_502 = arith.addf %add3A_476, %mul3A_501 : vector<16xf32>
      %reduce_sum3A = arith.constant true
      %reduce_sum3A_503 = vector.broadcast %reduce_sum3A : i1 to vector<16xi1>
      %reduce_sum3A_504 = tpu.scan <sum>, %add3A_498 masked %reduce_sum3A_503 : vector<16xf32>, vector<16xi1> -> vector<16xf32>
      %reduce_sum3A_505 = vector.extract %reduce_sum3A_504[15] : f32 from vector<16xf32>
      %broadcast_in_dim3A_506 = vector.broadcast %reduce_sum3A_505 : f32 to vector<16xf32>
      %broadcast_in_dim3A_507 = arith.constant 896 : i32
      %broadcast_in_dim3A_508 = vector.broadcast %broadcast_in_dim3A_507 : i32 to vector<16xi32>
      %add3A_509 = vector.broadcast %scan3A_294 : i32 to vector<16xi32>
      %add3A_510 = arith.addi %broadcast_in_dim3A_508, %add3A_509 : vector<16xi32>
      tpu.vector_store_idx %arg12[%add3A_510], %broadcast_in_dim3A_506 masked %eq3A_4 : memref<1024xf32, #tpu.memory_space<vmem>>[vector<16xi32>], vector<16xf32>, vector<16xi1>
      %reduce_sum3A_511 = arith.constant true
      %reduce_sum3A_512 = vector.broadcast %reduce_sum3A_511 : i1 to vector<16xi1>
      %reduce_sum3A_513 = tpu.scan <sum>, %add3A_500 masked %reduce_sum3A_512 : vector<16xf32>, vector<16xi1> -> vector<16xf32>
      %reduce_sum3A_514 = vector.extract %reduce_sum3A_513[15] : f32 from vector<16xf32>
      %broadcast_in_dim3A_515 = vector.broadcast %reduce_sum3A_514 : f32 to vector<16xf32>
      %broadcast_in_dim3A_516 = arith.constant 912 : i32
      %broadcast_in_dim3A_517 = vector.broadcast %broadcast_in_dim3A_516 : i32 to vector<16xi32>
      %add3A_518 = vector.broadcast %scan3A_294 : i32 to vector<16xi32>
      %add3A_519 = arith.addi %broadcast_in_dim3A_517, %add3A_518 : vector<16xi32>
      tpu.vector_store_idx %arg12[%add3A_519], %broadcast_in_dim3A_515 masked %eq3A_4 : memref<1024xf32, #tpu.memory_space<vmem>>[vector<16xi32>], vector<16xf32>, vector<16xi1>
      %reduce_sum3A_520 = arith.constant true
      %reduce_sum3A_521 = vector.broadcast %reduce_sum3A_520 : i1 to vector<16xi1>
      %reduce_sum3A_522 = tpu.scan <sum>, %add3A_502 masked %reduce_sum3A_521 : vector<16xf32>, vector<16xi1> -> vector<16xf32>
      %reduce_sum3A_523 = vector.extract %reduce_sum3A_522[15] : f32 from vector<16xf32>
      %broadcast_in_dim3A_524 = vector.broadcast %reduce_sum3A_523 : f32 to vector<16xf32>
      %broadcast_in_dim3A_525 = arith.constant 928 : i32
      %broadcast_in_dim3A_526 = vector.broadcast %broadcast_in_dim3A_525 : i32 to vector<16xi32>
      %add3A_527 = vector.broadcast %scan3A_294 : i32 to vector<16xi32>
      %add3A_528 = arith.addi %broadcast_in_dim3A_526, %add3A_527 : vector<16xi32>
      tpu.vector_store_idx %arg12[%add3A_528], %broadcast_in_dim3A_524 masked %eq3A_4 : memref<1024xf32, #tpu.memory_space<vmem>>[vector<16xi32>], vector<16xf32>, vector<16xi1>
      %scan3A_529 = arith.constant 0 : i32
      scf.yield %scan3A_529 : i32
    }
    %scan3A_265 = arith.constant 16 : i32
    %get3A_266 = arith.constant 176 : index
    %get3A_267 = tpu.vector_load %arg8[%get3A_266] {strides = array<i32>} : memref<336xi32, #tpu.memory_space<vmem>>, vector<16xi32>,
    %gather3A_268 = tpu.vector_load_idx %arg9[%get3A_267] : memref<1024xf32, #tpu.memory_space<vmem>>[vector<16xi32>], vector<16xf32>,
    %abs3A_269 = math.absf %gather3A_268 : vector<16xf32>
    %add3A_270 = arith.constant 944 : i32
    %add3A_271 = vector.broadcast %add3A_270 : i32 to vector<16xi32>
    %add3A_272 = arith.addi %iota3A, %add3A_271 : vector<16xi32>
    tpu.vector_store_idx %arg12[%add3A_272], %abs3A_269 : memref<1024xf32, #tpu.memory_space<vmem>>[vector<16xi32>], vector<16xf32>,
    %get3A_273 = arith.constant 192 : index
    %get3A_274 = tpu.vector_load %arg8[%get3A_273] {strides = array<i32>} : memref<336xi32, #tpu.memory_space<vmem>>, vector<16xi32>,
    %gather3A_275 = tpu.vector_load_idx %arg9[%get3A_274] : memref<1024xf32, #tpu.memory_space<vmem>>[vector<16xi32>], vector<16xf32>,
    %abs3A_276 = math.absf %gather3A_275 : vector<16xf32>
    %add3A_277 = arith.constant 960 : i32
    %add3A_278 = vector.broadcast %add3A_277 : i32 to vector<16xi32>
    %add3A_279 = arith.addi %iota3A, %add3A_278 : vector<16xi32>
    tpu.vector_store_idx %arg12[%add3A_279], %abs3A_276 : memref<1024xf32, #tpu.memory_space<vmem>>[vector<16xi32>], vector<16xf32>,
    %scan3A_280 = arith.constant 0 : i32
    %scan3A_281 = arith.constant 0 : i32
    %scan3A_282 = arith.constant 16 : i32
    %scan3A_283 = arith.addi %scan3A_281, %scan3A_282 : i32
    %scan3A_284 = arith.constant 1 : i32
    %scan3A_285 = scf.for %scan3A_294 = %scan3A_281 to %scan3A_283 step %scan3A_284 iter_args(%scan3A_295 = %scan3A_280) -> (i32)  : i32 {
      %add3A_296 = arith.constant 32 : i32
      %add3A_297 = arith.addi %add3A_296, %scan3A_294 : i32
      %get3A_298 = arith.index_cast %add3A_297 : i32 to index
      %get3A_299 = arith.constant 0 : index
      %get3A_300 = tpu.vector_load %arg11[%get3A_298, %get3A_299] {strides = array<i32>} : memref<128x128xf32, #tpu.memory_space<vmem>>, vector<16xf32>,
      %add3A_301 = arith.constant 48 : i32
      %add3A_302 = arith.addi %add3A_301, %scan3A_294 : i32
      %get3A_303 = arith.index_cast %add3A_302 : i32 to index
      %get3A_304 = arith.constant 0 : index
      %get3A_305 = tpu.vector_load %arg11[%get3A_303, %get3A_304] {strides = array<i32>} : memref<128x128xf32, #tpu.memory_space<vmem>>, vector<16xf32>,
      %sub3A = arith.subf %get3A_305, %get3A_300 : vector<16xf32>
      %mul3A_306 = arith.mulf %sub3A, %sub3A : vector<16xf32>
      %add3A_307 = arith.addf %broadcast_in_dim3A_156, %mul3A_306 : vector<16xf32>
      %mul3A_308 = arith.mulf %get3A_300, %get3A_305 : vector<16xf32>
      %add3A_309 = arith.addf %broadcast_in_dim3A_156, %mul3A_308 : vector<16xf32>
      %mul3A_310 = arith.mulf %get3A_300, %get3A_300 : vector<16xf32>
      %add3A_311 = arith.addf %broadcast_in_dim3A_156, %mul3A_310 : vector<16xf32>
      %mul3A_312 = arith.mulf %get3A_305, %get3A_305 : vector<16xf32>
      %add3A_313 = arith.addf %broadcast_in_dim3A_156, %mul3A_312 : vector<16xf32>
      %add3A_314 = arith.constant 32 : i32
      %add3A_315 = arith.addi %add3A_314, %scan3A_294 : i32
      %get3A_316 = arith.index_cast %add3A_315 : i32 to index
      %get3A_317 = arith.constant 16 : index
      %get3A_318 = tpu.vector_load %arg11[%get3A_316, %get3A_317] {strides = array<i32>} : memref<128x128xf32, #tpu.memory_space<vmem>>, vector<16xf32>,
      %add3A_319 = arith.constant 48 : i32
      %add3A_320 = arith.addi %add3A_319, %scan3A_294 : i32
      %get3A_321 = arith.index_cast %add3A_320 : i32 to index
      %get3A_322 = arith.constant 16 : index
      %get3A_323 = tpu.vector_load %arg11[%get3A_321, %get3A_322] {strides = array<i32>} : memref<128x128xf32, #tpu.memory_space<vmem>>, vector<16xf32>,
      %sub3A_324 = arith.subf %get3A_323, %get3A_318 : vector<16xf32>
      %mul3A_325 = arith.mulf %sub3A_324, %sub3A_324 : vector<16xf32>
      %add3A_326 = arith.addf %add3A_307, %mul3A_325 : vector<16xf32>
      %mul3A_327 = arith.mulf %get3A_318, %get3A_323 : vector<16xf32>
      %add3A_328 = arith.addf %add3A_309, %mul3A_327 : vector<16xf32>
      %mul3A_329 = arith.mulf %get3A_318, %get3A_318 : vector<16xf32>
      %add3A_330 = arith.addf %add3A_311, %mul3A_329 : vector<16xf32>
      %mul3A_331 = arith.mulf %get3A_323, %get3A_323 : vector<16xf32>
      %add3A_332 = arith.addf %add3A_313, %mul3A_331 : vector<16xf32>
      %add3A_333 = arith.constant 32 : i32
      %add3A_334 = arith.addi %add3A_333, %scan3A_294 : i32
      %get3A_335 = arith.index_cast %add3A_334 : i32 to index
      %get3A_336 = arith.constant 32 : index
      %get3A_337 = tpu.vector_load %arg11[%get3A_335, %get3A_336] {strides = array<i32>} : memref<128x128xf32, #tpu.memory_space<vmem>>, vector<16xf32>,
      %add3A_338 = arith.constant 48 : i32
      %add3A_339 = arith.addi %add3A_338, %scan3A_294 : i32
      %get3A_340 = arith.index_cast %add3A_339 : i32 to index
      %get3A_341 = arith.constant 32 : index
      %get3A_342 = tpu.vector_load %arg11[%get3A_340, %get3A_341] {strides = array<i32>} : memref<128x128xf32, #tpu.memory_space<vmem>>, vector<16xf32>,
      %sub3A_343 = arith.subf %get3A_342, %get3A_337 : vector<16xf32>
      %mul3A_344 = arith.mulf %sub3A_343, %sub3A_343 : vector<16xf32>
      %add3A_345 = arith.addf %add3A_326, %mul3A_344 : vector<16xf32>
      %mul3A_346 = arith.mulf %get3A_337, %get3A_342 : vector<16xf32>
      %add3A_347 = arith.addf %add3A_328, %mul3A_346 : vector<16xf32>
      %mul3A_348 = arith.mulf %get3A_337, %get3A_337 : vector<16xf32>
      %add3A_349 = arith.addf %add3A_330, %mul3A_348 : vector<16xf32>
      %mul3A_350 = arith.mulf %get3A_342, %get3A_342 : vector<16xf32>
      %add3A_351 = arith.addf %add3A_332, %mul3A_350 : vector<16xf32>
      %add3A_352 = arith.constant 32 : i32
      %add3A_353 = arith.addi %add3A_352, %scan3A_294 : i32
      %get3A_354 = arith.index_cast %add3A_353 : i32 to index
      %get3A_355 = arith.constant 48 : index
      %get3A_356 = tpu.vector_load %arg11[%get3A_354, %get3A_355] {strides = array<i32>} : memref<128x128xf32, #tpu.memory_space<vmem>>, vector<16xf32>,
      %add3A_357 = arith.constant 48 : i32
      %add3A_358 = arith.addi %add3A_357, %scan3A_294 : i32
      %get3A_359 = arith.index_cast %add3A_358 : i32 to index
      %get3A_360 = arith.constant 48 : index
      %get3A_361 = tpu.vector_load %arg11[%get3A_359, %get3A_360] {strides = array<i32>} : memref<128x128xf32, #tpu.memory_space<vmem>>, vector<16xf32>,
      %sub3A_362 = arith.subf %get3A_361, %get3A_356 : vector<16xf32>
      %mul3A_363 = arith.mulf %sub3A_362, %sub3A_362 : vector<16xf32>
      %add3A_364 = arith.addf %add3A_345, %mul3A_363 : vector<16xf32>
      %mul3A_365 = arith.mulf %get3A_356, %get3A_361 : vector<16xf32>
      %add3A_366 = arith.addf %add3A_347, %mul3A_365 : vector<16xf32>
      %mul3A_367 = arith.mulf %get3A_356, %get3A_356 : vector<16xf32>
      %add3A_368 = arith.addf %add3A_349, %mul3A_367 : vector<16xf32>
      %mul3A_369 = arith.mulf %get3A_361, %get3A_361 : vector<16xf32>
      %add3A_370 = arith.addf %add3A_351, %mul3A_369 : vector<16xf32>
      %add3A_371 = arith.constant 32 : i32
      %add3A_372 = arith.addi %add3A_371, %scan3A_294 : i32
      %get3A_373 = arith.index_cast %add3A_372 : i32 to index
      %get3A_374 = arith.constant 64 : index
      %get3A_375 = tpu.vector_load %arg11[%get3A_373, %get3A_374] {strides = array<i32>} : memref<128x128xf32, #tpu.memory_space<vmem>>, vector<16xf32>,
      %add3A_376 = arith.constant 48 : i32
      %add3A_377 = arith.addi %add3A_376, %scan3A_294 : i32
      %get3A_378 = arith.index_cast %add3A_377 : i32 to index
      %get3A_379 = arith.constant 64 : index
      %get3A_380 = tpu.vector_load %arg11[%get3A_378, %get3A_379] {strides = array<i32>} : memref<128x128xf32, #tpu.memory_space<vmem>>, vector<16xf32>,
      %sub3A_381 = arith.subf %get3A_380, %get3A_375 : vector<16xf32>
      %mul3A_382 = arith.mulf %sub3A_381, %sub3A_381 : vector<16xf32>
      %add3A_383 = arith.addf %add3A_364, %mul3A_382 : vector<16xf32>
      %mul3A_384 = arith.mulf %get3A_375, %get3A_380 : vector<16xf32>
      %add3A_385 = arith.addf %add3A_366, %mul3A_384 : vector<16xf32>
      %mul3A_386 = arith.mulf %get3A_375, %get3A_375 : vector<16xf32>
      %add3A_387 = arith.addf %add3A_368, %mul3A_386 : vector<16xf32>
      %mul3A_388 = arith.mulf %get3A_380, %get3A_380 : vector<16xf32>
      %add3A_389 = arith.addf %add3A_370, %mul3A_388 : vector<16xf32>
      %add3A_390 = arith.constant 32 : i32
      %add3A_391 = arith.addi %add3A_390, %scan3A_294 : i32
      %get3A_392 = arith.index_cast %add3A_391 : i32 to index
      %get3A_393 = arith.constant 80 : index
      %get3A_394 = tpu.vector_load %arg11[%get3A_392, %get3A_393] {strides = array<i32>} : memref<128x128xf32, #tpu.memory_space<vmem>>, vector<16xf32>,
      %add3A_395 = arith.constant 48 : i32
      %add3A_396 = arith.addi %add3A_395, %scan3A_294 : i32
      %get3A_397 = arith.index_cast %add3A_396 : i32 to index
      %get3A_398 = arith.constant 80 : index
      %get3A_399 = tpu.vector_load %arg11[%get3A_397, %get3A_398] {strides = array<i32>} : memref<128x128xf32, #tpu.memory_space<vmem>>, vector<16xf32>,
      %sub3A_400 = arith.subf %get3A_399, %get3A_394 : vector<16xf32>
      %mul3A_401 = arith.mulf %sub3A_400, %sub3A_400 : vector<16xf32>
      %add3A_402 = arith.addf %add3A_383, %mul3A_401 : vector<16xf32>
      %mul3A_403 = arith.mulf %get3A_394, %get3A_399 : vector<16xf32>
      %add3A_404 = arith.addf %add3A_385, %mul3A_403 : vector<16xf32>
      %mul3A_405 = arith.mulf %get3A_394, %get3A_394 : vector<16xf32>
      %add3A_406 = arith.addf %add3A_387, %mul3A_405 : vector<16xf32>
      %mul3A_407 = arith.mulf %get3A_399, %get3A_399 : vector<16xf32>
      %add3A_408 = arith.addf %add3A_389, %mul3A_407 : vector<16xf32>
      %add3A_409 = arith.constant 32 : i32
      %add3A_410 = arith.addi %add3A_409, %scan3A_294 : i32
      %get3A_411 = arith.index_cast %add3A_410 : i32 to index
      %get3A_412 = arith.constant 96 : index
      %get3A_413 = tpu.vector_load %arg11[%get3A_411, %get3A_412] {strides = array<i32>} : memref<128x128xf32, #tpu.memory_space<vmem>>, vector<16xf32>,
      %add3A_414 = arith.constant 48 : i32
      %add3A_415 = arith.addi %add3A_414, %scan3A_294 : i32
      %get3A_416 = arith.index_cast %add3A_415 : i32 to index
      %get3A_417 = arith.constant 96 : index
      %get3A_418 = tpu.vector_load %arg11[%get3A_416, %get3A_417] {strides = array<i32>} : memref<128x128xf32, #tpu.memory_space<vmem>>, vector<16xf32>,
      %sub3A_419 = arith.subf %get3A_418, %get3A_413 : vector<16xf32>
      %mul3A_420 = arith.mulf %sub3A_419, %sub3A_419 : vector<16xf32>
      %add3A_421 = arith.addf %add3A_402, %mul3A_420 : vector<16xf32>
      %mul3A_422 = arith.mulf %get3A_413, %get3A_418 : vector<16xf32>
      %add3A_423 = arith.addf %add3A_404, %mul3A_422 : vector<16xf32>
      %mul3A_424 = arith.mulf %get3A_413, %get3A_413 : vector<16xf32>
      %add3A_425 = arith.addf %add3A_406, %mul3A_424 : vector<16xf32>
      %mul3A_426 = arith.mulf %get3A_418, %get3A_418 : vector<16xf32>
      %add3A_427 = arith.addf %add3A_408, %mul3A_426 : vector<16xf32>
      %add3A_428 = arith.constant 32 : i32
      %add3A_429 = arith.addi %add3A_428, %scan3A_294 : i32
      %get3A_430 = arith.index_cast %add3A_429 : i32 to index
      %get3A_431 = arith.constant 112 : index
      %get3A_432 = tpu.vector_load %arg11[%get3A_430, %get3A_431] {strides = array<i32>} : memref<128x128xf32, #tpu.memory_space<vmem>>, vector<16xf32>,
      %add3A_433 = arith.constant 48 : i32
      %add3A_434 = arith.addi %add3A_433, %scan3A_294 : i32
      %get3A_435 = arith.index_cast %add3A_434 : i32 to index
      %get3A_436 = arith.constant 112 : index
      %get3A_437 = tpu.vector_load %arg11[%get3A_435, %get3A_436] {strides = array<i32>} : memref<128x128xf32, #tpu.memory_space<vmem>>, vector<16xf32>,
      %sub3A_438 = arith.subf %get3A_437, %get3A_432 : vector<16xf32>
      %mul3A_439 = arith.mulf %sub3A_438, %sub3A_438 : vector<16xf32>
      %add3A_440 = arith.addf %add3A_421, %mul3A_439 : vector<16xf32>
      %mul3A_441 = arith.mulf %get3A_432, %get3A_437 : vector<16xf32>
      %add3A_442 = arith.addf %add3A_423, %mul3A_441 : vector<16xf32>
      %mul3A_443 = arith.mulf %get3A_432, %get3A_432 : vector<16xf32>
      %add3A_444 = arith.addf %add3A_425, %mul3A_443 : vector<16xf32>
      %mul3A_445 = arith.mulf %get3A_437, %get3A_437 : vector<16xf32>
      %add3A_446 = arith.addf %add3A_427, %mul3A_445 : vector<16xf32>
      %reduce_sum3A = arith.constant true
      %reduce_sum3A_447 = vector.broadcast %reduce_sum3A : i1 to vector<16xi1>
      %reduce_sum3A_448 = tpu.scan <sum>, %add3A_440 masked %reduce_sum3A_447 : vector<16xf32>, vector<16xi1> -> vector<16xf32>
      %reduce_sum3A_449 = vector.extract %reduce_sum3A_448[15] : f32 from vector<16xf32>
      %broadcast_in_dim3A_450 = vector.broadcast %reduce_sum3A_449 : f32 to vector<16xf32>
      %broadcast_in_dim3A_451 = arith.constant 640 : i32
      %broadcast_in_dim3A_452 = vector.broadcast %broadcast_in_dim3A_451 : i32 to vector<16xi32>
      %add3A_453 = vector.broadcast %scan3A_294 : i32 to vector<16xi32>
      %add3A_454 = arith.addi %broadcast_in_dim3A_452, %add3A_453 : vector<16xi32>
      tpu.vector_store_idx %arg12[%add3A_454], %broadcast_in_dim3A_450 masked %eq3A_4 : memref<1024xf32, #tpu.memory_space<vmem>>[vector<16xi32>], vector<16xf32>, vector<16xi1>
      %reduce_sum3A_455 = arith.constant true
      %reduce_sum3A_456 = vector.broadcast %reduce_sum3A_455 : i1 to vector<16xi1>
      %reduce_sum3A_457 = tpu.scan <sum>, %add3A_442 masked %reduce_sum3A_456 : vector<16xf32>, vector<16xi1> -> vector<16xf32>
      %reduce_sum3A_458 = vector.extract %reduce_sum3A_457[15] : f32 from vector<16xf32>
      %broadcast_in_dim3A_459 = vector.broadcast %reduce_sum3A_458 : f32 to vector<16xf32>
      %broadcast_in_dim3A_460 = arith.constant 656 : i32
      %broadcast_in_dim3A_461 = vector.broadcast %broadcast_in_dim3A_460 : i32 to vector<16xi32>
      %add3A_462 = vector.broadcast %scan3A_294 : i32 to vector<16xi32>
      %add3A_463 = arith.addi %broadcast_in_dim3A_461, %add3A_462 : vector<16xi32>
      tpu.vector_store_idx %arg12[%add3A_463], %broadcast_in_dim3A_459 masked %eq3A_4 : memref<1024xf32, #tpu.memory_space<vmem>>[vector<16xi32>], vector<16xf32>, vector<16xi1>
      %reduce_sum3A_464 = arith.constant true
      %reduce_sum3A_465 = vector.broadcast %reduce_sum3A_464 : i1 to vector<16xi1>
      %reduce_sum3A_466 = tpu.scan <sum>, %add3A_444 masked %reduce_sum3A_465 : vector<16xf32>, vector<16xi1> -> vector<16xf32>
      %reduce_sum3A_467 = vector.extract %reduce_sum3A_466[15] : f32 from vector<16xf32>
      %broadcast_in_dim3A_468 = vector.broadcast %reduce_sum3A_467 : f32 to vector<16xf32>
      %broadcast_in_dim3A_469 = arith.constant 672 : i32
      %broadcast_in_dim3A_470 = vector.broadcast %broadcast_in_dim3A_469 : i32 to vector<16xi32>
      %add3A_471 = vector.broadcast %scan3A_294 : i32 to vector<16xi32>
      %add3A_472 = arith.addi %broadcast_in_dim3A_470, %add3A_471 : vector<16xi32>
      tpu.vector_store_idx %arg12[%add3A_472], %broadcast_in_dim3A_468 masked %eq3A_4 : memref<1024xf32, #tpu.memory_space<vmem>>[vector<16xi32>], vector<16xf32>, vector<16xi1>
      %reduce_sum3A_473 = arith.constant true
      %reduce_sum3A_474 = vector.broadcast %reduce_sum3A_473 : i1 to vector<16xi1>
      %reduce_sum3A_475 = tpu.scan <sum>, %add3A_446 masked %reduce_sum3A_474 : vector<16xf32>, vector<16xi1> -> vector<16xf32>
      %reduce_sum3A_476 = vector.extract %reduce_sum3A_475[15] : f32 from vector<16xf32>
      %broadcast_in_dim3A_477 = vector.broadcast %reduce_sum3A_476 : f32 to vector<16xf32>
      %broadcast_in_dim3A_478 = arith.constant 688 : i32
      %broadcast_in_dim3A_479 = vector.broadcast %broadcast_in_dim3A_478 : i32 to vector<16xi32>
      %add3A_480 = vector.broadcast %scan3A_294 : i32 to vector<16xi32>
      %add3A_481 = arith.addi %broadcast_in_dim3A_479, %add3A_480 : vector<16xi32>
      tpu.vector_store_idx %arg12[%add3A_481], %broadcast_in_dim3A_477 masked %eq3A_4 : memref<1024xf32, #tpu.memory_space<vmem>>[vector<16xi32>], vector<16xf32>, vector<16xi1>
      %scan3A_482 = arith.constant 0 : i32
      scf.yield %scan3A_482 : i32
    }
    %scan3A_286 = arith.constant 16 : i32
    %scan3A_287 = arith.constant 0 : i32
    %scan3A_288 = arith.constant 0 : i32
    %scan3A_289 = arith.constant 16 : i32
    %scan3A_290 = arith.addi %scan3A_288, %scan3A_289 : i32
    %scan3A_291 = arith.constant 1 : i32
    %scan3A_292 = scf.for %scan3A_294 = %scan3A_288 to %scan3A_290 step %scan3A_291 iter_args(%scan3A_295 = %scan3A_287) -> (i32)  : i32 {
      %add3A_296 = arith.constant 64 : i32
      %add3A_297 = arith.addi %add3A_296, %scan3A_294 : i32
      %get3A_298 = arith.index_cast %add3A_297 : i32 to index
      %get3A_299 = arith.constant 0 : index
      %get3A_300 = tpu.vector_load %arg11[%get3A_298, %get3A_299] {strides = array<i32>} : memref<128x128xf32, #tpu.memory_space<vmem>>, vector<16xf32>,
      %add3A_301 = arith.constant 80 : i32
      %add3A_302 = arith.addi %add3A_301, %scan3A_294 : i32
      %get3A_303 = arith.index_cast %add3A_302 : i32 to index
      %get3A_304 = arith.constant 0 : index
      %get3A_305 = tpu.vector_load %arg11[%get3A_303, %get3A_304] {strides = array<i32>} : memref<128x128xf32, #tpu.memory_space<vmem>>, vector<16xf32>,
      %add3A_306 = arith.constant 96 : i32
      %add3A_307 = arith.addi %add3A_306, %scan3A_294 : i32
      %get3A_308 = arith.index_cast %add3A_307 : i32 to index
      %get3A_309 = arith.constant 0 : index
      %get3A_310 = tpu.vector_load %arg11[%get3A_308, %get3A_309] {strides = array<i32>} : memref<128x128xf32, #tpu.memory_space<vmem>>, vector<16xf32>,
      %add3A_311 = arith.addf %get3A_300, %get3A_305 : vector<16xf32>
      %sub3A = arith.subf %get3A_310, %add3A_311 : vector<16xf32>
      %mul3A_312 = arith.mulf %sub3A, %sub3A : vector<16xf32>
      %add3A_313 = arith.addf %broadcast_in_dim3A_156, %mul3A_312 : vector<16xf32>
      %mul3A_314 = arith.mulf %add3A_311, %get3A_310 : vector<16xf32>
      %add3A_315 = arith.addf %broadcast_in_dim3A_156, %mul3A_314 : vector<16xf32>
      %mul3A_316 = arith.mulf %add3A_311, %add3A_311 : vector<16xf32>
      %add3A_317 = arith.addf %broadcast_in_dim3A_156, %mul3A_316 : vector<16xf32>
      %mul3A_318 = arith.mulf %get3A_300, %get3A_300 : vector<16xf32>
      %add3A_319 = arith.addf %broadcast_in_dim3A_156, %mul3A_318 : vector<16xf32>
      %mul3A_320 = arith.mulf %get3A_305, %get3A_305 : vector<16xf32>
      %add3A_321 = arith.addf %broadcast_in_dim3A_156, %mul3A_320 : vector<16xf32>
      %mul3A_322 = arith.mulf %get3A_310, %get3A_310 : vector<16xf32>
      %add3A_323 = arith.addf %broadcast_in_dim3A_156, %mul3A_322 : vector<16xf32>
      %add3A_324 = arith.constant 64 : i32
      %add3A_325 = arith.addi %add3A_324, %scan3A_294 : i32
      %get3A_326 = arith.index_cast %add3A_325 : i32 to index
      %get3A_327 = arith.constant 16 : index
      %get3A_328 = tpu.vector_load %arg11[%get3A_326, %get3A_327] {strides = array<i32>} : memref<128x128xf32, #tpu.memory_space<vmem>>, vector<16xf32>,
      %add3A_329 = arith.constant 80 : i32
      %add3A_330 = arith.addi %add3A_329, %scan3A_294 : i32
      %get3A_331 = arith.index_cast %add3A_330 : i32 to index
      %get3A_332 = arith.constant 16 : index
      %get3A_333 = tpu.vector_load %arg11[%get3A_331, %get3A_332] {strides = array<i32>} : memref<128x128xf32, #tpu.memory_space<vmem>>, vector<16xf32>,
      %add3A_334 = arith.constant 96 : i32
      %add3A_335 = arith.addi %add3A_334, %scan3A_294 : i32
      %get3A_336 = arith.index_cast %add3A_335 : i32 to index
      %get3A_337 = arith.constant 16 : index
      %get3A_338 = tpu.vector_load %arg11[%get3A_336, %get3A_337] {strides = array<i32>} : memref<128x128xf32, #tpu.memory_space<vmem>>, vector<16xf32>,
      %add3A_339 = arith.addf %get3A_328, %get3A_333 : vector<16xf32>
      %sub3A_340 = arith.subf %get3A_338, %add3A_339 : vector<16xf32>
      %mul3A_341 = arith.mulf %sub3A_340, %sub3A_340 : vector<16xf32>
      %add3A_342 = arith.addf %add3A_313, %mul3A_341 : vector<16xf32>
      %mul3A_343 = arith.mulf %add3A_339, %get3A_338 : vector<16xf32>
      %add3A_344 = arith.addf %add3A_315, %mul3A_343 : vector<16xf32>
      %mul3A_345 = arith.mulf %add3A_339, %add3A_339 : vector<16xf32>
      %add3A_346 = arith.addf %add3A_317, %mul3A_345 : vector<16xf32>
      %mul3A_347 = arith.mulf %get3A_328, %get3A_328 : vector<16xf32>
      %add3A_348 = arith.addf %add3A_319, %mul3A_347 : vector<16xf32>
      %mul3A_349 = arith.mulf %get3A_333, %get3A_333 : vector<16xf32>
      %add3A_350 = arith.addf %add3A_321, %mul3A_349 : vector<16xf32>
      %mul3A_351 = arith.mulf %get3A_338, %get3A_338 : vector<16xf32>
      %add3A_352 = arith.addf %add3A_323, %mul3A_351 : vector<16xf32>
      %add3A_353 = arith.constant 64 : i32
      %add3A_354 = arith.addi %add3A_353, %scan3A_294 : i32
      %get3A_355 = arith.index_cast %add3A_354 : i32 to index
      %get3A_356 = arith.constant 32 : index
      %get3A_357 = tpu.vector_load %arg11[%get3A_355, %get3A_356] {strides = array<i32>} : memref<128x128xf32, #tpu.memory_space<vmem>>, vector<16xf32>,
      %add3A_358 = arith.constant 80 : i32
      %add3A_359 = arith.addi %add3A_358, %scan3A_294 : i32
      %get3A_360 = arith.index_cast %add3A_359 : i32 to index
      %get3A_361 = arith.constant 32 : index
      %get3A_362 = tpu.vector_load %arg11[%get3A_360, %get3A_361] {strides = array<i32>} : memref<128x128xf32, #tpu.memory_space<vmem>>, vector<16xf32>,
      %add3A_363 = arith.constant 96 : i32
      %add3A_364 = arith.addi %add3A_363, %scan3A_294 : i32
      %get3A_365 = arith.index_cast %add3A_364 : i32 to index
      %get3A_366 = arith.constant 32 : index
      %get3A_367 = tpu.vector_load %arg11[%get3A_365, %get3A_366] {strides = array<i32>} : memref<128x128xf32, #tpu.memory_space<vmem>>, vector<16xf32>,
      %add3A_368 = arith.addf %get3A_357, %get3A_362 : vector<16xf32>
      %sub3A_369 = arith.subf %get3A_367, %add3A_368 : vector<16xf32>
      %mul3A_370 = arith.mulf %sub3A_369, %sub3A_369 : vector<16xf32>
      %add3A_371 = arith.addf %add3A_342, %mul3A_370 : vector<16xf32>
      %mul3A_372 = arith.mulf %add3A_368, %get3A_367 : vector<16xf32>
      %add3A_373 = arith.addf %add3A_344, %mul3A_372 : vector<16xf32>
      %mul3A_374 = arith.mulf %add3A_368, %add3A_368 : vector<16xf32>
      %add3A_375 = arith.addf %add3A_346, %mul3A_374 : vector<16xf32>
      %mul3A_376 = arith.mulf %get3A_357, %get3A_357 : vector<16xf32>
      %add3A_377 = arith.addf %add3A_348, %mul3A_376 : vector<16xf32>
      %mul3A_378 = arith.mulf %get3A_362, %get3A_362 : vector<16xf32>
      %add3A_379 = arith.addf %add3A_350, %mul3A_378 : vector<16xf32>
      %mul3A_380 = arith.mulf %get3A_367, %get3A_367 : vector<16xf32>
      %add3A_381 = arith.addf %add3A_352, %mul3A_380 : vector<16xf32>
      %add3A_382 = arith.constant 64 : i32
      %add3A_383 = arith.addi %add3A_382, %scan3A_294 : i32
      %get3A_384 = arith.index_cast %add3A_383 : i32 to index
      %get3A_385 = arith.constant 48 : index
      %get3A_386 = tpu.vector_load %arg11[%get3A_384, %get3A_385] {strides = array<i32>} : memref<128x128xf32, #tpu.memory_space<vmem>>, vector<16xf32>,
      %add3A_387 = arith.constant 80 : i32
      %add3A_388 = arith.addi %add3A_387, %scan3A_294 : i32
      %get3A_389 = arith.index_cast %add3A_388 : i32 to index
      %get3A_390 = arith.constant 48 : index
      %get3A_391 = tpu.vector_load %arg11[%get3A_389, %get3A_390] {strides = array<i32>} : memref<128x128xf32, #tpu.memory_space<vmem>>, vector<16xf32>,
      %add3A_392 = arith.constant 96 : i32
      %add3A_393 = arith.addi %add3A_392, %scan3A_294 : i32
      %get3A_394 = arith.index_cast %add3A_393 : i32 to index
      %get3A_395 = arith.constant 48 : index
      %get3A_396 = tpu.vector_load %arg11[%get3A_394, %get3A_395] {strides = array<i32>} : memref<128x128xf32, #tpu.memory_space<vmem>>, vector<16xf32>,
      %add3A_397 = arith.addf %get3A_386, %get3A_391 : vector<16xf32>
      %sub3A_398 = arith.subf %get3A_396, %add3A_397 : vector<16xf32>
      %mul3A_399 = arith.mulf %sub3A_398, %sub3A_398 : vector<16xf32>
      %add3A_400 = arith.addf %add3A_371, %mul3A_399 : vector<16xf32>
      %mul3A_401 = arith.mulf %add3A_397, %get3A_396 : vector<16xf32>
      %add3A_402 = arith.addf %add3A_373, %mul3A_401 : vector<16xf32>
      %mul3A_403 = arith.mulf %add3A_397, %add3A_397 : vector<16xf32>
      %add3A_404 = arith.addf %add3A_375, %mul3A_403 : vector<16xf32>
      %mul3A_405 = arith.mulf %get3A_386, %get3A_386 : vector<16xf32>
      %add3A_406 = arith.addf %add3A_377, %mul3A_405 : vector<16xf32>
      %mul3A_407 = arith.mulf %get3A_391, %get3A_391 : vector<16xf32>
      %add3A_408 = arith.addf %add3A_379, %mul3A_407 : vector<16xf32>
      %mul3A_409 = arith.mulf %get3A_396, %get3A_396 : vector<16xf32>
      %add3A_410 = arith.addf %add3A_381, %mul3A_409 : vector<16xf32>
      %add3A_411 = arith.constant 64 : i32
      %add3A_412 = arith.addi %add3A_411, %scan3A_294 : i32
      %get3A_413 = arith.index_cast %add3A_412 : i32 to index
      %get3A_414 = arith.constant 64 : index
      %get3A_415 = tpu.vector_load %arg11[%get3A_413, %get3A_414] {strides = array<i32>} : memref<128x128xf32, #tpu.memory_space<vmem>>, vector<16xf32>,
      %add3A_416 = arith.constant 80 : i32
      %add3A_417 = arith.addi %add3A_416, %scan3A_294 : i32
      %get3A_418 = arith.index_cast %add3A_417 : i32 to index
      %get3A_419 = arith.constant 64 : index
      %get3A_420 = tpu.vector_load %arg11[%get3A_418, %get3A_419] {strides = array<i32>} : memref<128x128xf32, #tpu.memory_space<vmem>>, vector<16xf32>,
      %add3A_421 = arith.constant 96 : i32
      %add3A_422 = arith.addi %add3A_421, %scan3A_294 : i32
      %get3A_423 = arith.index_cast %add3A_422 : i32 to index
      %get3A_424 = arith.constant 64 : index
      %get3A_425 = tpu.vector_load %arg11[%get3A_423, %get3A_424] {strides = array<i32>} : memref<128x128xf32, #tpu.memory_space<vmem>>, vector<16xf32>,
      %add3A_426 = arith.addf %get3A_415, %get3A_420 : vector<16xf32>
      %sub3A_427 = arith.subf %get3A_425, %add3A_426 : vector<16xf32>
      %mul3A_428 = arith.mulf %sub3A_427, %sub3A_427 : vector<16xf32>
      %add3A_429 = arith.addf %add3A_400, %mul3A_428 : vector<16xf32>
      %mul3A_430 = arith.mulf %add3A_426, %get3A_425 : vector<16xf32>
      %add3A_431 = arith.addf %add3A_402, %mul3A_430 : vector<16xf32>
      %mul3A_432 = arith.mulf %add3A_426, %add3A_426 : vector<16xf32>
      %add3A_433 = arith.addf %add3A_404, %mul3A_432 : vector<16xf32>
      %mul3A_434 = arith.mulf %get3A_415, %get3A_415 : vector<16xf32>
      %add3A_435 = arith.addf %add3A_406, %mul3A_434 : vector<16xf32>
      %mul3A_436 = arith.mulf %get3A_420, %get3A_420 : vector<16xf32>
      %add3A_437 = arith.addf %add3A_408, %mul3A_436 : vector<16xf32>
      %mul3A_438 = arith.mulf %get3A_425, %get3A_425 : vector<16xf32>
      %add3A_439 = arith.addf %add3A_410, %mul3A_438 : vector<16xf32>
      %add3A_440 = arith.constant 64 : i32
      %add3A_441 = arith.addi %add3A_440, %scan3A_294 : i32
      %get3A_442 = arith.index_cast %add3A_441 : i32 to index
      %get3A_443 = arith.constant 80 : index
      %get3A_444 = tpu.vector_load %arg11[%get3A_442, %get3A_443] {strides = array<i32>} : memref<128x128xf32, #tpu.memory_space<vmem>>, vector<16xf32>,
      %add3A_445 = arith.constant 80 : i32
      %add3A_446 = arith.addi %add3A_445, %scan3A_294 : i32
      %get3A_447 = arith.index_cast %add3A_446 : i32 to index
      %get3A_448 = arith.constant 80 : index
      %get3A_449 = tpu.vector_load %arg11[%get3A_447, %get3A_448] {strides = array<i32>} : memref<128x128xf32, #tpu.memory_space<vmem>>, vector<16xf32>,
      %add3A_450 = arith.constant 96 : i32
      %add3A_451 = arith.addi %add3A_450, %scan3A_294 : i32
      %get3A_452 = arith.index_cast %add3A_451 : i32 to index
      %get3A_453 = arith.constant 80 : index
      %get3A_454 = tpu.vector_load %arg11[%get3A_452, %get3A_453] {strides = array<i32>} : memref<128x128xf32, #tpu.memory_space<vmem>>, vector<16xf32>,
      %add3A_455 = arith.addf %get3A_444, %get3A_449 : vector<16xf32>
      %sub3A_456 = arith.subf %get3A_454, %add3A_455 : vector<16xf32>
      %mul3A_457 = arith.mulf %sub3A_456, %sub3A_456 : vector<16xf32>
      %add3A_458 = arith.addf %add3A_429, %mul3A_457 : vector<16xf32>
      %mul3A_459 = arith.mulf %add3A_455, %get3A_454 : vector<16xf32>
      %add3A_460 = arith.addf %add3A_431, %mul3A_459 : vector<16xf32>
      %mul3A_461 = arith.mulf %add3A_455, %add3A_455 : vector<16xf32>
      %add3A_462 = arith.addf %add3A_433, %mul3A_461 : vector<16xf32>
      %mul3A_463 = arith.mulf %get3A_444, %get3A_444 : vector<16xf32>
      %add3A_464 = arith.addf %add3A_435, %mul3A_463 : vector<16xf32>
      %mul3A_465 = arith.mulf %get3A_449, %get3A_449 : vector<16xf32>
      %add3A_466 = arith.addf %add3A_437, %mul3A_465 : vector<16xf32>
      %mul3A_467 = arith.mulf %get3A_454, %get3A_454 : vector<16xf32>
      %add3A_468 = arith.addf %add3A_439, %mul3A_467 : vector<16xf32>
      %add3A_469 = arith.constant 64 : i32
      %add3A_470 = arith.addi %add3A_469, %scan3A_294 : i32
      %get3A_471 = arith.index_cast %add3A_470 : i32 to index
      %get3A_472 = arith.constant 96 : index
      %get3A_473 = tpu.vector_load %arg11[%get3A_471, %get3A_472] {strides = array<i32>} : memref<128x128xf32, #tpu.memory_space<vmem>>, vector<16xf32>,
      %add3A_474 = arith.constant 80 : i32
      %add3A_475 = arith.addi %add3A_474, %scan3A_294 : i32
      %get3A_476 = arith.index_cast %add3A_475 : i32 to index
      %get3A_477 = arith.constant 96 : index
      %get3A_478 = tpu.vector_load %arg11[%get3A_476, %get3A_477] {strides = array<i32>} : memref<128x128xf32, #tpu.memory_space<vmem>>, vector<16xf32>,
      %add3A_479 = arith.constant 96 : i32
      %add3A_480 = arith.addi %add3A_479, %scan3A_294 : i32
      %get3A_481 = arith.index_cast %add3A_480 : i32 to index
      %get3A_482 = arith.constant 96 : index
      %get3A_483 = tpu.vector_load %arg11[%get3A_481, %get3A_482] {strides = array<i32>} : memref<128x128xf32, #tpu.memory_space<vmem>>, vector<16xf32>,
      %add3A_484 = arith.addf %get3A_473, %get3A_478 : vector<16xf32>
      %sub3A_485 = arith.subf %get3A_483, %add3A_484 : vector<16xf32>
      %mul3A_486 = arith.mulf %sub3A_485, %sub3A_485 : vector<16xf32>
      %add3A_487 = arith.addf %add3A_458, %mul3A_486 : vector<16xf32>
      %mul3A_488 = arith.mulf %add3A_484, %get3A_483 : vector<16xf32>
      %add3A_489 = arith.addf %add3A_460, %mul3A_488 : vector<16xf32>
      %mul3A_490 = arith.mulf %add3A_484, %add3A_484 : vector<16xf32>
      %add3A_491 = arith.addf %add3A_462, %mul3A_490 : vector<16xf32>
      %mul3A_492 = arith.mulf %get3A_473, %get3A_473 : vector<16xf32>
      %add3A_493 = arith.addf %add3A_464, %mul3A_492 : vector<16xf32>
      %mul3A_494 = arith.mulf %get3A_478, %get3A_478 : vector<16xf32>
      %add3A_495 = arith.addf %add3A_466, %mul3A_494 : vector<16xf32>
      %mul3A_496 = arith.mulf %get3A_483, %get3A_483 : vector<16xf32>
      %add3A_497 = arith.addf %add3A_468, %mul3A_496 : vector<16xf32>
      %add3A_498 = arith.constant 64 : i32
      %add3A_499 = arith.addi %add3A_498, %scan3A_294 : i32
      %get3A_500 = arith.index_cast %add3A_499 : i32 to index
      %get3A_501 = arith.constant 112 : index
      %get3A_502 = tpu.vector_load %arg11[%get3A_500, %get3A_501] {strides = array<i32>} : memref<128x128xf32, #tpu.memory_space<vmem>>, vector<16xf32>,
      %add3A_503 = arith.constant 80 : i32
      %add3A_504 = arith.addi %add3A_503, %scan3A_294 : i32
      %get3A_505 = arith.index_cast %add3A_504 : i32 to index
      %get3A_506 = arith.constant 112 : index
      %get3A_507 = tpu.vector_load %arg11[%get3A_505, %get3A_506] {strides = array<i32>} : memref<128x128xf32, #tpu.memory_space<vmem>>, vector<16xf32>,
      %add3A_508 = arith.constant 96 : i32
      %add3A_509 = arith.addi %add3A_508, %scan3A_294 : i32
      %get3A_510 = arith.index_cast %add3A_509 : i32 to index
      %get3A_511 = arith.constant 112 : index
      %get3A_512 = tpu.vector_load %arg11[%get3A_510, %get3A_511] {strides = array<i32>} : memref<128x128xf32, #tpu.memory_space<vmem>>, vector<16xf32>,
      %add3A_513 = arith.addf %get3A_502, %get3A_507 : vector<16xf32>
      %sub3A_514 = arith.subf %get3A_512, %add3A_513 : vector<16xf32>
      %mul3A_515 = arith.mulf %sub3A_514, %sub3A_514 : vector<16xf32>
      %add3A_516 = arith.addf %add3A_487, %mul3A_515 : vector<16xf32>
      %mul3A_517 = arith.mulf %add3A_513, %get3A_512 : vector<16xf32>
      %add3A_518 = arith.addf %add3A_489, %mul3A_517 : vector<16xf32>
      %mul3A_519 = arith.mulf %add3A_513, %add3A_513 : vector<16xf32>
      %add3A_520 = arith.addf %add3A_491, %mul3A_519 : vector<16xf32>
      %mul3A_521 = arith.mulf %get3A_502, %get3A_502 : vector<16xf32>
      %add3A_522 = arith.addf %add3A_493, %mul3A_521 : vector<16xf32>
      %mul3A_523 = arith.mulf %get3A_507, %get3A_507 : vector<16xf32>
      %add3A_524 = arith.addf %add3A_495, %mul3A_523 : vector<16xf32>
      %mul3A_525 = arith.mulf %get3A_512, %get3A_512 : vector<16xf32>
      %add3A_526 = arith.addf %add3A_497, %mul3A_525 : vector<16xf32>
      %reduce_sum3A = arith.constant true
      %reduce_sum3A_527 = vector.broadcast %reduce_sum3A : i1 to vector<16xi1>
      %reduce_sum3A_528 = tpu.scan <sum>, %add3A_516 masked %reduce_sum3A_527 : vector<16xf32>, vector<16xi1> -> vector<16xf32>
      %reduce_sum3A_529 = vector.extract %reduce_sum3A_528[15] : f32 from vector<16xf32>
      %broadcast_in_dim3A_530 = vector.broadcast %reduce_sum3A_529 : f32 to vector<16xf32>
      %broadcast_in_dim3A_531 = arith.constant 768 : i32
      %broadcast_in_dim3A_532 = vector.broadcast %broadcast_in_dim3A_531 : i32 to vector<16xi32>
      %add3A_533 = vector.broadcast %scan3A_294 : i32 to vector<16xi32>
      %add3A_534 = arith.addi %broadcast_in_dim3A_532, %add3A_533 : vector<16xi32>
      tpu.vector_store_idx %arg12[%add3A_534], %broadcast_in_dim3A_530 masked %eq3A_4 : memref<1024xf32, #tpu.memory_space<vmem>>[vector<16xi32>], vector<16xf32>, vector<16xi1>
      %reduce_sum3A_535 = arith.constant true
      %reduce_sum3A_536 = vector.broadcast %reduce_sum3A_535 : i1 to vector<16xi1>
      %reduce_sum3A_537 = tpu.scan <sum>, %add3A_518 masked %reduce_sum3A_536 : vector<16xf32>, vector<16xi1> -> vector<16xf32>
      %reduce_sum3A_538 = vector.extract %reduce_sum3A_537[15] : f32 from vector<16xf32>
      %broadcast_in_dim3A_539 = vector.broadcast %reduce_sum3A_538 : f32 to vector<16xf32>
      %broadcast_in_dim3A_540 = arith.constant 784 : i32
      %broadcast_in_dim3A_541 = vector.broadcast %broadcast_in_dim3A_540 : i32 to vector<16xi32>
      %add3A_542 = vector.broadcast %scan3A_294 : i32 to vector<16xi32>
      %add3A_543 = arith.addi %broadcast_in_dim3A_541, %add3A_542 : vector<16xi32>
      tpu.vector_store_idx %arg12[%add3A_543], %broadcast_in_dim3A_539 masked %eq3A_4 : memref<1024xf32, #tpu.memory_space<vmem>>[vector<16xi32>], vector<16xf32>, vector<16xi1>
      %reduce_sum3A_544 = arith.constant true
      %reduce_sum3A_545 = vector.broadcast %reduce_sum3A_544 : i1 to vector<16xi1>
      %reduce_sum3A_546 = tpu.scan <sum>, %add3A_520 masked %reduce_sum3A_545 : vector<16xf32>, vector<16xi1> -> vector<16xf32>
      %reduce_sum3A_547 = vector.extract %reduce_sum3A_546[15] : f32 from vector<16xf32>
      %broadcast_in_dim3A_548 = vector.broadcast %reduce_sum3A_547 : f32 to vector<16xf32>
      %broadcast_in_dim3A_549 = arith.constant 800 : i32
      %broadcast_in_dim3A_550 = vector.broadcast %broadcast_in_dim3A_549 : i32 to vector<16xi32>
      %add3A_551 = vector.broadcast %scan3A_294 : i32 to vector<16xi32>
      %add3A_552 = arith.addi %broadcast_in_dim3A_550, %add3A_551 : vector<16xi32>
      tpu.vector_store_idx %arg12[%add3A_552], %broadcast_in_dim3A_548 masked %eq3A_4 : memref<1024xf32, #tpu.memory_space<vmem>>[vector<16xi32>], vector<16xf32>, vector<16xi1>
      %reduce_sum3A_553 = arith.constant true
      %reduce_sum3A_554 = vector.broadcast %reduce_sum3A_553 : i1 to vector<16xi1>
      %reduce_sum3A_555 = tpu.scan <sum>, %add3A_522 masked %reduce_sum3A_554 : vector<16xf32>, vector<16xi1> -> vector<16xf32>
      %reduce_sum3A_556 = vector.extract %reduce_sum3A_555[15] : f32 from vector<16xf32>
      %broadcast_in_dim3A_557 = vector.broadcast %reduce_sum3A_556 : f32 to vector<16xf32>
      %broadcast_in_dim3A_558 = arith.constant 816 : i32
      %broadcast_in_dim3A_559 = vector.broadcast %broadcast_in_dim3A_558 : i32 to vector<16xi32>
      %add3A_560 = vector.broadcast %scan3A_294 : i32 to vector<16xi32>
      %add3A_561 = arith.addi %broadcast_in_dim3A_559, %add3A_560 : vector<16xi32>
      tpu.vector_store_idx %arg12[%add3A_561], %broadcast_in_dim3A_557 masked %eq3A_4 : memref<1024xf32, #tpu.memory_space<vmem>>[vector<16xi32>], vector<16xf32>, vector<16xi1>
      %reduce_sum3A_562 = arith.constant true
      %reduce_sum3A_563 = vector.broadcast %reduce_sum3A_562 : i1 to vector<16xi1>
      %reduce_sum3A_564 = tpu.scan <sum>, %add3A_524 masked %reduce_sum3A_563 : vector<16xf32>, vector<16xi1> -> vector<16xf32>
      %reduce_sum3A_565 = vector.extract %reduce_sum3A_564[15] : f32 from vector<16xf32>
      %broadcast_in_dim3A_566 = vector.broadcast %reduce_sum3A_565 : f32 to vector<16xf32>
      %broadcast_in_dim3A_567 = arith.constant 832 : i32
      %broadcast_in_dim3A_568 = vector.broadcast %broadcast_in_dim3A_567 : i32 to vector<16xi32>
      %add3A_569 = vector.broadcast %scan3A_294 : i32 to vector<16xi32>
      %add3A_570 = arith.addi %broadcast_in_dim3A_568, %add3A_569 : vector<16xi32>
      tpu.vector_store_idx %arg12[%add3A_570], %broadcast_in_dim3A_566 masked %eq3A_4 : memref<1024xf32, #tpu.memory_space<vmem>>[vector<16xi32>], vector<16xf32>, vector<16xi1>
      %reduce_sum3A_571 = arith.constant true
      %reduce_sum3A_572 = vector.broadcast %reduce_sum3A_571 : i1 to vector<16xi1>
      %reduce_sum3A_573 = tpu.scan <sum>, %add3A_526 masked %reduce_sum3A_572 : vector<16xf32>, vector<16xi1> -> vector<16xf32>
      %reduce_sum3A_574 = vector.extract %reduce_sum3A_573[15] : f32 from vector<16xf32>
      %broadcast_in_dim3A_575 = vector.broadcast %reduce_sum3A_574 : f32 to vector<16xf32>
      %broadcast_in_dim3A_576 = arith.constant 848 : i32
      %broadcast_in_dim3A_577 = vector.broadcast %broadcast_in_dim3A_576 : i32 to vector<16xi32>
      %add3A_578 = vector.broadcast %scan3A_294 : i32 to vector<16xi32>
      %add3A_579 = arith.addi %broadcast_in_dim3A_577, %add3A_578 : vector<16xi32>
      tpu.vector_store_idx %arg12[%add3A_579], %broadcast_in_dim3A_575 masked %eq3A_4 : memref<1024xf32, #tpu.memory_space<vmem>>[vector<16xi32>], vector<16xf32>, vector<16xi1>
      %scan3A_580 = arith.constant 0 : i32
      scf.yield %scan3A_580 : i32
    }
    %scan3A_293 = arith.constant 16 : i32
    "tpu.region"() ({
      %run_scoped3A = tpu.sem_alloc : memref<!tpu.dma_semaphore, #tpu.memory_space<semaphore_mem>>
      %dma_start3A_294 = arith.constant 0 : i32
      %dma_start3A_295 = tpu.memref_slice %arg6[%add3A, %dma_start3A_294] : memref<32x1024xf32, #tpu.memory_space<hbm>> -> memref<1x1024xf32, #tpu.memory_space<hbm>>
      %dma_start3A_296 = tpu.memref_squeeze %dma_start3A_295 : memref<1x1024xf32, #tpu.memory_space<hbm>> -> memref<1024xf32, #tpu.memory_space<hbm>>
      %dma_start3A_297 = arith.constant 0 : i32
      %dma_start3A_298 = tpu.memref_slice %arg6[%add3A, %dma_start3A_297] : memref<32x1024xf32, #tpu.memory_space<hbm>> -> memref<1x1024xf32, #tpu.memory_space<hbm>>
      %dma_start3A_299 = tpu.memref_squeeze %dma_start3A_298 : memref<1x1024xf32, #tpu.memory_space<hbm>> -> memref<1024xf32, #tpu.memory_space<hbm>>
      tpu.enqueue_dma source(%arg12 : memref<1024xf32, #tpu.memory_space<vmem>>) target(%dma_start3A_299 : memref<1024xf32, #tpu.memory_space<hbm>>) target_semaphore(%run_scoped3A : memref<!tpu.dma_semaphore, #tpu.memory_space<semaphore_mem>>)
      %dma_wait3A_300 = arith.constant 0 : i32
      %dma_wait3A_301 = tpu.memref_slice %arg6[%add3A, %dma_wait3A_300] : memref<32x1024xf32, #tpu.memory_space<hbm>> -> memref<1x1024xf32, #tpu.memory_space<hbm>>
      %dma_wait3A_302 = tpu.memref_squeeze %dma_wait3A_301 : memref<1x1024xf32, #tpu.memory_space<hbm>> -> memref<1024xf32, #tpu.memory_space<hbm>>
      %dma_wait3A_303 = arith.constant 0 : i32
      %dma_wait3A_304 = tpu.memref_slice %arg6[%add3A, %dma_wait3A_303] : memref<32x1024xf32, #tpu.memory_space<hbm>> -> memref<1x1024xf32, #tpu.memory_space<hbm>>
      %dma_wait3A_305 = tpu.memref_squeeze %dma_wait3A_304 : memref<1x1024xf32, #tpu.memory_space<hbm>> -> memref<1024xf32, #tpu.memory_space<hbm>>
      tpu.wait_dma2 semaphore(%run_scoped3A : memref<!tpu.dma_semaphore, #tpu.memory_space<semaphore_mem>>) src(%arg12 : memref<1024xf32, #tpu.memory_space<vmem>>) dst(%dma_wait3A_305 : memref<1024xf32, #tpu.memory_space<hbm>>)
      tpu.yield
    }) : () -> ()
    return
  }
}

module attributes {stable_mosaic.version = 14 : i64} {
  func.func @_tc_finish_body(%arg0: memref<32x1024xf32, #tpu.memory_space<vmem>>, %arg1: memref<1x1xf32, #tpu.memory_space<smem>>) attributes {dimension_semantics = [], scalar_prefetch = 0 : i64, scratch_operands = 0 : i64, tpu.core_type = #tpu.core_type<tc>} {
    %get3A = arith.constant 0 : index
    %get3A_0 = arith.constant 0 : index
    %get3A_1 = vector.load %arg0[%get3A, %get3A_0] : memref<32x1024xf32, #tpu.memory_space<vmem>>, vector<32x16xf32>
    %sqrt3A = math.sqrt %get3A_1 : vector<32x16xf32>
    %get3A_2 = arith.constant 0 : index
    %get3A_3 = arith.constant 48 : index
    %get3A_4 = vector.load %arg0[%get3A_2, %get3A_3] : memref<32x1024xf32, #tpu.memory_space<vmem>>, vector<32x16xf32>
    %add3A = arith.addf %sqrt3A, %get3A_4 : vector<32x16xf32>
    %get3A_5 = arith.constant 0 : index
    %get3A_6 = arith.constant 64 : index
    %get3A_7 = vector.load %arg0[%get3A_5, %get3A_6] : memref<32x1024xf32, #tpu.memory_space<vmem>>, vector<32x16xf32>
    %sub3A = arith.subf %add3A, %get3A_7 : vector<32x16xf32>
    %sub3A_8 = arith.constant 1.000000e-01 : f32
    %sub3A_9 = vector.broadcast %sub3A_8 : f32 to vector<32x16xf32>
    %sub3A_10 = arith.subf %sub3A, %sub3A_9 : vector<32x16xf32>
    %max3A = arith.constant 0.000000e+00 : f32
    %max3A_11 = vector.broadcast %max3A : f32 to vector<32x16xf32>
    %max3A_12 = arith.maximumf %sub3A_10, %max3A_11 : vector<32x16xf32>
    %get3A_13 = arith.constant 0 : index
    %get3A_14 = arith.constant 16 : index
    %get3A_15 = vector.load %arg0[%get3A_13, %get3A_14] : memref<32x1024xf32, #tpu.memory_space<vmem>>, vector<32x16xf32>
    %sqrt3A_16 = math.sqrt %get3A_15 : vector<32x16xf32>
    %sub3A_17 = arith.constant 1.000000e+00 : f32
    %sub3A_18 = vector.broadcast %sub3A_17 : f32 to vector<32x16xf32>
    %sub3A_19 = arith.subf %sqrt3A_16, %sub3A_18 : vector<32x16xf32>
    %abs3A = math.absf %sub3A_19 : vector<32x16xf32>
    %add3A_20 = arith.addf %max3A_12, %abs3A : vector<32x16xf32>
    %get3A_21 = arith.constant 0 : index
    %get3A_22 = arith.constant 32 : index
    %get3A_23 = vector.load %arg0[%get3A_21, %get3A_22] : memref<32x1024xf32, #tpu.memory_space<vmem>>, vector<32x16xf32>
    %sqrt3A_24 = math.sqrt %get3A_23 : vector<32x16xf32>
    %sub3A_25 = arith.constant 1.000000e+00 : f32
    %sub3A_26 = vector.broadcast %sub3A_25 : f32 to vector<32x16xf32>
    %sub3A_27 = arith.subf %sqrt3A_24, %sub3A_26 : vector<32x16xf32>
    %abs3A_28 = math.absf %sub3A_27 : vector<32x16xf32>
    %add3A_29 = arith.addf %add3A_20, %abs3A_28 : vector<32x16xf32>
    %reduce_sum3A = vector.shape_cast %add3A_29 : vector<32x16xf32> to vector<1x32x16xf32>
    %reduce_sum3A_30 = arith.constant dense<0.000000e+00> : vector<1xf32>
    %reduce_sum3A_31 = vector.multi_reduction <add>, %reduce_sum3A, %reduce_sum3A_30 [1, 2] : vector<1x32x16xf32> to vector<1xf32>
    %reduce_sum3A_32 = vector.shape_cast %reduce_sum3A_31 : vector<1xf32> to vector<1x1x1xf32>
    %reduce_sum3A_33 = vector.extract %reduce_sum3A_32[0, 0, 0] : f32 from vector<1x1x1xf32>
    %get3A_34 = arith.constant 0 : index
    %get3A_35 = arith.constant 224 : index
    %get3A_36 = vector.load %arg0[%get3A_34, %get3A_35] : memref<32x1024xf32, #tpu.memory_space<vmem>>, vector<32x16xf32>
    %get3A_37 = arith.constant 0 : index
    %get3A_38 = arith.constant 240 : index
    %get3A_39 = vector.load %arg0[%get3A_37, %get3A_38] : memref<32x1024xf32, #tpu.memory_space<vmem>>, vector<32x16xf32>
    %add3A_40 = arith.addf %get3A_36, %get3A_39 : vector<32x16xf32>
    %get3A_41 = arith.constant 0 : index
    %get3A_42 = arith.constant 128 : index
    %get3A_43 = vector.load %arg0[%get3A_41, %get3A_42] : memref<32x1024xf32, #tpu.memory_space<vmem>>, vector<32x16xf32>
    %sqrt3A_44 = math.sqrt %get3A_43 : vector<32x16xf32>
    %sub3A_45 = arith.subf %sqrt3A_44, %add3A_40 : vector<32x16xf32>
    %sub3A_46 = arith.constant 1.000000e-01 : f32
    %sub3A_47 = vector.broadcast %sub3A_46 : f32 to vector<32x16xf32>
    %sub3A_48 = arith.subf %sub3A_45, %sub3A_47 : vector<32x16xf32>
    %max3A_49 = arith.constant 0.000000e+00 : f32
    %max3A_50 = vector.broadcast %max3A_49 : f32 to vector<32x16xf32>
    %max3A_51 = arith.maximumf %sub3A_48, %max3A_50 : vector<32x16xf32>
    %get3A_52 = arith.constant 0 : index
    %get3A_53 = arith.constant 144 : index
    %get3A_54 = vector.load %arg0[%get3A_52, %get3A_53] : memref<32x1024xf32, #tpu.memory_space<vmem>>, vector<32x16xf32>
    %sqrt3A_55 = math.sqrt %get3A_54 : vector<32x16xf32>
    %sub3A_56 = arith.subf %sqrt3A_55, %get3A_36 : vector<32x16xf32>
    %sub3A_57 = arith.constant 1.000000e-01 : f32
    %sub3A_58 = vector.broadcast %sub3A_57 : f32 to vector<32x16xf32>
    %sub3A_59 = arith.subf %sub3A_56, %sub3A_58 : vector<32x16xf32>
    %max3A_60 = arith.constant 0.000000e+00 : f32
    %max3A_61 = vector.broadcast %max3A_60 : f32 to vector<32x16xf32>
    %max3A_62 = arith.maximumf %sub3A_59, %max3A_61 : vector<32x16xf32>
    %add3A_63 = arith.addf %max3A_51, %max3A_62 : vector<32x16xf32>
    %get3A_64 = arith.constant 0 : index
    %get3A_65 = arith.constant 160 : index
    %get3A_66 = vector.load %arg0[%get3A_64, %get3A_65] : memref<32x1024xf32, #tpu.memory_space<vmem>>, vector<32x16xf32>
    %sqrt3A_67 = math.sqrt %get3A_66 : vector<32x16xf32>
    %sub3A_68 = arith.subf %sqrt3A_67, %get3A_39 : vector<32x16xf32>
    %sub3A_69 = arith.constant 1.000000e-01 : f32
    %sub3A_70 = vector.broadcast %sub3A_69 : f32 to vector<32x16xf32>
    %sub3A_71 = arith.subf %sub3A_68, %sub3A_70 : vector<32x16xf32>
    %max3A_72 = arith.constant 0.000000e+00 : f32
    %max3A_73 = vector.broadcast %max3A_72 : f32 to vector<32x16xf32>
    %max3A_74 = arith.maximumf %sub3A_71, %max3A_73 : vector<32x16xf32>
    %add3A_75 = arith.addf %add3A_63, %max3A_74 : vector<32x16xf32>
    %get3A_76 = arith.constant 0 : index
    %get3A_77 = arith.constant 176 : index
    %get3A_78 = vector.load %arg0[%get3A_76, %get3A_77] : memref<32x1024xf32, #tpu.memory_space<vmem>>, vector<32x16xf32>
    %sqrt3A_79 = math.sqrt %get3A_78 : vector<32x16xf32>
    %sub3A_80 = arith.constant 1.000000e+00 : f32
    %sub3A_81 = vector.broadcast %sub3A_80 : f32 to vector<32x16xf32>
    %sub3A_82 = arith.subf %sqrt3A_79, %sub3A_81 : vector<32x16xf32>
    %abs3A_83 = math.absf %sub3A_82 : vector<32x16xf32>
    %add3A_84 = arith.addf %add3A_75, %abs3A_83 : vector<32x16xf32>
    %get3A_85 = arith.constant 0 : index
    %get3A_86 = arith.constant 192 : index
    %get3A_87 = vector.load %arg0[%get3A_85, %get3A_86] : memref<32x1024xf32, #tpu.memory_space<vmem>>, vector<32x16xf32>
    %sqrt3A_88 = math.sqrt %get3A_87 : vector<32x16xf32>
    %sub3A_89 = arith.constant 1.000000e+00 : f32
    %sub3A_90 = vector.broadcast %sub3A_89 : f32 to vector<32x16xf32>
    %sub3A_91 = arith.subf %sqrt3A_88, %sub3A_90 : vector<32x16xf32>
    %abs3A_92 = math.absf %sub3A_91 : vector<32x16xf32>
    %add3A_93 = arith.addf %add3A_84, %abs3A_92 : vector<32x16xf32>
    %get3A_94 = arith.constant 0 : index
    %get3A_95 = arith.constant 208 : index
    %get3A_96 = vector.load %arg0[%get3A_94, %get3A_95] : memref<32x1024xf32, #tpu.memory_space<vmem>>, vector<32x16xf32>
    %sqrt3A_97 = math.sqrt %get3A_96 : vector<32x16xf32>
    %sub3A_98 = arith.constant 1.000000e+00 : f32
    %sub3A_99 = vector.broadcast %sub3A_98 : f32 to vector<32x16xf32>
    %sub3A_100 = arith.subf %sqrt3A_97, %sub3A_99 : vector<32x16xf32>
    %abs3A_101 = math.absf %sub3A_100 : vector<32x16xf32>
    %add3A_102 = arith.addf %add3A_93, %abs3A_101 : vector<32x16xf32>
    %reduce_sum3A_103 = vector.shape_cast %add3A_102 : vector<32x16xf32> to vector<1x32x16xf32>
    %reduce_sum3A_104 = arith.constant dense<0.000000e+00> : vector<1xf32>
    %reduce_sum3A_105 = vector.multi_reduction <add>, %reduce_sum3A_103, %reduce_sum3A_104 [1, 2] : vector<1x32x16xf32> to vector<1xf32>
    %reduce_sum3A_106 = vector.shape_cast %reduce_sum3A_105 : vector<1xf32> to vector<1x1x1xf32>
    %reduce_sum3A_107 = vector.extract %reduce_sum3A_106[0, 0, 0] : f32 from vector<1x1x1xf32>
    %add3A_108 = arith.addf %reduce_sum3A_33, %reduce_sum3A_107 : f32
    %get3A_109 = arith.constant 0 : index
    %get3A_110 = arith.constant 256 : index
    %get3A_111 = vector.load %arg0[%get3A_109, %get3A_110] : memref<32x1024xf32, #tpu.memory_space<vmem>>, vector<32x16xf32>
    %sqrt3A_112 = math.sqrt %get3A_111 : vector<32x16xf32>
    %get3A_113 = arith.constant 0 : index
    %get3A_114 = arith.constant 304 : index
    %get3A_115 = vector.load %arg0[%get3A_113, %get3A_114] : memref<32x1024xf32, #tpu.memory_space<vmem>>, vector<32x16xf32>
    %add3A_116 = arith.addf %sqrt3A_112, %get3A_115 : vector<32x16xf32>
    %get3A_117 = arith.constant 0 : index
    %get3A_118 = arith.constant 320 : index
    %get3A_119 = vector.load %arg0[%get3A_117, %get3A_118] : memref<32x1024xf32, #tpu.memory_space<vmem>>, vector<32x16xf32>
    %sub3A_120 = arith.subf %add3A_116, %get3A_119 : vector<32x16xf32>
    %sub3A_121 = arith.constant 1.000000e-01 : f32
    %sub3A_122 = vector.broadcast %sub3A_121 : f32 to vector<32x16xf32>
    %sub3A_123 = arith.subf %sub3A_120, %sub3A_122 : vector<32x16xf32>
    %max3A_124 = arith.constant 0.000000e+00 : f32
    %max3A_125 = vector.broadcast %max3A_124 : f32 to vector<32x16xf32>
    %max3A_126 = arith.maximumf %sub3A_123, %max3A_125 : vector<32x16xf32>
    %get3A_127 = arith.constant 0 : index
    %get3A_128 = arith.constant 272 : index
    %get3A_129 = vector.load %arg0[%get3A_127, %get3A_128] : memref<32x1024xf32, #tpu.memory_space<vmem>>, vector<32x16xf32>
    %sqrt3A_130 = math.sqrt %get3A_129 : vector<32x16xf32>
    %sub3A_131 = arith.constant 1.000000e+00 : f32
    %sub3A_132 = vector.broadcast %sub3A_131 : f32 to vector<32x16xf32>
    %sub3A_133 = arith.subf %sqrt3A_130, %sub3A_132 : vector<32x16xf32>
    %abs3A_134 = math.absf %sub3A_133 : vector<32x16xf32>
    %add3A_135 = arith.addf %max3A_126, %abs3A_134 : vector<32x16xf32>
    %get3A_136 = arith.constant 0 : index
    %get3A_137 = arith.constant 288 : index
    %get3A_138 = vector.load %arg0[%get3A_136, %get3A_137] : memref<32x1024xf32, #tpu.memory_space<vmem>>, vector<32x16xf32>
    %sqrt3A_139 = math.sqrt %get3A_138 : vector<32x16xf32>
    %sub3A_140 = arith.constant 1.000000e+00 : f32
    %sub3A_141 = vector.broadcast %sub3A_140 : f32 to vector<32x16xf32>
    %sub3A_142 = arith.subf %sqrt3A_139, %sub3A_141 : vector<32x16xf32>
    %abs3A_143 = math.absf %sub3A_142 : vector<32x16xf32>
    %add3A_144 = arith.addf %add3A_135, %abs3A_143 : vector<32x16xf32>
    %reduce_sum3A_145 = vector.shape_cast %add3A_144 : vector<32x16xf32> to vector<1x32x16xf32>
    %reduce_sum3A_146 = arith.constant dense<0.000000e+00> : vector<1xf32>
    %reduce_sum3A_147 = vector.multi_reduction <add>, %reduce_sum3A_145, %reduce_sum3A_146 [1, 2] : vector<1x32x16xf32> to vector<1xf32>
    %reduce_sum3A_148 = vector.shape_cast %reduce_sum3A_147 : vector<1xf32> to vector<1x1x1xf32>
    %reduce_sum3A_149 = vector.extract %reduce_sum3A_148[0, 0, 0] : f32 from vector<1x1x1xf32>
    %add3A_150 = arith.addf %add3A_108, %reduce_sum3A_149 : f32
    %get3A_151 = arith.constant 0 : index
    %get3A_152 = arith.constant 384 : index
    %get3A_153 = vector.load %arg0[%get3A_151, %get3A_152] : memref<32x1024xf32, #tpu.memory_space<vmem>>, vector<32x16xf32>
    %sqrt3A_154 = math.sqrt %get3A_153 : vector<32x16xf32>
    %get3A_155 = arith.constant 0 : index
    %get3A_156 = arith.constant 432 : index
    %get3A_157 = vector.load %arg0[%get3A_155, %get3A_156] : memref<32x1024xf32, #tpu.memory_space<vmem>>, vector<32x16xf32>
    %get3A_158 = arith.constant 0 : index
    %get3A_159 = arith.constant 448 : index
    %get3A_160 = vector.load %arg0[%get3A_158, %get3A_159] : memref<32x1024xf32, #tpu.memory_space<vmem>>, vector<32x16xf32>
    %add3A_161 = arith.addf %get3A_157, %get3A_160 : vector<32x16xf32>
    %sub3A_162 = arith.subf %sqrt3A_154, %add3A_161 : vector<32x16xf32>
    %sub3A_163 = arith.constant 1.000000e-01 : f32
    %sub3A_164 = vector.broadcast %sub3A_163 : f32 to vector<32x16xf32>
    %sub3A_165 = arith.subf %sub3A_162, %sub3A_164 : vector<32x16xf32>
    %max3A_166 = arith.constant 0.000000e+00 : f32
    %max3A_167 = vector.broadcast %max3A_166 : f32 to vector<32x16xf32>
    %max3A_168 = arith.maximumf %sub3A_165, %max3A_167 : vector<32x16xf32>
    %get3A_169 = arith.constant 0 : index
    %get3A_170 = arith.constant 400 : index
    %get3A_171 = vector.load %arg0[%get3A_169, %get3A_170] : memref<32x1024xf32, #tpu.memory_space<vmem>>, vector<32x16xf32>
    %sqrt3A_172 = math.sqrt %get3A_171 : vector<32x16xf32>
    %sub3A_173 = arith.constant 1.000000e+00 : f32
    %sub3A_174 = vector.broadcast %sub3A_173 : f32 to vector<32x16xf32>
    %sub3A_175 = arith.subf %sqrt3A_172, %sub3A_174 : vector<32x16xf32>
    %abs3A_176 = math.absf %sub3A_175 : vector<32x16xf32>
    %add3A_177 = arith.addf %max3A_168, %abs3A_176 : vector<32x16xf32>
    %get3A_178 = arith.constant 0 : index
    %get3A_179 = arith.constant 416 : index
    %get3A_180 = vector.load %arg0[%get3A_178, %get3A_179] : memref<32x1024xf32, #tpu.memory_space<vmem>>, vector<32x16xf32>
    %sqrt3A_181 = math.sqrt %get3A_180 : vector<32x16xf32>
    %sub3A_182 = arith.constant 1.000000e+00 : f32
    %sub3A_183 = vector.broadcast %sub3A_182 : f32 to vector<32x16xf32>
    %sub3A_184 = arith.subf %sqrt3A_181, %sub3A_183 : vector<32x16xf32>
    %abs3A_185 = math.absf %sub3A_184 : vector<32x16xf32>
    %add3A_186 = arith.addf %add3A_177, %abs3A_185 : vector<32x16xf32>
    %reduce_sum3A_187 = vector.shape_cast %add3A_186 : vector<32x16xf32> to vector<1x32x16xf32>
    %reduce_sum3A_188 = arith.constant dense<0.000000e+00> : vector<1xf32>
    %reduce_sum3A_189 = vector.multi_reduction <add>, %reduce_sum3A_187, %reduce_sum3A_188 [1, 2] : vector<1x32x16xf32> to vector<1xf32>
    %reduce_sum3A_190 = vector.shape_cast %reduce_sum3A_189 : vector<1xf32> to vector<1x1x1xf32>
    %reduce_sum3A_191 = vector.extract %reduce_sum3A_190[0, 0, 0] : f32 from vector<1x1x1xf32>
    %add3A_192 = arith.addf %add3A_150, %reduce_sum3A_191 : f32
    %get3A_193 = arith.constant 0 : index
    %get3A_194 = arith.constant 560 : index
    %get3A_195 = vector.load %arg0[%get3A_193, %get3A_194] : memref<32x1024xf32, #tpu.memory_space<vmem>>, vector<32x16xf32>
    %get3A_196 = arith.constant 0 : index
    %get3A_197 = arith.constant 576 : index
    %get3A_198 = vector.load %arg0[%get3A_196, %get3A_197] : memref<32x1024xf32, #tpu.memory_space<vmem>>, vector<32x16xf32>
    %add3A_199 = arith.addf %get3A_195, %get3A_198 : vector<32x16xf32>
    %get3A_200 = arith.constant 0 : index
    %get3A_201 = arith.constant 512 : index
    %get3A_202 = vector.load %arg0[%get3A_200, %get3A_201] : memref<32x1024xf32, #tpu.memory_space<vmem>>, vector<32x16xf32>
    %sqrt3A_203 = math.sqrt %get3A_202 : vector<32x16xf32>
    %sub3A_204 = arith.subf %add3A_199, %sqrt3A_203 : vector<32x16xf32>
    %add3A_205 = arith.constant 1.000000e-01 : f32
    %add3A_206 = vector.broadcast %add3A_205 : f32 to vector<32x16xf32>
    %add3A_207 = arith.addf %sub3A_204, %add3A_206 : vector<32x16xf32>
    %max3A_208 = arith.constant 0.000000e+00 : f32
    %max3A_209 = vector.broadcast %max3A_208 : f32 to vector<32x16xf32>
    %max3A_210 = arith.maximumf %add3A_207, %max3A_209 : vector<32x16xf32>
    %get3A_211 = arith.constant 0 : index
    %get3A_212 = arith.constant 528 : index
    %get3A_213 = vector.load %arg0[%get3A_211, %get3A_212] : memref<32x1024xf32, #tpu.memory_space<vmem>>, vector<32x16xf32>
    %sqrt3A_214 = math.sqrt %get3A_213 : vector<32x16xf32>
    %sub3A_215 = arith.constant 1.000000e+00 : f32
    %sub3A_216 = vector.broadcast %sub3A_215 : f32 to vector<32x16xf32>
    %sub3A_217 = arith.subf %sqrt3A_214, %sub3A_216 : vector<32x16xf32>
    %abs3A_218 = math.absf %sub3A_217 : vector<32x16xf32>
    %add3A_219 = arith.addf %max3A_210, %abs3A_218 : vector<32x16xf32>
    %get3A_220 = arith.constant 0 : index
    %get3A_221 = arith.constant 544 : index
    %get3A_222 = vector.load %arg0[%get3A_220, %get3A_221] : memref<32x1024xf32, #tpu.memory_space<vmem>>, vector<32x16xf32>
    %sqrt3A_223 = math.sqrt %get3A_222 : vector<32x16xf32>
    %sub3A_224 = arith.constant 1.000000e+00 : f32
    %sub3A_225 = vector.broadcast %sub3A_224 : f32 to vector<32x16xf32>
    %sub3A_226 = arith.subf %sqrt3A_223, %sub3A_225 : vector<32x16xf32>
    %abs3A_227 = math.absf %sub3A_226 : vector<32x16xf32>
    %add3A_228 = arith.addf %add3A_219, %abs3A_227 : vector<32x16xf32>
    %reduce_sum3A_229 = vector.shape_cast %add3A_228 : vector<32x16xf32> to vector<1x32x16xf32>
    %reduce_sum3A_230 = arith.constant dense<0.000000e+00> : vector<1xf32>
    %reduce_sum3A_231 = vector.multi_reduction <add>, %reduce_sum3A_229, %reduce_sum3A_230 [1, 2] : vector<1x32x16xf32> to vector<1xf32>
    %reduce_sum3A_232 = vector.shape_cast %reduce_sum3A_231 : vector<1xf32> to vector<1x1x1xf32>
    %reduce_sum3A_233 = vector.extract %reduce_sum3A_232[0, 0, 0] : f32 from vector<1x1x1xf32>
    %add3A_234 = arith.addf %add3A_192, %reduce_sum3A_233 : f32
    %get3A_235 = arith.constant 0 : index
    %get3A_236 = arith.constant 656 : index
    %get3A_237 = vector.load %arg0[%get3A_235, %get3A_236] : memref<32x1024xf32, #tpu.memory_space<vmem>>, vector<32x16xf32>
    %get3A_238 = arith.constant 0 : index
    %get3A_239 = arith.constant 672 : index
    %get3A_240 = vector.load %arg0[%get3A_238, %get3A_239] : memref<32x1024xf32, #tpu.memory_space<vmem>>, vector<32x16xf32>
    %sqrt3A_241 = math.sqrt %get3A_240 : vector<32x16xf32>
    %max3A_242 = arith.constant 9.99999996E-13 : f32
    %max3A_243 = vector.broadcast %max3A_242 : f32 to vector<32x16xf32>
    %max3A_244 = arith.maximumf %sqrt3A_241, %max3A_243 : vector<32x16xf32>
    %get3A_245 = arith.constant 0 : index
    %get3A_246 = arith.constant 688 : index
    %get3A_247 = vector.load %arg0[%get3A_245, %get3A_246] : memref<32x1024xf32, #tpu.memory_space<vmem>>, vector<32x16xf32>
    %sqrt3A_248 = math.sqrt %get3A_247 : vector<32x16xf32>
    %max3A_249 = arith.constant 9.99999996E-13 : f32
    %max3A_250 = vector.broadcast %max3A_249 : f32 to vector<32x16xf32>
    %max3A_251 = arith.maximumf %sqrt3A_248, %max3A_250 : vector<32x16xf32>
    %mul3A = arith.mulf %max3A_244, %max3A_251 : vector<32x16xf32>
    %div3A = arith.divf %get3A_237, %mul3A : vector<32x16xf32>
    %get3A_252 = arith.constant 0 : index
    %get3A_253 = arith.constant 640 : index
    %get3A_254 = vector.load %arg0[%get3A_252, %get3A_253] : memref<32x1024xf32, #tpu.memory_space<vmem>>, vector<32x16xf32>
    %sqrt3A_255 = math.sqrt %get3A_254 : vector<32x16xf32>
    %sub3A_256 = arith.constant 1.000000e-01 : f32
    %sub3A_257 = vector.broadcast %sub3A_256 : f32 to vector<32x16xf32>
    %sub3A_258 = arith.subf %sqrt3A_255, %sub3A_257 : vector<32x16xf32>
    %max3A_259 = arith.constant 0.000000e+00 : f32
    %max3A_260 = vector.broadcast %max3A_259 : f32 to vector<32x16xf32>
    %max3A_261 = arith.maximumf %sub3A_258, %max3A_260 : vector<32x16xf32>
    %get3A_262 = arith.constant 0 : index
    %get3A_263 = arith.constant 672 : index
    %get3A_264 = vector.load %arg0[%get3A_262, %get3A_263] : memref<32x1024xf32, #tpu.memory_space<vmem>>, vector<32x16xf32>
    %sqrt3A_265 = math.sqrt %get3A_264 : vector<32x16xf32>
    %sub3A_266 = arith.constant 1.000000e+00 : f32
    %sub3A_267 = vector.broadcast %sub3A_266 : f32 to vector<32x16xf32>
    %sub3A_268 = arith.subf %sqrt3A_265, %sub3A_267 : vector<32x16xf32>
    %abs3A_269 = math.absf %sub3A_268 : vector<32x16xf32>
    %add3A_270 = arith.addf %max3A_261, %abs3A_269 : vector<32x16xf32>
    %get3A_271 = arith.constant 0 : index
    %get3A_272 = arith.constant 688 : index
    %get3A_273 = vector.load %arg0[%get3A_271, %get3A_272] : memref<32x1024xf32, #tpu.memory_space<vmem>>, vector<32x16xf32>
    %sqrt3A_274 = math.sqrt %get3A_273 : vector<32x16xf32>
    %sub3A_275 = arith.constant 1.000000e+00 : f32
    %sub3A_276 = vector.broadcast %sub3A_275 : f32 to vector<32x16xf32>
    %sub3A_277 = arith.subf %sqrt3A_274, %sub3A_276 : vector<32x16xf32>
    %abs3A_278 = math.absf %sub3A_277 : vector<32x16xf32>
    %add3A_279 = arith.addf %add3A_270, %abs3A_278 : vector<32x16xf32>
    %sub3A_280 = arith.constant 1.000000e+00 : f32
    %sub3A_281 = vector.broadcast %sub3A_280 : f32 to vector<32x16xf32>
    %sub3A_282 = arith.subf %sub3A_281, %div3A : vector<32x16xf32>
    %abs3A_283 = math.absf %sub3A_282 : vector<32x16xf32>
    %add3A_284 = arith.addf %add3A_279, %abs3A_283 : vector<32x16xf32>
    %reduce_sum3A_285 = vector.shape_cast %add3A_284 : vector<32x16xf32> to vector<1x32x16xf32>
    %reduce_sum3A_286 = arith.constant dense<0.000000e+00> : vector<1xf32>
    %reduce_sum3A_287 = vector.multi_reduction <add>, %reduce_sum3A_285, %reduce_sum3A_286 [1, 2] : vector<1x32x16xf32> to vector<1xf32>
    %reduce_sum3A_288 = vector.shape_cast %reduce_sum3A_287 : vector<1xf32> to vector<1x1x1xf32>
    %reduce_sum3A_289 = vector.extract %reduce_sum3A_288[0, 0, 0] : f32 from vector<1x1x1xf32>
    %add3A_290 = arith.addf %add3A_234, %reduce_sum3A_289 : f32
    %get3A_291 = arith.constant 0 : index
    %get3A_292 = arith.constant 784 : index
    %get3A_293 = vector.load %arg0[%get3A_291, %get3A_292] : memref<32x1024xf32, #tpu.memory_space<vmem>>, vector<32x16xf32>
    %get3A_294 = arith.constant 0 : index
    %get3A_295 = arith.constant 800 : index
    %get3A_296 = vector.load %arg0[%get3A_294, %get3A_295] : memref<32x1024xf32, #tpu.memory_space<vmem>>, vector<32x16xf32>
    %sqrt3A_297 = math.sqrt %get3A_296 : vector<32x16xf32>
    %max3A_298 = arith.constant 9.99999996E-13 : f32
    %max3A_299 = vector.broadcast %max3A_298 : f32 to vector<32x16xf32>
    %max3A_300 = arith.maximumf %sqrt3A_297, %max3A_299 : vector<32x16xf32>
    %get3A_301 = arith.constant 0 : index
    %get3A_302 = arith.constant 848 : index
    %get3A_303 = vector.load %arg0[%get3A_301, %get3A_302] : memref<32x1024xf32, #tpu.memory_space<vmem>>, vector<32x16xf32>
    %sqrt3A_304 = math.sqrt %get3A_303 : vector<32x16xf32>
    %max3A_305 = arith.constant 9.99999996E-13 : f32
    %max3A_306 = vector.broadcast %max3A_305 : f32 to vector<32x16xf32>
    %max3A_307 = arith.maximumf %sqrt3A_304, %max3A_306 : vector<32x16xf32>
    %mul3A_308 = arith.mulf %max3A_300, %max3A_307 : vector<32x16xf32>
    %div3A_309 = arith.divf %get3A_293, %mul3A_308 : vector<32x16xf32>
    %get3A_310 = arith.constant 0 : index
    %get3A_311 = arith.constant 768 : index
    %get3A_312 = vector.load %arg0[%get3A_310, %get3A_311] : memref<32x1024xf32, #tpu.memory_space<vmem>>, vector<32x16xf32>
    %sqrt3A_313 = math.sqrt %get3A_312 : vector<32x16xf32>
    %sub3A_314 = arith.constant 1.000000e-01 : f32
    %sub3A_315 = vector.broadcast %sub3A_314 : f32 to vector<32x16xf32>
    %sub3A_316 = arith.subf %sqrt3A_313, %sub3A_315 : vector<32x16xf32>
    %max3A_317 = arith.constant 0.000000e+00 : f32
    %max3A_318 = vector.broadcast %max3A_317 : f32 to vector<32x16xf32>
    %max3A_319 = arith.maximumf %sub3A_316, %max3A_318 : vector<32x16xf32>
    %get3A_320 = arith.constant 0 : index
    %get3A_321 = arith.constant 816 : index
    %get3A_322 = vector.load %arg0[%get3A_320, %get3A_321] : memref<32x1024xf32, #tpu.memory_space<vmem>>, vector<32x16xf32>
    %sqrt3A_323 = math.sqrt %get3A_322 : vector<32x16xf32>
    %sub3A_324 = arith.constant 1.000000e+00 : f32
    %sub3A_325 = vector.broadcast %sub3A_324 : f32 to vector<32x16xf32>
    %sub3A_326 = arith.subf %sqrt3A_323, %sub3A_325 : vector<32x16xf32>
    %abs3A_327 = math.absf %sub3A_326 : vector<32x16xf32>
    %add3A_328 = arith.addf %max3A_319, %abs3A_327 : vector<32x16xf32>
    %get3A_329 = arith.constant 0 : index
    %get3A_330 = arith.constant 832 : index
    %get3A_331 = vector.load %arg0[%get3A_329, %get3A_330] : memref<32x1024xf32, #tpu.memory_space<vmem>>, vector<32x16xf32>
    %sqrt3A_332 = math.sqrt %get3A_331 : vector<32x16xf32>
    %sub3A_333 = arith.constant 1.000000e+00 : f32
    %sub3A_334 = vector.broadcast %sub3A_333 : f32 to vector<32x16xf32>
    %sub3A_335 = arith.subf %sqrt3A_332, %sub3A_334 : vector<32x16xf32>
    %abs3A_336 = math.absf %sub3A_335 : vector<32x16xf32>
    %add3A_337 = arith.addf %add3A_328, %abs3A_336 : vector<32x16xf32>
    %get3A_338 = arith.constant 0 : index
    %get3A_339 = arith.constant 848 : index
    %get3A_340 = vector.load %arg0[%get3A_338, %get3A_339] : memref<32x1024xf32, #tpu.memory_space<vmem>>, vector<32x16xf32>
    %sqrt3A_341 = math.sqrt %get3A_340 : vector<32x16xf32>
    %sub3A_342 = arith.constant 1.000000e+00 : f32
    %sub3A_343 = vector.broadcast %sub3A_342 : f32 to vector<32x16xf32>
    %sub3A_344 = arith.subf %sqrt3A_341, %sub3A_343 : vector<32x16xf32>
    %abs3A_345 = math.absf %sub3A_344 : vector<32x16xf32>
    %add3A_346 = arith.addf %add3A_337, %abs3A_345 : vector<32x16xf32>
    %sub3A_347 = arith.constant 1.000000e+00 : f32
    %sub3A_348 = vector.broadcast %sub3A_347 : f32 to vector<32x16xf32>
    %sub3A_349 = arith.subf %sub3A_348, %div3A_309 : vector<32x16xf32>
    %abs3A_350 = math.absf %sub3A_349 : vector<32x16xf32>
    %add3A_351 = arith.addf %add3A_346, %abs3A_350 : vector<32x16xf32>
    %reduce_sum3A_352 = vector.shape_cast %add3A_351 : vector<32x16xf32> to vector<1x32x16xf32>
    %reduce_sum3A_353 = arith.constant dense<0.000000e+00> : vector<1xf32>
    %reduce_sum3A_354 = vector.multi_reduction <add>, %reduce_sum3A_352, %reduce_sum3A_353 [1, 2] : vector<1x32x16xf32> to vector<1xf32>
    %reduce_sum3A_355 = vector.shape_cast %reduce_sum3A_354 : vector<1xf32> to vector<1x1x1xf32>
    %reduce_sum3A_356 = vector.extract %reduce_sum3A_355[0, 0, 0] : f32 from vector<1x1x1xf32>
    %add3A_357 = arith.addf %add3A_290, %reduce_sum3A_356 : f32
    %get3A_358 = arith.constant 0 : index
    %get3A_359 = arith.constant 896 : index
    %get3A_360 = vector.load %arg0[%get3A_358, %get3A_359] : memref<32x1024xf32, #tpu.memory_space<vmem>>, vector<32x16xf32>
    %sqrt3A_361 = math.sqrt %get3A_360 : vector<32x16xf32>
    %get3A_362 = arith.constant 0 : index
    %get3A_363 = arith.constant 944 : index
    %get3A_364 = vector.load %arg0[%get3A_362, %get3A_363] : memref<32x1024xf32, #tpu.memory_space<vmem>>, vector<32x16xf32>
    %sub3A_365 = arith.subf %sqrt3A_361, %get3A_364 : vector<32x16xf32>
    %get3A_366 = arith.constant 0 : index
    %get3A_367 = arith.constant 960 : index
    %get3A_368 = vector.load %arg0[%get3A_366, %get3A_367] : memref<32x1024xf32, #tpu.memory_space<vmem>>, vector<32x16xf32>
    %sub3A_369 = arith.subf %sub3A_365, %get3A_368 : vector<32x16xf32>
    %neg3A = arith.constant 0.000000e+00 : f32
    %neg3A_370 = vector.broadcast %neg3A : f32 to vector<32x16xf32>
    %neg3A_371 = arith.subf %neg3A_370, %sub3A_369 : vector<32x16xf32>
    %add3A_372 = arith.constant 1.000000e-01 : f32
    %add3A_373 = vector.broadcast %add3A_372 : f32 to vector<32x16xf32>
    %add3A_374 = arith.addf %neg3A_371, %add3A_373 : vector<32x16xf32>
    %get3A_375 = arith.constant 0 : index
    %get3A_376 = arith.constant 912 : index
    %get3A_377 = vector.load %arg0[%get3A_375, %get3A_376] : memref<32x1024xf32, #tpu.memory_space<vmem>>, vector<32x16xf32>
    %sqrt3A_378 = math.sqrt %get3A_377 : vector<32x16xf32>
    %sub3A_379 = arith.constant 1.000000e+00 : f32
    %sub3A_380 = vector.broadcast %sub3A_379 : f32 to vector<32x16xf32>
    %sub3A_381 = arith.subf %sqrt3A_378, %sub3A_380 : vector<32x16xf32>
    %abs3A_382 = math.absf %sub3A_381 : vector<32x16xf32>
    %add3A_383 = arith.addf %add3A_374, %abs3A_382 : vector<32x16xf32>
    %get3A_384 = arith.constant 0 : index
    %get3A_385 = arith.constant 928 : index
    %get3A_386 = vector.load %arg0[%get3A_384, %get3A_385] : memref<32x1024xf32, #tpu.memory_space<vmem>>, vector<32x16xf32>
    %sqrt3A_387 = math.sqrt %get3A_386 : vector<32x16xf32>
    %sub3A_388 = arith.constant 1.000000e+00 : f32
    %sub3A_389 = vector.broadcast %sub3A_388 : f32 to vector<32x16xf32>
    %sub3A_390 = arith.subf %sqrt3A_387, %sub3A_389 : vector<32x16xf32>
    %abs3A_391 = math.absf %sub3A_390 : vector<32x16xf32>
    %add3A_392 = arith.addf %add3A_383, %abs3A_391 : vector<32x16xf32>
    %reduce_sum3A_393 = vector.shape_cast %add3A_392 : vector<32x16xf32> to vector<1x32x16xf32>
    %reduce_sum3A_394 = arith.constant dense<0.000000e+00> : vector<1xf32>
    %reduce_sum3A_395 = vector.multi_reduction <add>, %reduce_sum3A_393, %reduce_sum3A_394 [1, 2] : vector<1x32x16xf32> to vector<1xf32>
    %reduce_sum3A_396 = vector.shape_cast %reduce_sum3A_395 : vector<1xf32> to vector<1x1x1xf32>
    %reduce_sum3A_397 = vector.extract %reduce_sum3A_396[0, 0, 0] : f32 from vector<1x1x1xf32>
    %add3A_398 = arith.addf %add3A_357, %reduce_sum3A_397 : f32
    %div3A_399 = arith.constant 5.120000e+02 : f32
    %div3A_400 = arith.divf %add3A_398, %div3A_399 : f32
    %swap3A = arith.constant 0 : index
    %swap3A_401 = arith.constant 0 : index
    %swap3A_402 = memref.load %arg1[%swap3A, %swap3A_401] : memref<1x1xf32, #tpu.memory_space<smem>>
    memref.store %div3A_400, %arg1[%swap3A, %swap3A_401] : memref<1x1xf32, #tpu.memory_space<smem>>
    return
  }
}

</mosaic_0001>

<sc_bundles>
// kernel: kernel.4.cloned.1.call-start
scs
__scs_entry_jumppad:
0x0: {  	(pc) =	sbr.rel $0x88, $3  }
0x1: {  	(tag) =	ssettag $0x0;
	lr =	simm.s32 $0x1  }
0x2: {  	[smem:$0x3F97] =	sst lr;
	_ =	strace $0xD0000000  }
0x3: {  	_ = 	snop  }
0x4: {  	_ = 	snop  }
0x5: {  	_ = 	snop  }
0x6: {  	_ = 	snop  }
0x7: {  	_ = 	snop  }
__scs_overlays_trampoline_lowered:
0x8: {  	[smem:$0x3FA6] =	sst s0  }
0x9: {  	[smem:$0x3FA7] =	sst s1  }
0xa: {  	[smem:$0x3FA8] =	sst s2  }
0xb: {  	[smem:$0x3FA9] =	sst s3  }
0xc: {  	[smem:$0x3FAA] =	sst s4  }
0xd: {  	[smem:$0x3FAB] =	sst s5  }
0xe: {  	[smem:$0x3FAC] =	sst s6  }
0xf: {  	[smem:$0x3FAD] =	sst s7  }
0x10: {  	[smem:$0x3FAE] =	sst s8  }
0x11: {  	[smem:$0x3FAF] =	sst s9;
	s0 =	simm.s32 @!p0 $0x0  }
0x12: {  	s1 =	sld [smem:$0x3F95];
	s0 =	simm.s32 @p0 $0x1  }
0x13: {  	[smem:$0x3FB0] =	sst s0;
	s0 =	simm.s32 @!p1 $0x0  }
0x14: {  	s2 =	sld [smem:$0x3F94];
	s0 =	simm.s32 @p1 $0x1  }
0x15: {  	[smem:$0x3FB1] =	sst s0;
	s0 =	simm.s32 @!p2 $0x0  }
0x16: {  	s3 =	sld [smem:$0x3FDB];
	s0 =	simm.s32 @p2 $0x1  }
0x17: {  	s4 =	simm.s32 $0x1BF5;
	[smem:$0x3FB3] =	sst s0  }
0x18: {  	s0 =	sld [smem:$0x3F96];
	_ =	swait.ge [sflag:s4], $0x0  }
0x19: {  	s7 =	sld [smem:$0x3F97]  }
0x1a: {  	s8 =	sadd.s32 $0xFFFFE003, lr  }
0x1b: {  	s9 =	sadd.s32 $0xFFFFFEF7, lr;
	s5 =	simm.s32 $0xFFFFFFFF;
	p2 =	slt.u32 s8, $0xFFFFF086  }
0x1c: {  	p1 =	slt.u32 s9, $0xF7A;
	s5 =	simm.s32 @!p2 $0x0  }
0x1d: {  	s5 =	simm.s32 @p1 $0x1;
	p0 =	seq.s32 s7, s2  }
0x1e: {  	s7 =	smul.u32 @!p0 $0xF7A, s2;
	p2 =	seq.s32 @!p0 s5, $0x0  }
0x1f: {  	s9 =	smul.u32 $0xF7A, s1;
	s8 =	simm.s32 @!p0 $0x1BF5;
	p2 =	por !p2, p0  }
0x20: {  	[sflag:s8] =	ssyncset.s32 @!p0 $0xFFFFF086;
	s6 =	sadd.s32 @!p0 s3, s7;
	s7 =	simm.s32 @!p0 $0x108  }
0x21: {  	s3 =	sadd.s32 s3, s9;
	s6 =	sadd.s32 @!p0 $0x88, s6;
	s7 =	simm.s32 @p2 $0x1082  }
0x22: {  	[simem:s7], [sflag:s8] =	dma.local @!p0 [hbm:s6], $0xF7A  }
0x23: {  	s9 =	sor.u32 $0xD0000000, s2;
	s6 =	simm.s32 $0x108;
	_ =	swait.ge @!p0 [sflag:s8], $0x0  }
0x24: {  	s3 =	sadd.s32 $0x88, s3;
	s6 =	simm.s32 @!p1 $0x1082;
	[sflag:s4] =	ssyncset.s32 $0xFFFFF086  }
0x25: {  	[simem:s6], [sflag:s4] =	dma.local [hbm:s3], $0xF7A  }
0x26: {  	[smem:$0x3F97] =	sst s1;
	(tag) =	ssettag s2;
	_ =	strace s9  }
0x27: {  	s1 =	sld [smem:$0x3FA7]  }
0x28: {  	s2 =	sld [smem:$0x3FA8]  }
0x29: {  	s4 =	sld [smem:$0x3FAA]  }
0x2a: {  	p0 =	seq.s32 s5, $0x0;
	s5 =	sld [smem:$0x3FAB]  }
0x2b: {  	s6 =	sld [smem:$0x3FAC]  }
0x2c: {  	s7 =	sld [smem:$0x3FAD]  }
0x2d: {  	s3 =	simm.s32 $0x108;
	s8 =	sld [smem:$0x3FAE]  }
0x2e: {  	s3 =	simm.s32 @!p0 $0x1082;
	s9 =	sld [smem:$0x3FAF]  }
0x2f: {  	lr =	sadd.s32 s0, s3;
	s0 =	sld [smem:$0x3FA6]  }
0x30: {  	s3 =	sld [smem:$0x3FA9]  }
0x31: {  	[smem:$0x3FB2] =	sst s10  }
0x32: {  	s10 =	sld [smem:$0x3FB0];
	_ =	sdelay $0x3  }
0x33: {  	p0 =	seq.s32 s10, $0x1;
	s10 =	sld [smem:$0x3FB2];
	_ =	sdelay $0x3  }
0x34: {  	[smem:$0x3FB2] =	sst s10  }
0x35: {  	s10 =	sld [smem:$0x3FB1];
	_ =	sdelay $0x3  }
0x36: {  	p1 =	seq.s32 s10, $0x1;
	s10 =	sld [smem:$0x3FB2];
	_ =	sdelay $0x3  }
0x37: {  	[smem:$0x3FB2] =	sst s10  }
0x38: {  	s10 =	sld [smem:$0x3FB3]  }
0x39: {  	_ = 	snop;
	(pc) =	sbr.ind lr, $3  }
0x3a: {  	_ = 	snop  }
0x3b: {  	_ = 	snop  }
0x3c: {  	p2 =	seq.s32 s10, $0x1;
	s10 =	sld [smem:$0x3FB2]  }
0x3d: {  	_ =	shalt  }
0x3e: {  	_ =	shalt  }
0x3f: {  	_ =	shalt  }
0x40: {  	_ =	shalt  }
0x41: {  	_ =	shalt  }
0x42: {  	_ =	shalt  }
0x43: {  	_ =	shalt  }
0x44: {  	_ =	shalt  }
0x45: {  	_ =	shalt  }
0x46: {  	_ =	shalt  }
0x47: {  	_ =	shalt  }
0x48: {  	_ =	shalt  }
0x49: {  	_ =	shalt  }
0x4a: {  	_ =	shalt  }
0x4b: {  	_ =	shalt  }
0x4c: {  	_ =	shalt  }
0x4d: {  	_ =	shalt  }
0x4e: {  	_ =	shalt  }
0x4f: {  	_ =	shalt  }
0x50: {  	_ =	shalt  }
0x51: {  	_ =	shalt  }
0x52: {  	_ =	shalt  }
0x53: {  	_ =	shalt  }
0x54: {  	_ =	shalt  }
0x55: {  	_ =	shalt  }
0x56: {  	_ =	shalt  }
0x57: {  	_ =	shalt  }
0x58: {  	_ =	shalt  }
0x59: {  	_ =	shalt  }
0x5a: {  	_ =	shalt  }
0x5b: {  	_ =	shalt  }
0x5c: {  	_ =	shalt  }
0x5d: {  	_ =	shalt  }
0x5e: {  	_ =	shalt  }
0x5f: {  	_ =	shalt  }
0x60: {  	_ =	shalt  }
0x61: {  	_ =	shalt  }
0x62: {  	_ =	shalt  }
0x63: {  	_ =	shalt  }
0x64: {  	_ =	shalt  }
0x65: {  	_ =	shalt  }
0x66: {  	_ =	shalt  }
0x67: {  	_ =	shalt  }
0x68: {  	_ =	shalt  }
0x69: {  	_ =	shalt  }
0x6a: {  	_ =	shalt  }
0x6b: {  	_ =	shalt  }
0x6c: {  	_ =	shalt  }
0x6d: {  	_ =	shalt  }
0x6e: {  	_ =	shalt  }
0x6f: {  	_ =	shalt  }
0x70: {  	_ =	shalt  }
0x71: {  	_ =	shalt  }
0x72: {  	_ =	shalt  }
0x73: {  	_ =	shalt  }
0x74: {  	_ =	shalt  }
0x75: {  	_ =	shalt  }
0x76: {  	_ =	shalt  }
0x77: {  	_ =	shalt  }
0x78: {  	_ =	shalt  }
0x79: {  	_ =	shalt  }
0x7a: {  	_ =	shalt  }
0x7b: {  	_ =	shalt  }
0x7c: {  	_ =	shalt  }
0x7d: {  	_ =	shalt  }
0x7e: {  	_ =	shalt  }
0x7f: {  	_ =	shalt  }
0x80: {  	_ =	shalt  }
0x81: {  	_ =	shalt  }
0x82: {  	_ =	shalt  }
0x83: {  	_ =	shalt  }
0x84: {  	_ =	shalt  }
0x85: {  	_ =	shalt  }
0x86: {  	_ =	shalt  }
0x87: {  	_ =	shalt  }
.Lfunc_end0:
.L_simem_size_0:
called_computation_lowered:
.L_overlay_start_0:
0x88: {  	s2 =	sld [smem:$0x3FD9]  }
0x89: {  	s3 =	sld [smem:$0x3FFE];
	_ =	sdelay $0x1  }
0x8a: {  	s1 =	srdreg.scid  }
0x8b: {  	s0 =	sand.u32 $0x1, s1  }
0x8c: {  	s17 =	sshll.u32 s0, $0xA;
	s2 =	sadd.s32 s3, s2  }
0x8d: {  	s2 =	sadd.s32 s2, s17  }
0x8e: {  	[smem:$0x3FBE] =	sst s2  }
0x8f: {  	_ = 	snop  }
0x90: {  	s2 =	sld [smem:$0x3FC0];
	(tm) =	ssettm $0x1  }
0x91: {  	s18 =	sld [smem:$0x3FFB];
	_ =	sdelay $0x3  }
0x92: {  	_ =	strace s18  }
0x93: {  	s3 =	sld [smem:$0x3FFC];
	_ =	sdelay $0x3  }
0x94: {  	_ =	strace s3  }
0x95: {  	s3 =	sld [smem:$0x3FFD];
	_ =	sdelay $0x3  }
0x96: {  	_ =	strace s3  }
0x97: {  	_ =	strace $0x8FFFFFFF  }
0x98: {  	s19 =	sld [smem:$0x3FDB];
	_ =	sdelay $0x1  }
0x99: {  	s4 =	simm.s32 $_scs_section_size  }
0x9a: {  	s5 =	simm.s32 $_size__tile_overlayer_lowered;
	s6 =	simm.s32 $_tile_overlayer_lowered  }
0x9b: {  	s22 =	simm.s32 $0x1BFF;
	s21 =	sshll.u32 s6, $0x1;
	s3 =	sadd.s32 s4, s19  }
0x9c: {  	s7 =	simm.s32 $0x0;
	s20 =	sshll.u32 s5, $0x1;
	s5 =	sadd.s32 s21, s3  }
0x9d: {  	[timem:s7], [sflag:s22] =	dma.local [hbm:s5], s20  }
0x9e: {  	_ =	swait.ge [sflag:s22], s20  }
0x9f: {  	s4 =	ssub.s32 $0x0, s20;
	[sflag:s22] =	ssyncset.done $0x0  }
0xa0: {  	[sflag:s22] =	ssyncadd.s32 s4;
	_ =	sdelay $0x1  }
0xa1: {  	s23 =	simm.s32 $0x1B8B  }
0xa2: {  	_ =	swait.ge [sflag:s23], $0x1  }
0xa3: {  	[sflag:s23] =	ssyncset.done $0x0  }
0xa4: {  	s25 =	simm.s32 $0x1B8E;
	s24 =	sld [smem:$0x3FFE];
	[sflag:s23] =	ssyncadd.s32 $0xFFFFFFFF  }
0xa5: {  	s26 =	simm.s32 $execute0_lowered;
	[smem:$0x3FD2] =	sst s25  }
0xa6: {  	s5 =	sshll.u32 s26, $0x1;
	_ =	strace $0x80000046;
	[dreg:$0x1] =	wrdreg $0xFFFFFFFF  }
0xa7: {  	s28 =	simm.s32 $_size_execute0_lowered;
	s3 =	sadd.s32 s3, s5;
	[dreg:$0x0] =	wrdreg $0x0  }
0xa8: {  	s5 =	sshll.u32 s28, $0x1;
	[dreg:$0x2] =	wrdreg s3  }
0xa9: {  	[dreg:$0x3] =	wrdreg s5  }
0xaa: {  	[dreg:$0x4] =	wrdreg $0xC0  }
0xab: {  	_ =	task [dreg:s7], $0x5FFFF  }
0xac: {  	[dreg:$0x1] =	wrdreg $0xFFFFFFFF  }
0xad: {  	[dreg:$0x0] =	wrdreg $0x60  }
0xae: {  	[dreg:$0x2] =	wrdreg s24  }
0xaf: {  	[dreg:$0x3] =	wrdreg s2  }
0xb0: {  	[dreg:$0x4] =	wrdreg $0x9  }
0xb1: {  	_ =	task.clear_ibuf [dreg:s7], $0x5FFFF;
	_ =	strace $0x90000046  }
0xb2: {  	s29 =	simm.s32 $0x9;
	_ =	strace $0x80000048  }
0xb3: {  	_ =	swait.ge [sflag:s29], $0x1  }
0xb4: {  	[sflag:s29] =	ssyncadd.s32 $0xFFFFFFFF  }
0xb5: {  	_ =	strace $0x90000048  }
0xb6: {  	_ =	sfence  }
0xb7: {  	s30 =	sld [smem:$0x0];
	_ =	sdelay $0x2  }
0xb8: {  	s31 =	sshll.u32 s1, $0xD;
	s1 =	sshrl.u32 s1, $0x2  }
0xb9: {  	s3 =	sand.u32 $0x4000, s31;
	s1 =	sadd.s32 s1, s30  }
0xba: {  	s0 =	sor.u32 s3, s0;
	s1 =	sshll.u32 s1, $0x11  }
0xbb: {  	s0 =	sor.u32 s1, s0  }
0xbc: {  	s0 =	sadd.s32 $0x8F2B, s0  }
0xbd: {  	[sflag:s0] =	ssyncadd.remote.s32 $0x1  }
0xbe: {  	_ =	sfence.sel $0xFFFF  }
0xbf: {  	[dreg:$0x0] =	wrdreg $0xFFFFFFFF;
	(pc) =	sbr.abs _section_cstart, $3  }
0xc0: {  	[dreg:$0x1] =	wrdreg $0xFFFFFFFF  }
0xc1: {  	_ =	task.clear_ibuf [dreg:s7], $0x2FFFF;
	_ =	strace $0x9FFFFFFF  }
0xc2: {  	(tm) =	ssettm $0x7FFFFFFF  }
0xc3: {  	_ =	shalt  }
tec
execute0_lowered:
.L_overlay_start_1:
0x0: {  	(tag) =	ssettag $0x1  }
0x1: {  	s5 =	rddreg [dreg:$0x0];
	s1 =	srdreg.scid  }
0x2: {  	s0 =	stileid.u32;
	s2 =	rddreg [dreg:$0x1];
	s3 =	simm.s32 $0x0  }
0x3: {  	s11 =	simm.s32 $0x68;
	s12 =	simm.s32 $0x800;
	s13 =	simm.s32 $0xD80  }
0x4: {  	s14 =	simm.s32 $0x868;
	s15 =	simm.s32 $0x4180;
	s16 =	simm.s32 $0x80  }
0x5: {  	v0 =	vlaneseq.u32;
	s17 =	simm.s32 $0x8D0;
	s18 =	simm.s32 $0x7580;
	s19 =	simm.s32 $0xB580  }
0x6: {  	vm0 =	vcmask $0x3F3C;
	s20 =	simm.s32 $0x400;
	s21 =	simm.s32 $0x2;
	s22 =	simm.s32 $0x0;
	v1 =	vmul.u32 $0x80, v0  }
0x7: {  	s6 =	sand.u32 $0x1, s1;
	s4 =	sshll.u32 s0, $0x1;
	s1 =	rddreg [dreg:$0x2];
	v22 =	vor.u32 $0x30, v0;
	v23 =	vor.u32 $0x40, v0;
	v24 =	vor.u32 $0x230, v0  }
0x8: {  	[smem:$0x7FF] =	sst s3;
	s9 =	sshll.u32 s0, $0x8;
	v25 =	vor.u32 $0x240, v0;
	s7 =	sor.u32 s6, s4;
	v2 =	vor.u32 $0x1, v1;
	v3 =	vor.u32 $0x2, v1  }
0x9: {  	_ =	strace $0x80000047;
	s9 =	sand.u32 $0xC00, s9;
	s6 =	ssub.s32 $0x2, s6;
	v4 =	vor.u32 $0x3, v1;
	v5 =	vor.u32 $0x4, v1;
	v6 =	vor.u32 $0x5, v1  }
0xa: {  	s4 =	sshll.u32 s7, $0x8;
	s7 =	sshll.u32 s7, $0x4;
	s9 =	sadd.s32 s9, s5;
	v7 =	vor.u32 $0x7, v1;
	v8 =	vor.u32 $0x9, v1;
	v9 =	vor.u32 $0xA, v1  }
0xb: {  	s10 =	sshrl.u32 s6, $0x1;
	v10 =	vor.u32 $0xB, v1;
	v11 =	vor.u32 $0xC, v1;
	v12 =	vor.u32 $0x12, v1;
	s8 =	sadd.s32 s4, s5;
	s4 =	sadd.s32 $0x1E00, s5  }
0xc: {  	v13 =	vor.u32 $0x14, v1;
	v14 =	vor.u32 $0x6, v1;
	v15 =	vor.u32 $0x8, v1;
	s7 =	sand.u32 $0x70, s7;
	s5 =	sadd.s32 $0x7E00, s5;
	s31 =	ssub.s32 s6, s10  }
0xd: {  	v16 =	vor.u32 $0xD, v1;
	v17 =	vor.u32 $0xE, v1;
	v18 =	vor.u32 $0xF, v1;
	s10 =	simm.s32 $0x1;
	s7 =	sadd.s32 s7, s9;
	s6 =	sadd.s32 $0x5E00, s8  }
0xe: {  	v19 =	vor.u32 $0x10, v1;
	v20 =	vor.u32 $0x11, v1;
	v21 =	vor.u32 $0x13, v1;
	s8 =	smax.u32 s31, $0x1;
	s9 =	simm.s32 $0x980;
	s7 =	sadd.s32 $0x8000, s7  }
.LBB2_1:
0xf: {  	[tilespmem:s3], [sflag:$0x1] =	stream.linear.gather [hbm4b:s6+s3], $0x800, $0x38;
	[tilespmem:$0xB980] =	vst v63  }
0x10: {  	_ = 	snop  }
0x11: {  	[tilespmem:s9], [sflag:$0x1] =	stream.linear.gather [hbm4b:s5+s3], $0x400, $0x38;
	[tilespmem:$0xB980] =	vst v63  }
0x12: {  	_ =	swait.ge [sflag:s10], $0x800  }
0x13: {  	[sflag:s10] =	ssyncset.done $0x0  }
0x14: {  	[sflag:s10] =	ssyncadd.s32 $0xFFFFF800  }
0x15: {  	_ =	swait.ge [sflag:s10], $0x400  }
0x16: {  	[sflag:s10] =	ssyncset.done $0x0  }
0x17: {  	[sflag:s10] =	ssyncadd.s32 $0xFFFFFC00  }
0x18: {  	v26 =	vld.idx.msk [tilespmem:v1+s3+$0x0], $0xffff;
	_ =	sdelay $0x4  }
0x19: {  	[tilespmem:$0x800] =	vst v26  }
0x1a: {  	v26 =	vld.idx.msk [tilespmem:v2+s3+$0x0], $0xffff;
	_ =	sdelay $0x4  }
0x1b: {  	[tilespmem:$0x810] =	vst v26  }
0x1c: {  	v26 =	vld.idx.msk [tilespmem:v3+s3+$0x0], $0xffff;
	_ =	sdelay $0x4  }
0x1d: {  	[tilespmem:$0x820] =	vst v26  }
0x1e: {  	v26 =	vld.idx.msk [tilespmem:v4+s3+$0x0], $0xffff;
	_ =	sdelay $0x4  }
0x1f: {  	[tilespmem:$0x830] =	vst v26  }
0x20: {  	v26 =	vld.idx.msk [tilespmem:v5+s3+$0x0], $0xffff;
	_ =	sdelay $0x4  }
0x21: {  	[tilespmem:$0x840] =	vst v26  }
0x22: {  	v26 =	vld.idx.msk [tilespmem:v6+s3+$0x0], $0xffff;
	_ =	sdelay $0x4  }
0x23: {  	[tilespmem:$0x850] =	vst v26  }
0x24: {  	v26 =	vld.idx.msk [tilespmem:v7+s3+$0x0], $0xffff;
	_ =	sdelay $0x4  }
0x25: {  	[tilespmem:$0x860] =	vst v26  }
0x26: {  	v26 =	vld.idx.msk [tilespmem:v8+s3+$0x0], $0xffff;
	_ =	sdelay $0x4  }
0x27: {  	[tilespmem:$0x870] =	vst v26  }
0x28: {  	v26 =	vld.idx.msk [tilespmem:v9+s3+$0x0], $0xffff;
	_ =	sdelay $0x4  }
0x29: {  	[tilespmem:$0x880] =	vst v26  }
0x2a: {  	v26 =	vld.idx.msk [tilespmem:v10+s3+$0x0], $0xffff;
	_ =	sdelay $0x4  }
0x2b: {  	[tilespmem:$0x890] =	vst v26  }
0x2c: {  	v26 =	vld.idx.msk [tilespmem:v11+s3+$0x0], $0xffff;
	_ =	sdelay $0x4  }
0x2d: {  	[tilespmem:$0x8A0] =	vst v26  }
0x2e: {  	v26 =	vld.idx.msk [tilespmem:v12+s3+$0x0], $0xffff;
	_ =	sdelay $0x4  }
0x2f: {  	[tilespmem:$0x8B0] =	vst v26  }
0x30: {  	v26 =	vld.idx.msk [tilespmem:v13+s3+$0x0], $0xffff;
	_ =	sdelay $0x4  }
0x31: {  	[tilespmem:$0x8C0] =	vst v26  }
0x32: {  	v26 =	vld.idx.msk [tilespmem:v14+s3+$0x0], $0xffff;
	_ =	sdelay $0x4  }
0x33: {  	[tilespmem:$0x8D0] =	vst v26  }
0x34: {  	v26 =	vld.idx.msk [tilespmem:v15+s3+$0x0], $0xffff;
	_ =	sdelay $0x4  }
0x35: {  	[tilespmem:$0x8E0] =	vst v26  }
0x36: {  	v26 =	vld.idx.msk [tilespmem:v16+s3+$0x0], $0xffff;
	_ =	sdelay $0x4  }
0x37: {  	[tilespmem:$0x8F0] =	vst v26  }
0x38: {  	v26 =	vld.idx.msk [tilespmem:v17+s3+$0x0], $0xffff;
	_ =	sdelay $0x4  }
0x39: {  	[tilespmem:$0x900] =	vst v26  }
0x3a: {  	v26 =	vld.idx.msk [tilespmem:v18+s3+$0x0], $0xffff;
	_ =	sdelay $0x4  }
0x3b: {  	[tilespmem:$0x910] =	vst v26  }
0x3c: {  	v26 =	vld.idx.msk [tilespmem:v19+s3+$0x0], $0xffff;
	_ =	sdelay $0x4  }
0x3d: {  	[tilespmem:$0x920] =	vst v26  }
0x3e: {  	v26 =	vld.idx.msk [tilespmem:v20+s3+$0x0], $0xffff;
	_ =	sdelay $0x4  }
0x3f: {  	[tilespmem:$0x930] =	vst v26  }
0x40: {  	v26 =	vld.idx.msk [tilespmem:v21+s3+$0x0], $0xffff;
	_ =	sdelay $0x4  }
0x41: {  	[tilespmem:$0x940] =	vst v26  }
0x42: {  	[tilespmem:s13], [sflag:$0x1] =	stream.indirect.gather [hbm4b:s4+s11], $0x80, s12, s11, $0xb8;
	[tilespmem:$0xB980] =	vst v63  }
0x43: {  	_ = 	snop  }
0x44: {  	[tilespmem:s15], [sflag:$0x1] =	stream.indirect.gather [hbm4b:s4+s11], $0x80, s14, s11, $0xb8;
	[tilespmem:$0xB980] =	vst v63  }
0x45: {  	_ = 	snop  }
0x46: {  	[tilespmem:s18], [sflag:$0x1] =	stream.indirect.gather [hbm4b:s2+s16], $0x80, s17, s16, $0xb8;
	[tilespmem:$0xB980] =	vst v63  }
0x47: {  	_ =	swait.ge [sflag:s10], $0x3400  }
0x48: {  	[sflag:s10] =	ssyncset.done $0x0  }
0x49: {  	[sflag:s10] =	ssyncadd.s32 $0xFFFFCC00  }
0x4a: {  	_ =	swait.ge [sflag:s10], $0x3400  }
0x4b: {  	[sflag:s10] =	ssyncset.done $0x0  }
0x4c: {  	[sflag:s10] =	ssyncadd.s32 $0xFFFFCC00  }
0x4d: {  	_ =	swait.ge [sflag:s10], $0x4000  }
0x4e: {  	[sflag:s10] =	ssyncset.done $0x0  }
0x4f: {  	s25 =	simm.s32 $0x1580;
	[sflag:s10] =	ssyncadd.s32 $0xFFFFC000  }
0x50: {  	v31 =	vld [tilespmem:s25+$0xFFFFF800]  }
0x51: {  	v28 =	vld [tilespmem:s25+$0x10]  }
0x52: {  	v34 =	vld [tilespmem:s25+$0xFFFFF810]  }
0x53: {  	v29 =	vld [tilespmem:s25+$0x0]  }
0x54: {  	v26 =	vld [tilespmem:s25+$0x30]  }
0x55: {  	v32 =	vld [tilespmem:s25+$0xFFFFF820]  }
0x56: {  	v27 =	vld [tilespmem:s25+$0x20]  }
0x57: {  	s26 =	simm.s32 $0x1;
	s24 =	simm.s32 $0x1580;
	s23 =	simm.s32 $0x0;
	v30 =	vld [tilespmem:s25+$0xFFFFF830];
	v35 =	vmul.f32 v31, v31;
	v33 =	vsub.f32 v34, v28  }
.LBB2_2:
0x58: {  	p0 =	sne.s32 s26, $0xF  }
0x59: {  	v34 =	vmul.f32 v34, v34;
	s25 =	sadd.s32 $0x80, s25;
	s28 =	smov.u32 s26;
	s26 =	sadd.s32 $0x1, s26  }
0x5a: {  	v36 =	vld [tilespmem:s24+$0xFFFFF840]  }
0x5b: {  	v31 =	vsub.f32 v31, v29;
	v34 =	vadd.f32 v34, v35;
	v35 =	vmul.f32 v32, v32;
	v37 =	vld [tilespmem:s24+$0x40]  }
0x5c: {  	v29 =	vmul.f32 v29, v29;
	v33 =	vmul.f32 v33, v33;
	v32 =	vsub.f32 v32, v27;
	v38 =	vld [tilespmem:s24+$0xFFFFF850]  }
0x5d: {  	v31 =	vmul.f32 v31, v31;
	v34 =	vadd.f32 v35, v34;
	v35 =	vmul.f32 v30, v30;
	v39 =	vld [tilespmem:s24+$0x50]  }
0x5e: {  	v28 =	vmul.f32 v28, v28;
	v30 =	vsub.f32 v30, v26;
	v32 =	vmul.f32 v32, v32;
	v40 =	vld [tilespmem:s24+$0xFFFFF860]  }
0x5f: {  	v31 =	vadd.f32 v33, v31;
	v33 =	vadd.f32 v35, v34;
	v34 =	vmul.f32 v36, v36  }
0x60: {  	v27 =	vmul.f32 v27, v27;
	v30 =	vmul.f32 v30, v30;
	v35 =	vsub.f32 v36, v37;
	v36 =	vld [tilespmem:s24+$0x60]  }
0x61: {  	v31 =	vadd.f32 v32, v31;
	v32 =	vadd.f32 v34, v33;
	v33 =	vmul.f32 v38, v38;
	v34 =	vld [tilespmem:s24+$0xFFFFF870]  }
0x62: {  	v28 =	vadd.f32 v28, v29;
	v26 =	vmul.f32 v26, v26;
	v29 =	vsub.f32 v38, v39;
	v38 =	vld [tilespmem:s24+$0x70];
	s24 =	smov.u32 s25  }
0x63: {  	v30 =	vadd.f32 v30, v31;
	v31 =	vmul.f32 v35, v35;
	v32 =	vadd.f32 v33, v32  }
0x64: {  	v27 =	vadd.f32 v27, v28;
	v28 =	vmul.f32 v37, v37;
	v33 =	vmul.f32 v40, v40  }
0x65: {  	v30 =	vadd.f32 v31, v30;
	v29 =	vmul.f32 v29, v29;
	v31 =	vsub.f32 v40, v36  }
0x66: {  	v26 =	vadd.f32 v26, v27;
	v27 =	vadd.f32 v33, v32;
	v32 =	vmul.f32 v34, v34  }
0x67: {  	v29 =	vadd.f32 v29, v30;
	v30 =	vmul.f32 v31, v31;
	v31 =	vsub.f32 v34, v38  }
0x68: {  	v26 =	vadd.f32 v28, v26;
	v28 =	vmul.f32 v39, v39;
	v27 =	vadd.f32 v32, v27  }
0x69: {  	v29 =	vadd.f32 v30, v29;
	v30 =	vmul.f32 v36, v36;
	v31 =	vmul.f32 v31, v31  }
0x6a: {  	v26 =	vadd.f32 v28, v26;
	(xrf2) =	vadd.scan.msk.f32 $0xffff, v27  }
0x6b: {  	v28 =	vmul.f32 v38, v38;
	v27 =	vadd.f32 v31, v29  }
0x6c: {  	v26 =	vadd.f32 v30, v26  }
0x6d: {  	(xrf2) =	vadd.scan.msk.f32 $0xffff, v27  }
0x6e: {  	v26 =	vadd.f32 v28, v26;
	_ =	sdelay $0x1  }
0x6f: {  	(xrf2) =	vadd.scan.msk.f32 $0xffff, v26;
	_ =	sdelay $0x3  }
0x70: {  	v26, _, _ =	vpop (xrf2)  }
0x71: {  	v27 =	vmov s23;
	s23 =	smov.u32 s28  }
0x72: {  	v28 =	vor.u32 $0x10, v27  }
0x73: {  	v29, _, _ =	vpop (xrf2)  }
0x74: {  	v30 =	vor.u32 $0x20, v27;
	v29 =	vbroadcast v29, $0xF  }
0x75: {  	v26 =	vbroadcast v26, $0xF  }
0x76: {  	[tilespmem:v27+s19+$0x0] =	vst.idx.msk vm0, v29;
	v27, _, _ =	vpop (xrf2)  }
0x77: {  	[tilespmem:v28+s19+$0x0] =	vst.idx.msk vm0, v26;
	v26 =	vbroadcast v27, $0xF;
	_ =	sdelay $0x1  }
0x78: {  	[tilespmem:v30+s19+$0x0] =	vst.idx.msk vm0, v26  }
0x79: {  	v31 =	vld [tilespmem:s25+$0xFFFFF800]  }
0x7a: {  	v28 =	vld [tilespmem:s25+$0x10]  }
0x7b: {  	v34 =	vld [tilespmem:s25+$0xFFFFF810]  }
.Ltmp0:
0x7c: {  	v29 =	vld [tilespmem:s25+$0x0];
	(pc) =	sbr.rel @p0 .LBB2_2-.Ltmp0, $4  }
0x7d: {  	v26 =	vld [tilespmem:s25+$0x30]  }
0x7e: {  	v35 =	vmul.f32 v31, v31;
	v32 =	vld [tilespmem:s25+$0xFFFFF820]  }
0x7f: {  	v27 =	vld [tilespmem:s25+$0x20]  }
0x80: {  	v33 =	vsub.f32 v34, v28;
	v30 =	vld [tilespmem:s25+$0xFFFFF830]  }
0x81: {  	v36 =	vld [tilespmem:s24+$0xFFFFF840]  }
0x82: {  	v34 =	vmul.f32 v34, v34;
	v37 =	vld [tilespmem:s24+$0x40]  }
0x83: {  	v31 =	vsub.f32 v31, v29;
	v38 =	vld [tilespmem:s24+$0xFFFFF850];
	v29 =	vmul.f32 v29, v29;
	v28 =	vmul.f32 v28, v28  }
0x84: {  	v39 =	vld [tilespmem:s24+$0x50];
	v33 =	vmul.f32 v33, v33;
	v34 =	vadd.f32 v34, v35;
	v47 =	vmul.f32 v32, v32  }
0x85: {  	v31 =	vmul.f32 v31, v31;
	v28 =	vadd.f32 v28, v29;
	v48 =	vsub.f32 v32, v27  }
0x86: {  	v27 =	vmul.f32 v27, v27;
	v34 =	vadd.f32 v47, v34;
	v49 =	vmul.f32 v30, v30  }
0x87: {  	v40 =	vld [tilespmem:s24+$0xFFFFF860];
	v30 =	vsub.f32 v30, v26;
	v31 =	vadd.f32 v33, v31;
	v32 =	vmul.f32 v48, v48  }
0x88: {  	v52 =	vld [tilespmem:s24+$0x60];
	v26 =	vmul.f32 v26, v26;
	v51 =	vmul.f32 v36, v36;
	v36 =	vsub.f32 v36, v37  }
0x89: {  	v54 =	vld [tilespmem:s24+$0xFFFFF870];
	v29 =	vsub.f32 v38, v39;
	v30 =	vmul.f32 v30, v30;
	v31 =	vadd.f32 v32, v31  }
0x8a: {  	v55 =	vld [tilespmem:s24+$0x70];
	v56 =	vmul.f32 v38, v38;
	v27 =	vadd.f32 v27, v28;
	v50 =	vadd.f32 v49, v34  }
0x8b: {  	v57 =	vmul.f32 v37, v37;
	v30 =	vadd.f32 v30, v31;
	v31 =	vmul.f32 v36, v36  }
0x8c: {  	v58 =	vmul.f32 v39, v39;
	v26 =	vadd.f32 v26, v27;
	v53 =	vadd.f32 v51, v50  }
0x8d: {  	v29 =	vmul.f32 v29, v29;
	v28 =	vadd.f32 v31, v30;
	v30 =	vsub.f32 v40, v52  }
0x8e: {  	v27 =	vmul.f32 v40, v40;
	v26 =	vadd.f32 v57, v26;
	v31 =	vadd.f32 v56, v53  }
0x8f: {  	v28 =	vadd.f32 v29, v28;
	v29 =	vmul.f32 v30, v30;
	v30 =	vsub.f32 v54, v55  }
0x90: {  	v26 =	vadd.f32 v58, v26;
	v27 =	vadd.f32 v27, v31;
	v31 =	vmul.f32 v54, v54  }
0x91: {  	v28 =	vadd.f32 v29, v28;
	v29 =	vmul.f32 v52, v52;
	v30 =	vmul.f32 v30, v30  }
0x92: {  	v27 =	vadd.f32 v31, v27  }
0x93: {  	v28 =	vadd.f32 v30, v28;
	v30 =	vmul.f32 v55, v55;
	v26 =	vadd.f32 v29, v26  }
0x94: {  	(xrf2) =	vadd.scan.msk.f32 $0xffff, v27  }
0x95: {  	(xrf2) =	vadd.scan.msk.f32 $0xffff, v28;
	v26 =	vadd.f32 v30, v26;
	_ =	sdelay $0x1  }
0x96: {  	(xrf2) =	vadd.scan.msk.f32 $0xffff, v26;
	_ =	sdelay $0x5  }
0x97: {  	v26 =	vmov s23  }
0x98: {  	v28 =	vor.u32 $0x10, v26;
	v27, _, _ =	vpop (xrf2)  }
0x99: {  	v30 =	vor.u32 $0x20, v26;
	v29, _, _ =	vpop (xrf2)  }
0x9a: {  	v29 =	vbroadcast v29, $0xF  }
0x9b: {  	v27 =	vbroadcast v27, $0xF;
	v31, _, _ =	vpop (xrf2)  }
0x9c: {  	[tilespmem:v26+s19+$0x0] =	vst.idx.msk vm0, v29;
	v26 =	vbroadcast v31, $0xF  }
0x9d: {  	[tilespmem:v28+s19+$0x0] =	vst.idx.msk vm0, v27  }
0x9e: {  	[tilespmem:v30+s19+$0x0] =	vst.idx.msk vm0, v26  }
0x9f: {  	v26 =	vld [tilespmem:$0x800];
	_ =	sdelay $0x7  }
0xa0: {  	v26 =	vld.idx.msk [tilespmem:v26+s9+$0x0], $0xffff;
	_ =	sdelay $0x4  }
0xa1: {  	v26 =	vand.u32 $0x7FFFFFFF, v26  }
0xa2: {  	[tilespmem:v22+s19+$0x0] =	vst.idx.msk $0xffff, v26  }
0xa3: {  	v26 =	vld [tilespmem:$0x810];
	_ =	sdelay $0x7  }
0xa4: {  	v26 =	vld.idx.msk [tilespmem:v26+s9+$0x0], $0xffff;
	_ =	sdelay $0x4  }
0xa5: {  	v26 =	vand.u32 $0x7FFFFFFF, v26  }
0xa6: {  	s23 =	simm.s32 $0x0;
	[tilespmem:v23+s19+$0x0] =	vst.idx.msk $0xffff, v26  }
0xa7: {  	v59 =	vld [tilespmem:s23+$0x5DA0]  }
0xa8: {  	v60 =	vld [tilespmem:s23+$0x55A0]  }
0xa9: {  	v29 =	vld [tilespmem:s23+$0x5D80]  }
0xaa: {  	v61 =	vld [tilespmem:s23+$0x5590]  }
0xab: {  	v62 =	vld [tilespmem:s23+$0x5D90]  }
0xac: {  	v63 =	vld [tilespmem:s23+$0x5580];
	_ =	sdelay $0x1  }
0xad: {  	s24 =	simm.s32 $0x0  }
0xae: {  	v26 =	vmov s24;
	v28 =	vld [tilespmem:s23+$0x55C0];
	v33 =	vmul.f32 v60, v60;
	v27 =	vmul.f32 v59, v59  }
0xaf: {  	v31 =	vld [tilespmem:s23+$0x5DB0];
	v35 =	vmul.f32 v61, v61;
	v30 =	vmul.f32 v62, v62;
	v32 =	vsub.f32 v60, v59  }
0xb0: {  	s25 =	simm.s32 $0x200;
	v34 =	vld [tilespmem:s23+$0x55B0];
	v36 =	vsub.f32 v63, v29;
	v38 =	vmul.f32 v63, v63;
	v37 =	vsub.f32 v61, v62  }
.LBB2_4:
0xb1: {  	p0 =	sne.s32 s25, $0x1E00  }
0xb2: {  	s24 =	sadd.s32 $0x1, s24;
	s26 =	smov.u32 s25;
	s25 =	sadd.s32 $0x200, s25  }
0xb3: {  	v39 =	vmov s24;
	v35 =	vadd.f32 v35, v38;
	v38 =	vld [tilespmem:s23+$0x5DC0]  }
0xb4: {  	v36 =	vmul.f32 v36, v36;
	v37 =	vmul.f32 v37, v37;
	v40 =	vld [tilespmem:s23+$0x55D0]  }
0xb5: {  	v33 =	vadd.f32 v33, v35;
	v35 =	vsub.f32 v34, v31;
	v34 =	vmul.f32 v34, v34;
	v41 =	vld [tilespmem:s23+$0x55E0]  }
0xb6: {  	v29 =	vmul.f32 v29, v29;
	v32 =	vmul.f32 v32, v32;
	v36 =	vadd.f32 v37, v36;
	v37 =	vld [tilespmem:s23+$0x5DD0]  }
0xb7: {  	v31 =	vmul.f32 v31, v31;
	v33 =	vadd.f32 v34, v33;
	v34 =	vmul.f32 v28, v28;
	v42 =	vld [tilespmem:s23+$0x5DE0]  }
0xb8: {  	v29 =	vadd.f32 v30, v29;
	v30 =	vadd.f32 v32, v36;
	v32 =	vmul.f32 v35, v35;
	v35 =	vld [tilespmem:s23+$0x55F0]  }
0xb9: {  	v28 =	vsub.f32 v28, v38;
	v33 =	vadd.f32 v34, v33;
	v34 =	vmul.f32 v40, v40  }
0xba: {  	v27 =	vadd.f32 v27, v29;
	v29 =	vadd.f32 v32, v30;
	v30 =	vmul.f32 v41, v41;
	v32 =	vld [tilespmem:s23+$0x5DF0];
	s23 =	sshra.s32 s26, $0x2  }
0xbb: {  	v28 =	vmul.f32 v28, v28;
	v36 =	vsub.f32 v40, v37;
	v33 =	vadd.f32 v34, v33  }
0xbc: {  	v27 =	vadd.f32 v31, v27;
	v31 =	vmul.f32 v38, v38;
	v34 =	vsub.f32 v41, v42  }
0xbd: {  	v28 =	vadd.f32 v28, v29;
	v29 =	vmul.f32 v36, v36;
	v30 =	vadd.f32 v30, v33  }
0xbe: {  	v27 =	vadd.f32 v31, v27;
	v31 =	vmul.f32 v37, v37;
	v33 =	vmul.f32 v35, v35  }
0xbf: {  	v28 =	vadd.f32 v29, v28;
	v29 =	vmul.f32 v34, v34;
	v34 =	vsub.f32 v35, v32  }
0xc0: {  	v27 =	vadd.f32 v31, v27;
	v31 =	vmul.f32 v42, v42;
	v30 =	vadd.f32 v33, v30  }
0xc1: {  	v28 =	vadd.f32 v29, v28;
	v29 =	vmul.f32 v34, v34  }
0xc2: {  	v27 =	vadd.f32 v31, v27;
	v31 =	vmul.f32 v32, v32;
	(xrf2) =	vadd.scan.msk.f32 $0xffff, v30  }
0xc3: {  	v28 =	vadd.f32 v29, v28  }
0xc4: {  	v27 =	vadd.f32 v31, v27  }
0xc5: {  	(xrf2) =	vadd.scan.msk.f32 $0xffff, v28;
	_ =	sdelay $0x2  }
0xc6: {  	(xrf2) =	vadd.scan.msk.f32 $0xffff, v27;
	_ =	sdelay $0x3  }
0xc7: {  	v27, _, _ =	vpop (xrf2)  }
0xc8: {  	v28 =	vor.u32 $0x200, v26  }
0xc9: {  	v29 =	vor.u32 $0x210, v26  }
0xca: {  	v30, _, _ =	vpop (xrf2)  }
0xcb: {  	v31 =	vor.u32 $0x220, v26;
	v26 =	vmov v39;
	v30 =	vbroadcast v30, $0xF  }
0xcc: {  	v27 =	vbroadcast v27, $0xF  }
0xcd: {  	[tilespmem:v28+s19+$0x0] =	vst.idx.msk vm0, v30;
	v28, _, _ =	vpop (xrf2)  }
0xce: {  	[tilespmem:v29+s19+$0x0] =	vst.idx.msk vm0, v27;
	v27 =	vbroadcast v28, $0xF;
	_ =	sdelay $0x1  }
0xcf: {  	[tilespmem:v31+s19+$0x0] =	vst.idx.msk vm0, v27  }
0xd0: {  	v32 =	vld [tilespmem:s23+$0x5DA0]  }
0xd1: {  	v34 =	vld [tilespmem:s23+$0x55A0]  }
0xd2: {  	v29 =	vld [tilespmem:s23+$0x5D80]  }
0xd3: {  	v37 =	vld [tilespmem:s23+$0x5590]  }
0xd4: {  	v39 =	vld [tilespmem:s23+$0x5D90]  }
0xd5: {  	v38 =	vld [tilespmem:s23+$0x5580]  }
.Ltmp1:
0xd6: {  	v28 =	vld [tilespmem:s23+$0x55C0];
	(pc) =	sbr.rel @p0 .LBB2_4-.Ltmp1, $4  }
0xd7: {  	v33 =	vmul.f32 v34, v34  }
0xd8: {  	v27 =	vmul.f32 v32, v32;
	v31 =	vld [tilespmem:s23+$0x5DB0]  }
0xd9: {  	v32 =	vsub.f32 v34, v32;
	v35 =	vmul.f32 v37, v37;
	v30 =	vmul.f32 v39, v39;
	v34 =	vld [tilespmem:s23+$0x55B0]  }
0xda: {  	v37 =	vsub.f32 v37, v39;
	v36 =	vsub.f32 v38, v29;
	v38 =	vmul.f32 v38, v38  }
0xdb: {  	v61 =	vld [tilespmem:s23+$0x5DC0]  }
0xdc: {  	v39 =	vld [tilespmem:s23+$0x55D0];
	v29 =	vmul.f32 v29, v29;
	v35 =	vadd.f32 v35, v38  }
0xdd: {  	v40 =	vld [tilespmem:s23+$0x5DD0];
	v36 =	vmul.f32 v36, v36;
	v37 =	vmul.f32 v37, v37  }
0xde: {  	v41 =	vld [tilespmem:s23+$0x55E0];
	v32 =	vmul.f32 v32, v32;
	v29 =	vadd.f32 v30, v29;
	v33 =	vadd.f32 v33, v35  }
0xdf: {  	v42 =	vmul.f32 v28, v28;
	v63 =	vsub.f32 v34, v31;
	v36 =	vadd.f32 v37, v36  }
0xe0: {  	v43 =	vld [tilespmem:s23+$0x5DE0];
	v62 =	vmul.f32 v34, v34;
	v31 =	vmul.f32 v31, v31;
	v27 =	vadd.f32 v27, v29  }
0xe1: {  	v45 =	vld [tilespmem:s23+$0x55F0];
	v30 =	vadd.f32 v32, v36;
	v44 =	vmul.f32 v63, v63;
	v28 =	vsub.f32 v28, v61  }
0xe2: {  	v29 =	vld [tilespmem:s23+$0x5DF0];
	v33 =	vadd.f32 v62, v33;
	v46 =	vmul.f32 v39, v39;
	v47 =	vsub.f32 v39, v40  }
0xe3: {  	v48 =	vmul.f32 v41, v41;
	v30 =	vadd.f32 v44, v30;
	v28 =	vmul.f32 v28, v28  }
0xe4: {  	v27 =	vadd.f32 v31, v27;
	v31 =	vmul.f32 v61, v61;
	v33 =	vadd.f32 v42, v33  }
0xe5: {  	v49 =	vsub.f32 v41, v43;
	v28 =	vadd.f32 v28, v30;
	v30 =	vmul.f32 v47, v47  }
0xe6: {  	v27 =	vadd.f32 v31, v27;
	v31 =	vmul.f32 v40, v40;
	v50 =	vadd.f32 v46, v33  }
0xe7: {  	v51 =	vsub.f32 v45, v29;
	v28 =	vadd.f32 v30, v28;
	v30 =	vmul.f32 v49, v49  }
0xe8: {  	v34 =	vmul.f32 v45, v45;
	v27 =	vadd.f32 v31, v27;
	v32 =	vadd.f32 v48, v50  }
0xe9: {  	v31 =	vmul.f32 v43, v43;
	v28 =	vadd.f32 v30, v28;
	v30 =	vmul.f32 v51, v51  }
0xea: {  	v32 =	vadd.f32 v34, v32  }
0xeb: {  	v29 =	vmul.f32 v29, v29;
	v27 =	vadd.f32 v31, v27;
	v28 =	vadd.f32 v30, v28  }
0xec: {  	(xrf2) =	vadd.scan.msk.f32 $0xffff, v32  }
0xed: {  	v27 =	vadd.f32 v29, v27;
	(xrf2) =	vadd.scan.msk.f32 $0xffff, v28;
	_ =	sdelay $0x1  }
0xee: {  	(xrf2) =	vadd.scan.msk.f32 $0xffff, v27;
	_ =	sdelay $0x5  }
0xef: {  	v27 =	vor.u32 $0x200, v26  }
0xf0: {  	v29 =	vor.u32 $0x210, v26;
	v28, _, _ =	vpop (xrf2)  }
0xf1: {  	v26 =	vor.u32 $0x220, v26;
	v30, _, _ =	vpop (xrf2)  }
0xf2: {  	v30 =	vbroadcast v30, $0xF  }
0xf3: {  	v28 =	vbroadcast v28, $0xF;
	v31, _, _ =	vpop (xrf2)  }
0xf4: {  	[tilespmem:v27+s19+$0x0] =	vst.idx.msk vm0, v30;
	v27 =	vbroadcast v31, $0xF  }
0xf5: {  	[tilespmem:v29+s19+$0x0] =	vst.idx.msk vm0, v28  }
0xf6: {  	[tilespmem:v26+s19+$0x0] =	vst.idx.msk vm0, v27  }
0xf7: {  	v26 =	vld [tilespmem:$0x890];
	_ =	sdelay $0x7  }
0xf8: {  	v26 =	vld.idx.msk [tilespmem:v26+s9+$0x0], $0xffff;
	_ =	sdelay $0x4  }
0xf9: {  	v26 =	vand.u32 $0x7FFFFFFF, v26  }
0xfa: {  	[tilespmem:v24+s19+$0x0] =	vst.idx.msk $0xffff, v26  }
0xfb: {  	v26 =	vld [tilespmem:$0x8A0];
	_ =	sdelay $0x7  }
0xfc: {  	v26 =	vld.idx.msk [tilespmem:v26+s9+$0x0], $0xffff;
	_ =	sdelay $0x4  }
0xfd: {  	v26 =	vand.u32 $0x7FFFFFFF, v26  }
0xfe: {  	s23 =	simm.s32 $0x1DC0;
	[tilespmem:v25+s19+$0x0] =	vst.idx.msk $0xffff, v26  }
0xff: {  	v26 =	vld [tilespmem:s23+$0xFFFFFFC0]  }
0x100: {  	v27 =	vld [tilespmem:s23+$0xFE0]  }
0x101: {  	v28 =	vld [tilespmem:s23+$0x7E0]  }
0x102: {  	v29 =	vld [tilespmem:s23+$0x7D0]  }
0x103: {  	v30 =	vld [tilespmem:s23+$0xFD0]  }
0x104: {  	v31 =	vld [tilespmem:s23+$0xFFFFFFD0]  }
0x105: {  	v52 =	vld [tilespmem:s23+$0xFC0]  }
0x106: {  	v53 =	vld [tilespmem:s23+$0x7C0]  }
0x107: {  	v36 =	vld [tilespmem:s23+$0xFFFFFFE0]  }
0x108: {  	v60 =	vld [tilespmem:s23+$0xFF0]  }
0x109: {  	v44 =	vld [tilespmem:s23+$0x7F0]  }
0x10a: {  	v46 =	vld [tilespmem:s23+$0xFFFFFFF0];
	v54 =	vsub.f32 v27, v28;
	v55 =	vmul.f32 v28, v28;
	v56 =	vmul.f32 v27, v27  }
0x10b: {  	v62 =	vld [tilespmem:s23+$0x800];
	v57 =	vsub.f32 v30, v29;
	v58 =	vmul.f32 v29, v29;
	v29 =	vsub.f32 v29, v31  }
0x10c: {  	v59 =	vsub.f32 v30, v31;
	v30 =	vmul.f32 v30, v30;
	v42 =	vsub.f32 v52, v26  }
0x10d: {  	v50 =	vld [tilespmem:s23+$0x1000];
	v43 =	vmul.f32 v52, v52;
	v45 =	vsub.f32 v53, v26;
	v32 =	vsub.f32 v52, v53  }
0x10e: {  	v27 =	vsub.f32 v27, v36;
	v33 =	vmul.f32 v53, v53;
	v28 =	vsub.f32 v28, v36  }
0x10f: {  	v31 =	vmul.f32 v31, v31;
	v63 =	vsub.f32 v60, v44;
	v48 =	vmul.f32 v44, v44  }
0x110: {  	v49 =	vsub.f32 v44, v46;
	v53 =	vmul.f32 v62, v62;
	v26 =	vmul.f32 v26, v26  }
0x111: {  	v52 =	vsub.f32 v60, v46;
	v41 =	vmul.f32 v60, v60;
	v34 =	vmul.f32 v54, v54  }
0x112: {  	v37 =	vsub.f32 v50, v62;
	v38 =	vmul.f32 v57, v57;
	v40 =	vmul.f32 v59, v59  }
0x113: {  	v42 =	vmul.f32 v42, v42;
	v30 =	vadd.f32 v30, v43;
	v32 =	vmul.f32 v32, v32  }
0x114: {  	v61 =	vmul.f32 v45, v45;
	v33 =	vadd.f32 v58, v33;
	v29 =	vmul.f32 v29, v29  }
0x115: {  	v27 =	vmul.f32 v27, v27;
	v26 =	vadd.f32 v31, v26;
	v40 =	vadd.f32 v40, v42;
	v42 =	vld [tilespmem:s23+$0x0]  }
0x116: {  	v51 =	vmul.f32 v63, v63;
	v32 =	vadd.f32 v38, v32;
	v33 =	vadd.f32 v55, v33  }
0x117: {  	v28 =	vmul.f32 v28, v28;
	v63 =	vld [tilespmem:s23+$0x1030];
	v30 =	vadd.f32 v56, v30;
	v29 =	vadd.f32 v29, v61  }
0x118: {  	v35 =	vmul.f32 v49, v49;
	v38 =	vld [tilespmem:s23+$0x810];
	v32 =	vadd.f32 v34, v32;
	v33 =	vadd.f32 v48, v33  }
0x119: {  	v57 =	vmul.f32 v50, v50;
	v55 =	vld [tilespmem:s23+$0x1010];
	v27 =	vadd.f32 v27, v40;
	v28 =	vadd.f32 v28, v29  }
0x11a: {  	v60 =	vld [tilespmem:s23+$0x1020];
	v29 =	vmul.f32 v52, v52;
	v30 =	vadd.f32 v41, v30;
	v54 =	vsub.f32 v62, v42  }
0x11b: {  	v31 =	vmul.f32 v37, v37;
	v34 =	vld [tilespmem:s23+$0x10];
	v32 =	vadd.f32 v51, v32;
	v33 =	vadd.f32 v53, v33  }
0x11c: {  	v28 =	vadd.f32 v35, v28;
	v27 =	vadd.f32 v29, v27;
	v29 =	vmul.f32 v54, v54  }
0x11d: {  	v49 =	vld [tilespmem:s23+$0x820];
	v30 =	vadd.f32 v57, v30;
	v53 =	vmul.f32 v63, v63;
	v56 =	vsub.f32 v50, v42  }
0x11e: {  	v48 =	vld [tilespmem:s23+$0x20];
	v61 =	vsub.f32 v55, v38;
	v28 =	vadd.f32 v29, v28;
	v29 =	vmul.f32 v36, v36  }
0x11f: {  	v39 =	vmul.f32 v55, v55;
	v50 =	vmul.f32 v60, v60;
	v31 =	vadd.f32 v31, v32  }
0x120: {  	v59 =	vsub.f32 v38, v34;
	v26 =	vadd.f32 v29, v26;
	v29 =	vmul.f32 v46, v46  }
0x121: {  	v58 =	vmul.f32 v56, v56;
	v62 =	vsub.f32 v55, v34;
	v30 =	vadd.f32 v39, v30  }
0x122: {  	v38 =	vmul.f32 v38, v38;
	v26 =	vadd.f32 v29, v26;
	v29 =	vmul.f32 v42, v42  }
0x123: {  	v51 =	vld [tilespmem:s23+$0x30];
	v54 =	vmul.f32 v49, v49;
	v55 =	vsub.f32 v60, v48;
	v56 =	vmul.f32 v61, v61  }
0x124: {  	v52 =	vld [tilespmem:s23+$0x830];
	v60 =	vsub.f32 v60, v49;
	v26 =	vadd.f32 v29, v26;
	v29 =	vmul.f32 v34, v34  }
0x125: {  	v61 =	vsub.f32 v49, v48;
	v43 =	vmul.f32 v59, v59;
	v30 =	vadd.f32 v50, v30  }
0x126: {  	v27 =	vadd.f32 v58, v27;
	v26 =	vadd.f32 v29, v26;
	v29 =	vmul.f32 v48, v48  }
0x127: {  	v37 =	vmul.f32 v62, v62;
	v33 =	vadd.f32 v38, v33;
	v30 =	vadd.f32 v53, v30  }
0x128: {  	v57 =	vsub.f32 v63, v51;
	v26 =	vadd.f32 v29, v26;
	v29 =	vmul.f32 v51, v51  }
0x129: {  	v58 =	vsub.f32 v63, v52;
	v59 =	vmul.f32 v52, v52;
	v39 =	vsub.f32 v52, v51;
	(xrf2) =	vadd.scan.msk.f32 $0xffff, v30  }
0x12a: {  	v31 =	vadd.f32 v56, v31;
	v62 =	vmul.f32 v60, v60;
	v26 =	vadd.f32 v29, v26  }
0x12b: {  	v32 =	vmul.f32 v61, v61;
	v33 =	vadd.f32 v54, v33;
	v28 =	vadd.f32 v43, v28  }
0x12c: {  	v27 =	vadd.f32 v37, v27;
	v36 =	vmul.f32 v57, v57;
	v29 =	vmul.f32 v55, v55;
	(xrf2) =	vadd.scan.msk.f32 $0xffff, v26  }
0x12d: {  	v63 =	vmul.f32 v39, v39;
	v30 =	vadd.f32 v59, v33;
	v28 =	vadd.f32 v32, v28  }
0x12e: {  	v27 =	vadd.f32 v29, v27;
	v29 =	vadd.f32 v62, v31;
	v31 =	vmul.f32 v58, v58  }
0x12f: {  	v28 =	vadd.f32 v63, v28  }
0x130: {  	s24 =	simm.s32 $0x0;
	s25 =	simm.s32 $0x1;
	(xrf2) =	vadd.scan.msk.f32 $0xffff, v30;
	v27 =	vadd.f32 v36, v27;
	v26 =	vadd.f32 v31, v29  }
.LBB2_6:
0x131: {  	p0 =	sne.s32 s25, $0xF  }
0x132: {  	s23 =	sadd.s32 $0x80, s23;
	s26 =	smov.u32 s25;
	s25 =	sadd.s32 $0x1, s25  }
0x133: {  	(xrf2) =	vadd.scan.msk.f32 $0xffff, v28;
	v28, _, _ =	vpop (xrf2);
	_ =	sdelay $0x2  }
0x134: {  	(xrf2) =	vadd.scan.msk.f32 $0xffff, v27;
	v27, _, _ =	vpop (xrf2);
	_ =	sdelay $0x2  }
0x135: {  	(xrf2) =	vadd.scan.msk.f32 $0xffff, v26  }
0x136: {  	v26 =	vmov s24;
	s24 =	smov.u32 s26;
	v29, _, _ =	vpop (xrf2)  }
0x137: {  	v30 =	vor.u32 $0x80, v26;
	_ =	sdelay $0x1  }
0x138: {  	v31, _, _ =	vpop (xrf2)  }
0x139: {  	v32 =	vbroadcast v31, $0xF;
	_ =	sdelay $0x1  }
0x13a: {  	[tilespmem:v30+s19+$0x0] =	vst.idx.msk vm0, v32;
	v30 =	vor.u32 $0x90, v26;
	v31, _, _ =	vpop (xrf2)  }
0x13b: {  	v32 =	vor.u32 $0xA0, v26  }
0x13c: {  	v33 =	vor.u32 $0xB0, v26  }
0x13d: {  	v34 =	vor.u32 $0xC0, v26;
	v31 =	vbroadcast v31, $0xF;
	v35, _, _ =	vpop (xrf2)  }
0x13e: {  	v27 =	vbroadcast v27, $0xF;
	v26 =	vor.u32 $0xD0, v26;
	v35 =	vbroadcast v35, $0xF  }
0x13f: {  	v29 =	vbroadcast v29, $0xF;
	[tilespmem:v30+s19+$0x0] =	vst.idx.msk vm0, v31  }
0x140: {  	v28 =	vbroadcast v28, $0xF;
	[tilespmem:v32+s19+$0x0] =	vst.idx.msk vm0, v35  }
0x141: {  	[tilespmem:v33+s19+$0x0] =	vst.idx.msk vm0, v27  }
0x142: {  	[tilespmem:v34+s19+$0x0] =	vst.idx.msk vm0, v29  }
0x143: {  	[tilespmem:v26+s19+$0x0] =	vst.idx.msk vm0, v28;
	_ =	sdelay $0x1  }
0x144: {  	v26 =	vld [tilespmem:s23+$0xFFFFFFC0]  }
0x145: {  	v27 =	vld [tilespmem:s23+$0xFE0]  }
0x146: {  	v28 =	vld [tilespmem:s23+$0x7E0]  }
0x147: {  	v29 =	vld [tilespmem:s23+$0x7D0]  }
0x148: {  	v30 =	vld [tilespmem:s23+$0xFD0]  }
0x149: {  	v31 =	vld [tilespmem:s23+$0xFFFFFFD0]  }
0x14a: {  	v32 =	vld [tilespmem:s23+$0xFC0]  }
0x14b: {  	v33 =	vld [tilespmem:s23+$0x7C0];
	v34 =	vsub.f32 v27, v28;
	v35 =	vmul.f32 v28, v28  }
0x14c: {  	v37 =	vmul.f32 v27, v27;
	v36 =	vld [tilespmem:s23+$0xFFFFFFE0]  }
0x14d: {  	v39 =	vmul.f32 v29, v29;
	v38 =	vsub.f32 v30, v29;
	v34 =	vmul.f32 v34, v34  }
0x14e: {  	v29 =	vsub.f32 v29, v31;
	v40 =	vsub.f32 v30, v31;
	v30 =	vmul.f32 v30, v30;
	v41 =	vld [tilespmem:s23+$0xFF0]  }
0x14f: {  	v42 =	vsub.f32 v32, v26;
	v43 =	vmul.f32 v32, v32;
	v38 =	vmul.f32 v38, v38;
	v44 =	vld [tilespmem:s23+$0x7F0]  }
0x150: {  	v45 =	vsub.f32 v33, v26;
	v32 =	vsub.f32 v32, v33;
	v40 =	vmul.f32 v40, v40;
	v46 =	vld [tilespmem:s23+$0xFFFFFFF0]  }
0x151: {  	v42 =	vmul.f32 v42, v42;
	v30 =	vadd.f32 v30, v43;
	v27 =	vsub.f32 v27, v36  }
0x152: {  	v33 =	vmul.f32 v33, v33;
	v28 =	vsub.f32 v28, v36;
	v43 =	vmul.f32 v45, v45;
	v45 =	vld [tilespmem:s23+$0x800]  }
0x153: {  	v32 =	vmul.f32 v32, v32;
	v40 =	vadd.f32 v40, v42;
	v30 =	vadd.f32 v37, v30  }
0x154: {  	v31 =	vmul.f32 v31, v31;
	v33 =	vadd.f32 v39, v33;
	v28 =	vmul.f32 v28, v28  }
0x155: {  	v32 =	vadd.f32 v38, v32;
	v37 =	vsub.f32 v41, v44;
	v38 =	vmul.f32 v44, v44;
	v39 =	vld [tilespmem:s23+$0x0]  }
0x156: {  	v29 =	vmul.f32 v29, v29;
	v33 =	vadd.f32 v35, v33;
	v35 =	vsub.f32 v44, v46;
	v42 =	vld [tilespmem:s23+$0x1000]  }
0x157: {  	v27 =	vmul.f32 v27, v27;
	v32 =	vadd.f32 v34, v32;
	v34 =	vmul.f32 v37, v37  }
0x158: {  	v29 =	vadd.f32 v29, v43;
	v33 =	vadd.f32 v38, v33;
	v35 =	vmul.f32 v35, v35;
	v37 =	vld [tilespmem:s23+$0x810]  }
0x159: {  	v38 =	vsub.f32 v41, v46;
	v32 =	vadd.f32 v34, v32;
	v34 =	vmul.f32 v45, v45;
	v43 =	vld [tilespmem:s23+$0x10]  }
0x15a: {  	v27 =	vadd.f32 v27, v40;
	v40 =	vsub.f32 v45, v39  }
0x15b: {  	v28 =	vadd.f32 v28, v29;
	v29 =	vmul.f32 v38, v38;
	v38 =	vsub.f32 v42, v45;
	v44 =	vld [tilespmem:s23+$0x1010]  }
0x15c: {  	v33 =	vadd.f32 v34, v33;
	v45 =	vsub.f32 v42, v39;
	v34 =	vmul.f32 v42, v42;
	v42 =	vld [tilespmem:s23+$0x20]  }
0x15d: {  	v28 =	vadd.f32 v35, v28;
	v27 =	vadd.f32 v29, v27;
	v29 =	vmul.f32 v40, v40;
	v35 =	vld [tilespmem:s23+$0x1020]  }
0x15e: {  	v26 =	vmul.f32 v26, v26;
	v40 =	vmul.f32 v45, v45;
	v45 =	vsub.f32 v37, v43  }
0x15f: {  	v41 =	vmul.f32 v41, v41;
	v28 =	vadd.f32 v29, v28;
	v29 =	vmul.f32 v38, v38;
	v38 =	vld [tilespmem:s23+$0x820]  }
0x160: {  	v26 =	vadd.f32 v31, v26;
	v31 =	vmul.f32 v36, v36;
	v36 =	vsub.f32 v44, v37  }
0x161: {  	v30 =	vadd.f32 v41, v30;
	v41 =	vsub.f32 v44, v43;
	v45 =	vmul.f32 v45, v45  }
0x162: {  	v26 =	vadd.f32 v31, v26;
	v31 =	vmul.f32 v46, v46;
	v44 =	vmul.f32 v44, v44;
	v46 =	vld [tilespmem:s23+$0x1030]  }
0x163: {  	v30 =	vadd.f32 v34, v30;
	v37 =	vmul.f32 v37, v37;
	v34 =	vmul.f32 v41, v41  }
0x164: {  	v26 =	vadd.f32 v31, v26;
	v31 =	vmul.f32 v39, v39;
	v27 =	vadd.f32 v40, v27;
	v39 =	vld [tilespmem:s23+$0x830]  }
0x165: {  	v30 =	vadd.f32 v44, v30;
	v41 =	vmul.f32 v35, v35;
	v40 =	vmul.f32 v38, v38;
	v44 =	vld [tilespmem:s23+$0x30]  }
0x166: {  	v26 =	vadd.f32 v31, v26;
	v31 =	vmul.f32 v43, v43;
	v27 =	vadd.f32 v34, v27  }
0x167: {  	v33 =	vadd.f32 v37, v33;
	v30 =	vadd.f32 v41, v30;
	v34 =	vmul.f32 v46, v46  }
0x168: {  	v29 =	vadd.f32 v29, v32;
	v26 =	vadd.f32 v31, v26;
	v31 =	vmul.f32 v42, v42  }
0x169: {  	v32 =	vmul.f32 v36, v36;
	v36 =	vmul.f32 v39, v39;
	v30 =	vadd.f32 v34, v30  }
0x16a: {  	v26 =	vadd.f32 v31, v26;
	v34 =	vsub.f32 v35, v42;
	v31 =	vmul.f32 v44, v44  }
0x16b: {  	v41 =	vsub.f32 v46, v39;
	v37 =	vsub.f32 v46, v44;
	(xrf2) =	vadd.scan.msk.f32 $0xffff, v30  }
0x16c: {  	v30 =	vsub.f32 v35, v38;
	v34 =	vmul.f32 v34, v34;
	v26 =	vadd.f32 v31, v26  }
0x16d: {  	v35 =	vsub.f32 v39, v44;
	v31 =	vsub.f32 v38, v42;
	v37 =	vmul.f32 v37, v37  }
0x16e: {  	v29 =	vadd.f32 v32, v29;
	v32 =	vadd.f32 v40, v33;
	v30 =	vmul.f32 v30, v30;
	(xrf2) =	vadd.scan.msk.f32 $0xffff, v26  }
.Ltmp2:
0x16f: {  	v27 =	vadd.f32 v34, v27;
	v26 =	vadd.f32 v45, v28;
	v28 =	vmul.f32 v31, v31;
	(pc) =	sbr.rel @p0 .LBB2_6-.Ltmp2, $4  }
0x170: {  	v31 =	vadd.f32 v36, v32;
	v29 =	vadd.f32 v30, v29;
	v30 =	vmul.f32 v41, v41  }
0x171: {  	v32 =	vmul.f32 v35, v35;
	v27 =	vadd.f32 v37, v27;
	v28 =	vadd.f32 v28, v26  }
0x172: {  	v26 =	vadd.f32 v30, v29;
	(xrf2) =	vadd.scan.msk.f32 $0xffff, v31  }
0x173: {  	v28 =	vadd.f32 v32, v28  }
0x174: {  	_ = 	snop  }
0x175: {  	(xrf2) =	vadd.scan.msk.f32 $0xffff, v28  }
0x176: {  	(xrf2) =	vadd.scan.msk.f32 $0xffff, v27  }
0x177: {  	(xrf2) =	vadd.scan.msk.f32 $0xffff, v26;
	_ =	sdelay $0x4  }
0x178: {  	v27 =	vmov s24;
	v26, _, _ =	vpop (xrf2)  }
0x179: {  	v29 =	vor.u32 $0x80, v27;
	v28, _, _ =	vpop (xrf2)  }
0x17a: {  	v31 =	vor.u32 $0x90, v27;
	v30, _, _ =	vpop (xrf2)  }
0x17b: {  	v33 =	vor.u32 $0xA0, v27;
	v32, _, _ =	vpop (xrf2)  }
0x17c: {  	v35 =	vor.u32 $0xB0, v27;
	v32 =	vbroadcast v32, $0xF;
	v34, _, _ =	vpop (xrf2)  }
0x17d: {  	v36 =	vor.u32 $0xC0, v27;
	v34 =	vbroadcast v34, $0xF;
	v37, _, _ =	vpop (xrf2)  }
0x17e: {  	v27 =	vor.u32 $0xD0, v27;
	[tilespmem:v29+s19+$0x0] =	vst.idx.msk vm0, v32;
	v29 =	vbroadcast v37, $0xF  }
0x17f: {  	v28 =	vbroadcast v28, $0xF;
	[tilespmem:v31+s19+$0x0] =	vst.idx.msk vm0, v34  }
0x180: {  	v30 =	vbroadcast v30, $0xF;
	[tilespmem:v33+s19+$0x0] =	vst.idx.msk vm0, v29  }
0x181: {  	v26 =	vbroadcast v26, $0xF;
	[tilespmem:v35+s19+$0x0] =	vst.idx.msk vm0, v28  }
0x182: {  	[tilespmem:v36+s19+$0x0] =	vst.idx.msk vm0, v30  }
0x183: {  	[tilespmem:v27+s19+$0x0] =	vst.idx.msk vm0, v26  }
0x184: {  	v26 =	vld [tilespmem:$0x820];
	_ =	sdelay $0x7  }
0x185: {  	v26 =	vld.idx.msk [tilespmem:v26+s9+$0x0], $0xffff  }
0x186: {  	v27 =	vor.u32 $0xE0, v0;
	_ =	sdelay $0x3  }
0x187: {  	v26 =	vand.u32 $0x7FFFFFFF, v26  }
0x188: {  	[tilespmem:v27+s19+$0x0] =	vst.idx.msk $0xffff, v26  }
0x189: {  	v26 =	vld [tilespmem:$0x830];
	_ =	sdelay $0x7  }
0x18a: {  	v26 =	vld.idx.msk [tilespmem:v26+s9+$0x0], $0xffff  }
0x18b: {  	v27 =	vor.u32 $0xF0, v0;
	_ =	sdelay $0x3  }
0x18c: {  	v26 =	vand.u32 $0x7FFFFFFF, v26  }
0x18d: {  	s23 =	simm.s32 $0x3DF0;
	[tilespmem:v27+s19+$0x0] =	vst.idx.msk $0xffff, v26  }
0x18e: {  	s24 =	simm.s32 $0x75C0;
	v27 =	vld [tilespmem:s23+$0xFFFFF7A0]  }
0x18f: {  	v29 =	vld [tilespmem:s24+$0xFFFFFFF0]  }
0x190: {  	v30 =	vld [tilespmem:s23+$0xFFFFF7C0]  }
0x191: {  	v31 =	vld [tilespmem:s24+$0xFFFFFFE0]  }
0x192: {  	v32 =	vld [tilespmem:s24+$0xFFFFFFD0]  }
0x193: {  	v33 =	vld [tilespmem:s23+$0xFFFFF790]  }
0x194: {  	v34 =	vld [tilespmem:s24+$0xFFFFFFC0]  }
0x195: {  	v35 =	vld [tilespmem:s23+$0xFFFFF7B0]  }
0x196: {  	v36 =	vld [tilespmem:s23+$0xFFFFFF90]  }
0x197: {  	v40 =	vld [tilespmem:s24+$0x10]  }
0x198: {  	v52 =	vld [tilespmem:s23+$0xFFFFF7E0]  }
0x199: {  	v28 =	vld [tilespmem:s23+$0xFFFFFFC0]  }
0x19a: {  	v26 =	vld [tilespmem:s23+$0xFFFFFFA0]  }
0x19b: {  	v38 =	vld [tilespmem:s23+$0xFFFFFFB0];
	v29 =	vadd.f32 v29, v30;
	v32 =	vadd.f32 v32, v27;
	v39 =	vmul.f32 v33, v33  }
0x19c: {  	v27 =	vmul.f32 v27, v27;
	v33 =	vadd.f32 v34, v33;
	v51 =	vmul.f32 v35, v35  }
0x19d: {  	v50 =	vld [tilespmem:s23+$0xFFFFF7D0];
	v31 =	vadd.f32 v31, v35;
	v41 =	vmul.f32 v36, v36;
	v40 =	vadd.f32 v40, v52  }
0x19e: {  	v49 =	vld [tilespmem:s23+$0xFFFFFFF0];
	v30 =	vmul.f32 v30, v30;
	v29 =	vsub.f32 v29, v28;
	v27 =	vadd.f32 v27, v39  }
0x19f: {  	v53 =	vld [tilespmem:s24+$0x0];
	v32 =	vsub.f32 v32, v26;
	v26 =	vmul.f32 v26, v26;
	v33 =	vsub.f32 v33, v36  }
0x1a0: {  	v54 =	vld [tilespmem:s23+$0xFFFFFFD0];
	v31 =	vsub.f32 v31, v38;
	v38 =	vmul.f32 v38, v38;
	v27 =	vadd.f32 v51, v27  }
0x1a1: {  	v55 =	vld [tilespmem:s23+$0xFFFFF7F0];
	v26 =	vadd.f32 v26, v41;
	v33 =	vmul.f32 v33, v33;
	v32 =	vmul.f32 v32, v32  }
0x1a2: {  	v56 =	vld [tilespmem:s24+$0x20];
	v28 =	vmul.f32 v28, v28;
	v27 =	vadd.f32 v30, v27;
	v30 =	vmul.f32 v50, v50  }
0x1a3: {  	v42 =	vld [tilespmem:s23+$0xFFFFFFE0];
	v31 =	vmul.f32 v31, v31;
	v26 =	vadd.f32 v38, v26;
	v32 =	vadd.f32 v32, v33  }
0x1a4: {  	v57 =	vld [tilespmem:s23+$0xFFFFF800];
	v34 =	vadd.f32 v53, v50;
	v27 =	vadd.f32 v30, v27;
	v30 =	vmul.f32 v52, v52  }
0x1a5: {  	v58 =	vld [tilespmem:s24+$0x30];
	v26 =	vadd.f32 v28, v26;
	v28 =	vmul.f32 v54, v54;
	v31 =	vadd.f32 v31, v32  }
0x1a6: {  	v29 =	vmul.f32 v29, v29;
	v27 =	vadd.f32 v30, v27;
	v30 =	vsub.f32 v34, v54  }
0x1a7: {  	v60 =	vld [tilespmem:s23+$0x0];
	v59 =	vmul.f32 v55, v55;
	v26 =	vadd.f32 v28, v26;
	v28 =	vadd.f32 v56, v55  }
0x1a8: {  	v61 =	vsub.f32 v40, v42;
	v29 =	vadd.f32 v29, v31;
	v30 =	vmul.f32 v30, v30  }
0x1a9: {  	v63 =	vmul.f32 v57, v57;
	v31 =	vmul.f32 v42, v42;
	v28 =	vsub.f32 v28, v49  }
0x1aa: {  	v62 =	vmul.f32 v61, v61;
	v29 =	vadd.f32 v30, v29;
	v30 =	vadd.f32 v58, v57  }
0x1ab: {  	v27 =	vadd.f32 v59, v27;
	v26 =	vadd.f32 v31, v26;
	v31 =	vmul.f32 v49, v49  }
0x1ac: {  	v28 =	vmul.f32 v28, v28;
	v29 =	vadd.f32 v62, v29;
	v30 =	vsub.f32 v30, v60  }
0x1ad: {  	v26 =	vadd.f32 v31, v26;
	v31 =	vmul.f32 v60, v60  }
0x1ae: {  	v27 =	vadd.f32 v63, v27;
	v28 =	vadd.f32 v28, v29;
	v29 =	vmul.f32 v30, v30  }
0x1af: {  	v26 =	vadd.f32 v31, v26  }
0x1b0: {  	(xrf2) =	vadd.scan.msk.f32 $0xffff, v27;
	v27 =	vadd.f32 v29, v28  }
0x1b1: {  	(xrf2) =	vadd.scan.msk.f32 $0xffff, v26  }
0x1b2: {  	(xrf2) =	vadd.scan.msk.f32 $0xffff, v27;
	_ =	sdelay $0x5  }
0x1b3: {  	s25 =	simm.s32 $0x0  }
0x1b4: {  	v29 =	vmov s25  }
0x1b5: {  	v30 =	vor.u32 $0x100, v29;
	v26, _, _ =	vpop (xrf2)  }
0x1b6: {  	v28 =	vor.u32 $0x110, v29;
	v27, _, _ =	vpop (xrf2)  }
0x1b7: {  	v29 =	vor.u32 $0x120, v29;
	v31, _, _ =	vpop (xrf2)  }
0x1b8: {  	s25 =	simm.s32 $0x1;
	v26 =	vbroadcast v26, $0xF;
	v31 =	vbroadcast v31, $0xF  }
.LBB2_8:
0x1b9: {  	p0 =	sne.s32 s25, $0xF;
	s23 =	sadd.s32 $0x80, s23;
	s24 =	sadd.s32 $0x80, s24  }
0x1ba: {  	v27 =	vbroadcast v27, $0xF;
	s26 =	smov.u32 s25;
	s25 =	sadd.s32 $0x1, s25;
	[tilespmem:v30+s19+$0x0] =	vst.idx.msk vm0, v31  }
0x1bb: {  	[tilespmem:v28+s19+$0x0] =	vst.idx.msk vm0, v26  }
0x1bc: {  	[tilespmem:v29+s19+$0x0] =	vst.idx.msk vm0, v27  }
0x1bd: {  	v26 =	vld [tilespmem:s23+$0xFFFFFFA0]  }
0x1be: {  	v27 =	vld [tilespmem:s23+$0xFFFFFFF0]  }
0x1bf: {  	v28 =	vld [tilespmem:s23+$0xFFFFF7A0]  }
0x1c0: {  	v29 =	vld [tilespmem:s23+$0xFFFFFFC0]  }
0x1c1: {  	v30 =	vld [tilespmem:s24+$0xFFFFFFF0]  }
0x1c2: {  	v31 =	vld [tilespmem:s23+$0xFFFFF7C0]  }
0x1c3: {  	v32 =	vld [tilespmem:s24+$0xFFFFFFE0]  }
0x1c4: {  	v33 =	vld [tilespmem:s24+$0xFFFFFFD0]  }
0x1c5: {  	v34 =	vld [tilespmem:s23+$0xFFFFF790]  }
0x1c6: {  	v35 =	vld [tilespmem:s24+$0xFFFFFFC0]  }
0x1c7: {  	v36 =	vld [tilespmem:s23+$0xFFFFF7B0];
	v30 =	vadd.f32 v30, v31  }
0x1c8: {  	v37 =	vld [tilespmem:s23+$0xFFFFFF90]  }
0x1c9: {  	v31 =	vmul.f32 v31, v31;
	v33 =	vadd.f32 v33, v28;
	v38 =	vld [tilespmem:s23+$0xFFFFFFB0];
	v30 =	vsub.f32 v30, v29  }
0x1ca: {  	v28 =	vmul.f32 v28, v28;
	v39 =	vmul.f32 v34, v34;
	v40 =	vld [tilespmem:s24+$0x10]  }
0x1cb: {  	v34 =	vadd.f32 v35, v34;
	v33 =	vsub.f32 v33, v26;
	v30 =	vmul.f32 v30, v30;
	v35 =	vld [tilespmem:s23+$0xFFFFF7D0]  }
0x1cc: {  	v28 =	vadd.f32 v28, v39;
	v32 =	vadd.f32 v32, v36;
	v36 =	vmul.f32 v36, v36;
	v39 =	vld [tilespmem:s23+$0xFFFFF7E0]  }
0x1cd: {  	v26 =	vmul.f32 v26, v26;
	v34 =	vsub.f32 v34, v37;
	v37 =	vmul.f32 v37, v37;
	v41 =	vld [tilespmem:s24+$0x0]  }
0x1ce: {  	v32 =	vsub.f32 v32, v38;
	v28 =	vadd.f32 v36, v28;
	v36 =	vmul.f32 v38, v38;
	v38 =	vld [tilespmem:s23+$0xFFFFFFD0]  }
0x1cf: {  	v33 =	vmul.f32 v33, v33;
	v34 =	vmul.f32 v34, v34;
	v26 =	vadd.f32 v26, v37;
	v37 =	vld [tilespmem:s23+$0xFFFFF7F0]  }
0x1d0: {  	v29 =	vmul.f32 v29, v29;
	v28 =	vadd.f32 v31, v28;
	v31 =	vmul.f32 v35, v35;
	v42 =	vld [tilespmem:s23+$0xFFFFFFE0]  }
0x1d1: {  	v32 =	vmul.f32 v32, v32;
	v26 =	vadd.f32 v36, v26;
	v36 =	vadd.f32 v40, v39;
	v40 =	vld [tilespmem:s23+$0xFFFFF800]  }
0x1d2: {  	v33 =	vadd.f32 v33, v34;
	v28 =	vadd.f32 v31, v28;
	v31 =	vmul.f32 v39, v39;
	v34 =	vld [tilespmem:s24+$0x20]  }
0x1d3: {  	v26 =	vadd.f32 v29, v26;
	v29 =	vadd.f32 v41, v35;
	v35 =	vmul.f32 v38, v38  }
0x1d4: {  	v32 =	vadd.f32 v32, v33;
	v28 =	vadd.f32 v31, v28;
	v31 =	vmul.f32 v37, v37;
	v33 =	vld [tilespmem:s23+$0x0]  }
0x1d5: {  	v26 =	vadd.f32 v35, v26;
	v35 =	vsub.f32 v36, v42;
	v36 =	vmul.f32 v42, v42;
	v39 =	vld [tilespmem:s24+$0x30]  }
0x1d6: {  	v29 =	vsub.f32 v29, v38;
	v28 =	vadd.f32 v31, v28;
	v31 =	vmul.f32 v40, v40  }
0x1d7: {  	v26 =	vadd.f32 v36, v26;
	v34 =	vadd.f32 v34, v37;
	v36 =	vmul.f32 v27, v27  }
0x1d8: {  	v30 =	vadd.f32 v30, v32;
	v29 =	vmul.f32 v29, v29;
	v28 =	vadd.f32 v31, v28  }
0x1d9: {  	v31 =	vmul.f32 v35, v35;
	v27 =	vsub.f32 v34, v27;
	v26 =	vadd.f32 v36, v26  }
0x1da: {  	v29 =	vadd.f32 v29, v30;
	v32 =	vmul.f32 v33, v33;
	v30 =	vadd.f32 v39, v40;
	(xrf2) =	vadd.scan.msk.f32 $0xffff, v28;
	_ =	sdelay $0x1  }
0x1db: {  	v28 =	vadd.f32 v31, v29;
	v27 =	vmul.f32 v27, v27;
	v29 =	vsub.f32 v30, v33  }
0x1dc: {  	v26 =	vadd.f32 v32, v26  }
0x1dd: {  	v27 =	vadd.f32 v27, v28;
	v28 =	vmul.f32 v29, v29  }
0x1de: {  	(xrf2) =	vadd.scan.msk.f32 $0xffff, v26  }
0x1df: {  	v26 =	vadd.f32 v28, v27;
	_ =	sdelay $0x1  }
0x1e0: {  	(xrf2) =	vadd.scan.msk.f32 $0xffff, v26;
	_ =	sdelay $0x1  }
0x1e1: {  	v26, _, _ =	vpop (xrf2)  }
0x1e2: {  	v26 =	vbroadcast v26, $0xF;
	_ =	sdelay $0x3  }
.Ltmp3:
0x1e3: {  	v29 =	vmov s26;
	v27, _, _ =	vpop (xrf2);
	(pc) =	sbr.rel @p0 .LBB2_8-.Ltmp3, $4  }
0x1e4: {  	v30 =	vor.u32 $0x100, v29  }
0x1e5: {  	v28 =	vor.u32 $0x110, v29  }
0x1e6: {  	v29 =	vor.u32 $0x120, v29;
	v31, _, _ =	vpop (xrf2)  }
0x1e7: {  	v31 =	vbroadcast v31, $0xF  }
0x1e8: {  	_ =	sdelay $0x4  }
0x1e9: {  	v27 =	vbroadcast v27, $0xF;
	[tilespmem:v30+s19+$0x0] =	vst.idx.msk vm0, v31  }
0x1ea: {  	[tilespmem:v28+s19+$0x0] =	vst.idx.msk vm0, v26  }
0x1eb: {  	[tilespmem:v29+s19+$0x0] =	vst.idx.msk vm0, v27  }
0x1ec: {  	v26 =	vld [tilespmem:$0x850];
	_ =	sdelay $0x7  }
0x1ed: {  	v26 =	vld.idx.msk [tilespmem:v26+s9+$0x0], $0xffff  }
0x1ee: {  	v27 =	vor.u32 $0x130, v0;
	_ =	sdelay $0x3  }
0x1ef: {  	v26 =	vand.u32 $0x7FFFFFFF, v26  }
0x1f0: {  	[tilespmem:v27+s19+$0x0] =	vst.idx.msk $0xffff, v26  }
0x1f1: {  	v26 =	vld [tilespmem:$0x860];
	_ =	sdelay $0x7  }
0x1f2: {  	v26 =	vld.idx.msk [tilespmem:v26+s9+$0x0], $0xffff  }
0x1f3: {  	v27 =	vor.u32 $0x140, v0;
	_ =	sdelay $0x3  }
0x1f4: {  	v26 =	vand.u32 $0x7FFFFFFF, v26  }
0x1f5: {  	s25 =	simm.s32 $0x0;
	[tilespmem:v27+s19+$0x0] =	vst.idx.msk $0xffff, v26  }
0x1f6: {  	v27 =	vld [tilespmem:s25+$0x45B0]  }
0x1f7: {  	v28 =	vld [tilespmem:s25+$0x4DB0]  }
0x1f8: {  	v29 =	vld [tilespmem:s25+$0x45A0]  }
0x1f9: {  	v30 =	vld [tilespmem:s25+$0x7DB0]  }
0x1fa: {  	v26 =	vld [tilespmem:s25+$0x7DA0]  }
0x1fb: {  	v31 =	vld [tilespmem:s25+$0x7D90]  }
0x1fc: {  	v32 =	vld [tilespmem:s25+$0x4DA0]  }
0x1fd: {  	v33 =	vld [tilespmem:s25+$0x4D90]  }
0x1fe: {  	v34 =	vld [tilespmem:s25+$0x7D80]  }
0x1ff: {  	v35 =	vld [tilespmem:s25+$0x4590]  }
0x200: {  	v36 =	vld [tilespmem:s25+$0x4580]  }
0x201: {  	v37 =	vld [tilespmem:s25+$0x4D80]  }
0x202: {  	s23 =	simm.s32 $0x0;
	v54 =	vld [tilespmem:s25+$0x4DC0];
	v38 =	vsub.f32 v29, v26  }
0x203: {  	v40 =	vld [tilespmem:s25+$0x45C0];
	v26 =	vmov s23;
	v39 =	vmul.f32 v28, v28;
	v41 =	vmul.f32 v33, v33  }
0x204: {  	v42 =	vld [tilespmem:s25+$0x7DC0];
	v29 =	vmul.f32 v29, v29;
	v31 =	vsub.f32 v35, v31;
	v35 =	vmul.f32 v35, v35  }
0x205: {  	v30 =	vsub.f32 v27, v30;
	v34 =	vsub.f32 v36, v34;
	v36 =	vmul.f32 v36, v36  }
0x206: {  	v55 =	vld [tilespmem:s25+$0x7DE0];
	v27 =	vmul.f32 v27, v27;
	v38 =	vsub.f32 v38, v32;
	v31 =	vsub.f32 v31, v33  }
0x207: {  	v56 =	vld [tilespmem:s25+$0x45E0];
	v59 =	vmul.f32 v54, v54;
	v28 =	vsub.f32 v30, v28;
	v30 =	vsub.f32 v34, v37  }
0x208: {  	v43 =	vld [tilespmem:s25+$0x45D0];
	v37 =	vmul.f32 v37, v37;
	v32 =	vmul.f32 v32, v32;
	v35 =	vadd.f32 v35, v36  }
0x209: {  	v42 =	vsub.f32 v40, v42;
	v30 =	vmul.f32 v30, v30;
	v31 =	vmul.f32 v31, v31  }
0x20a: {  	v57 =	vld [tilespmem:s25+$0x7DD0];
	v44 =	vmul.f32 v28, v28;
	v28 =	vadd.f32 v41, v37;
	v29 =	vadd.f32 v29, v35  }
0x20b: {  	v58 =	vsub.f32 v42, v54;
	v38 =	vmul.f32 v38, v38;
	v31 =	vadd.f32 v31, v30;
	v30 =	vld [tilespmem:s25+$0x4DD0]  }
0x20c: {  	v40 =	vmul.f32 v40, v40;
	v32 =	vadd.f32 v32, v28;
	v60 =	vadd.f32 v27, v29  }
0x20d: {  	v63 =	vmul.f32 v43, v43;
	v34 =	vsub.f32 v56, v55;
	v27 =	vld [tilespmem:s25+$0x4DE0];
	v31 =	vadd.f32 v38, v31  }
0x20e: {  	v35 =	vmul.f32 v56, v56;
	v29 =	vld [tilespmem:s25+$0x45F0];
	v61 =	vadd.f32 v39, v32;
	v62 =	vadd.f32 v40, v60  }
0x20f: {  	v28 =	vmul.f32 v58, v58;
	v32 =	vld [tilespmem:s25+$0x7DF0];
	v38 =	vsub.f32 v43, v57;
	v33 =	vadd.f32 v44, v31  }
0x210: {  	s24 =	simm.s32 $0x200;
	v37 =	vadd.f32 v59, v61;
	v36 =	vadd.f32 v63, v62;
	v31 =	vld [tilespmem:s25+$0x4DF0];
	v39 =	vmul.f32 v30, v30  }
.LBB2_10:
0x211: {  	p0 =	sne.s32 s24, $0x1E00  }
0x212: {  	v30 =	vsub.f32 v38, v30;
	v34 =	vsub.f32 v34, v27;
	s23 =	sadd.s32 $0x1, s23;
	s25 =	smov.u32 s24;
	s24 =	sadd.s32 $0x200, s24  }
0x213: {  	v37 =	vadd.f32 v39, v37;
	v35 =	vadd.f32 v35, v36;
	v36 =	vmul.f32 v29, v29  }
0x214: {  	v27 =	vmul.f32 v27, v27;
	v38 =	vmov s23;
	v29 =	vsub.f32 v29, v32  }
0x215: {  	v28 =	vadd.f32 v28, v33;
	v30 =	vmul.f32 v30, v30;
	v32 =	vadd.f32 v36, v35  }
0x216: {  	v27 =	vadd.f32 v27, v37;
	v29 =	vsub.f32 v29, v31;
	v31 =	vmul.f32 v31, v31  }
0x217: {  	v28 =	vadd.f32 v30, v28;
	v30 =	vmul.f32 v34, v34;
	(xrf2) =	vadd.scan.msk.f32 $0xffff, v32  }
0x218: {  	v27 =	vadd.f32 v31, v27  }
0x219: {  	v28 =	vadd.f32 v30, v28;
	v29 =	vmul.f32 v29, v29  }
0x21a: {  	(xrf2) =	vadd.scan.msk.f32 $0xffff, v27  }
0x21b: {  	v27 =	vadd.f32 v29, v28;
	_ =	sdelay $0x1  }
0x21c: {  	(xrf2) =	vadd.scan.msk.f32 $0xffff, v27;
	_ =	sdelay $0x1  }
0x21d: {  	s25 =	sshra.s32 s25, $0x2;
	_ =	sdelay $0x1  }
0x21e: {  	v27, _, _ =	vpop (xrf2);
	_ =	sdelay $0x2  }
0x21f: {  	v28, _, _ =	vpop (xrf2)  }
0x220: {  	v29 =	vor.u32 $0x180, v26  }
0x221: {  	v30 =	vor.u32 $0x190, v26  }
0x222: {  	v31 =	vor.u32 $0x1A0, v26;
	v26 =	vmov v38;
	v32, _, _ =	vpop (xrf2)  }
0x223: {  	v32 =	vbroadcast v32, $0xF  }
0x224: {  	v27 =	vbroadcast v27, $0xF  }
0x225: {  	v28 =	vbroadcast v28, $0xF;
	[tilespmem:v29+s19+$0x0] =	vst.idx.msk vm0, v32  }
0x226: {  	[tilespmem:v30+s19+$0x0] =	vst.idx.msk vm0, v27  }
0x227: {  	[tilespmem:v31+s19+$0x0] =	vst.idx.msk vm0, v28  }
0x228: {  	v27 =	vld [tilespmem:s25+$0x45B0]  }
0x229: {  	v28 =	vld [tilespmem:s25+$0x4DB0]  }
0x22a: {  	v29 =	vld [tilespmem:s25+$0x45A0]  }
0x22b: {  	v30 =	vld [tilespmem:s25+$0x7DB0]  }
0x22c: {  	v31 =	vld [tilespmem:s25+$0x7DA0]  }
0x22d: {  	v32 =	vld [tilespmem:s25+$0x7D90]  }
0x22e: {  	v33 =	vld [tilespmem:s25+$0x4DA0]  }
0x22f: {  	v34 =	vld [tilespmem:s25+$0x4D90]  }
0x230: {  	v35 =	vld [tilespmem:s25+$0x7D80]  }
0x231: {  	v36 =	vld [tilespmem:s25+$0x4590]  }
0x232: {  	v37 =	vld [tilespmem:s25+$0x4580]  }
0x233: {  	v31 =	vsub.f32 v29, v31;
	v38 =	vld [tilespmem:s25+$0x4D80]  }
0x234: {  	v39 =	vmul.f32 v28, v28;
	v40 =	vld [tilespmem:s25+$0x45C0]  }
0x235: {  	v29 =	vmul.f32 v29, v29;
	v31 =	vsub.f32 v31, v33;
	v41 =	vmul.f32 v34, v34  }
0x236: {  	v30 =	vsub.f32 v27, v30;
	v32 =	vsub.f32 v36, v32;
	v36 =	vmul.f32 v36, v36;
	v42 =	vld [tilespmem:s25+$0x7DC0]  }
0x237: {  	v27 =	vmul.f32 v27, v27;
	v35 =	vsub.f32 v37, v35;
	v37 =	vmul.f32 v37, v37  }
0x238: {  	v28 =	vsub.f32 v30, v28;
	v31 =	vmul.f32 v31, v31;
	v32 =	vsub.f32 v32, v34;
	v30 =	vld [tilespmem:s25+$0x4DC0]  }
0x239: {  	v33 =	vmul.f32 v33, v33;
	v34 =	vsub.f32 v35, v38;
	v35 =	vmul.f32 v38, v38;
	v38 =	vld [tilespmem:s25+$0x7DE0]  }
0x23a: {  	v36 =	vadd.f32 v36, v37;
	v37 =	vmul.f32 v28, v28;
	v43 =	vld [tilespmem:s25+$0x45E0]  }
0x23b: {  	v32 =	vmul.f32 v32, v32;
	v28 =	vmul.f32 v34, v34;
	v34 =	vsub.f32 v40, v42;
	v42 =	vld [tilespmem:s25+$0x45D0]  }
0x23c: {  	v35 =	vadd.f32 v41, v35;
	v29 =	vadd.f32 v29, v36;
	v36 =	vld [tilespmem:s25+$0x7DD0]  }
0x23d: {  	v28 =	vadd.f32 v32, v28;
	v32 =	vsub.f32 v34, v30;
	v41 =	vmul.f32 v30, v30;
	v30 =	vld [tilespmem:s25+$0x4DD0]  }
.Ltmp4:
0x23e: {  	v40 =	vmul.f32 v40, v40;
	v33 =	vadd.f32 v33, v35;
	v35 =	vadd.f32 v27, v29;
	v27 =	vld [tilespmem:s25+$0x4DE0];
	(pc) =	sbr.rel @p0 .LBB2_10-.Ltmp4, $4  }
0x23f: {  	v31 =	vadd.f32 v31, v28;
	v28 =	vmul.f32 v32, v32;
	v34 =	vsub.f32 v43, v38;
	v29 =	vld [tilespmem:s25+$0x45F0]  }
0x240: {  	v39 =	vadd.f32 v39, v33;
	v40 =	vadd.f32 v40, v35;
	v44 =	vmul.f32 v42, v42;
	v32 =	vld [tilespmem:s25+$0x7DF0]  }
0x241: {  	v35 =	vmul.f32 v43, v43;
	v33 =	vadd.f32 v37, v31;
	v38 =	vsub.f32 v42, v36  }
0x242: {  	v37 =	vadd.f32 v41, v39;
	v36 =	vadd.f32 v44, v40;
	v39 =	vmul.f32 v30, v30;
	v31 =	vld [tilespmem:s25+$0x4DF0]  }
0x243: {  	v30 =	vsub.f32 v38, v30  }
0x244: {  	v34 =	vsub.f32 v34, v27;
	v28 =	vadd.f32 v28, v33  }
0x245: {  	v27 =	vmul.f32 v27, v27;
	v32 =	vsub.f32 v29, v32;
	v30 =	vmul.f32 v30, v30  }
0x246: {  	v37 =	vadd.f32 v39, v37;
	v45 =	vadd.f32 v35, v36;
	v29 =	vmul.f32 v29, v29  }
0x247: {  	v32 =	vsub.f32 v32, v31;
	v28 =	vadd.f32 v30, v28;
	v30 =	vmul.f32 v34, v34  }
0x248: {  	v27 =	vadd.f32 v27, v37;
	v31 =	vmul.f32 v31, v31  }
0x249: {  	v29 =	vadd.f32 v29, v45;
	v28 =	vadd.f32 v30, v28;
	v30 =	vmul.f32 v32, v32  }
0x24a: {  	v27 =	vadd.f32 v31, v27  }
0x24b: {  	(xrf2) =	vadd.scan.msk.f32 $0xffff, v29;
	v28 =	vadd.f32 v30, v28  }
0x24c: {  	(xrf2) =	vadd.scan.msk.f32 $0xffff, v27  }
0x24d: {  	(xrf2) =	vadd.scan.msk.f32 $0xffff, v28;
	_ =	sdelay $0x7  }
0x24e: {  	v28 =	vor.u32 $0x180, v26;
	v27, _, _ =	vpop (xrf2)  }
0x24f: {  	v30 =	vor.u32 $0x190, v26;
	v29, _, _ =	vpop (xrf2)  }
0x250: {  	v26 =	vor.u32 $0x1A0, v26;
	v31, _, _ =	vpop (xrf2)  }
0x251: {  	v31 =	vbroadcast v31, $0xF  }
0x252: {  	v27 =	vbroadcast v27, $0xF  }
0x253: {  	[tilespmem:v28+s19+$0x0] =	vst.idx.msk vm0, v31;
	v28 =	vbroadcast v29, $0xF  }
0x254: {  	[tilespmem:v30+s19+$0x0] =	vst.idx.msk vm0, v27  }
0x255: {  	[tilespmem:v26+s19+$0x0] =	vst.idx.msk vm0, v28  }
0x256: {  	v26 =	vld [tilespmem:$0x870];
	_ =	sdelay $0x7  }
0x257: {  	v26 =	vld.idx.msk [tilespmem:v26+s9+$0x0], $0xffff  }
0x258: {  	v27 =	vor.u32 $0x1B0, v0;
	_ =	sdelay $0x3  }
0x259: {  	v26 =	vand.u32 $0x7FFFFFFF, v26  }
0x25a: {  	[tilespmem:v27+s19+$0x0] =	vst.idx.msk $0xffff, v26  }
0x25b: {  	v26 =	vld [tilespmem:$0x880];
	_ =	sdelay $0x7  }
0x25c: {  	v26 =	vld.idx.msk [tilespmem:v26+s9+$0x0], $0xffff  }
0x25d: {  	v27 =	vor.u32 $0x1C0, v0;
	_ =	sdelay $0x3  }
0x25e: {  	v26 =	vand.u32 $0x7FFFFFFF, v26  }
0x25f: {  	s25 =	simm.s32 $0x0;
	[tilespmem:v27+s19+$0x0] =	vst.idx.msk $0xffff, v26  }
0x260: {  	v27 =	vld [tilespmem:s25+$0x65B0]  }
0x261: {  	v28 =	vld [tilespmem:s25+$0x6DB0]  }
0x262: {  	v29 =	vld [tilespmem:s25+$0x65A0]  }
0x263: {  	v30 =	vld [tilespmem:s25+$0xADB0]  }
0x264: {  	v26 =	vld [tilespmem:s25+$0xADA0]  }
0x265: {  	v31 =	vld [tilespmem:s25+$0xAD90]  }
0x266: {  	v46 =	vld [tilespmem:s25+$0x6DA0]  }
0x267: {  	v47 =	vld [tilespmem:s25+$0x6D90]  }
0x268: {  	v48 =	vld [tilespmem:s25+$0xAD80]  }
0x269: {  	v49 =	vld [tilespmem:s25+$0x6590]  }
0x26a: {  	v50 =	vld [tilespmem:s25+$0x6580]  }
0x26b: {  	v51 =	vld [tilespmem:s25+$0x6D80]  }
0x26c: {  	v40 =	vld [tilespmem:s25+$0x65C0]  }
0x26d: {  	s23 =	simm.s32 $0x0;
	v42 =	vld [tilespmem:s25+$0xADC0];
	v52 =	vadd.f32 v26, v29  }
0x26e: {  	v54 =	vld [tilespmem:s25+$0x6DC0];
	v26 =	vmov s23;
	v53 =	vmul.f32 v28, v28;
	v41 =	vmul.f32 v47, v47  }
0x26f: {  	v29 =	vmul.f32 v29, v29;
	v31 =	vadd.f32 v31, v49;
	v35 =	vmul.f32 v49, v49  }
0x270: {  	v30 =	vadd.f32 v30, v27;
	v34 =	vadd.f32 v48, v50;
	v36 =	vmul.f32 v50, v50  }
0x271: {  	v55 =	vld [tilespmem:s25+$0xADE0];
	v27 =	vmul.f32 v27, v27;
	v37 =	vmul.f32 v51, v51;
	v31 =	vsub.f32 v31, v47  }
0x272: {  	v56 =	vld [tilespmem:s25+$0x65E0];
	v32 =	vmul.f32 v46, v46;
	v28 =	vsub.f32 v30, v28;
	v30 =	vsub.f32 v34, v51  }
0x273: {  	v43 =	vld [tilespmem:s25+$0x65D0];
	v42 =	vadd.f32 v42, v40;
	v59 =	vmul.f32 v54, v54;
	v35 =	vadd.f32 v35, v36  }
0x274: {  	v38 =	vsub.f32 v52, v46;
	v30 =	vmul.f32 v30, v30;
	v31 =	vmul.f32 v31, v31  }
0x275: {  	v57 =	vld [tilespmem:s25+$0xADD0];
	v44 =	vmul.f32 v28, v28;
	v28 =	vadd.f32 v41, v37;
	v29 =	vadd.f32 v29, v35  }
0x276: {  	v58 =	vsub.f32 v42, v54;
	v38 =	vmul.f32 v38, v38;
	v31 =	vadd.f32 v31, v30;
	v30 =	vld [tilespmem:s25+$0x6DD0]  }
0x277: {  	v40 =	vmul.f32 v40, v40;
	v32 =	vadd.f32 v32, v28;
	v60 =	vadd.f32 v27, v29  }
0x278: {  	v63 =	vmul.f32 v43, v43;
	v34 =	vadd.f32 v55, v56;
	v27 =	vld [tilespmem:s25+$0x6DE0];
	v31 =	vadd.f32 v38, v31  }
0x279: {  	v35 =	vmul.f32 v56, v56;
	v29 =	vld [tilespmem:s25+$0x65F0];
	v61 =	vadd.f32 v53, v32;
	v62 =	vadd.f32 v40, v60  }
0x27a: {  	v28 =	vmul.f32 v58, v58;
	v32 =	vld [tilespmem:s25+$0xADF0];
	v38 =	vadd.f32 v57, v43;
	v33 =	vadd.f32 v44, v31  }
0x27b: {  	s24 =	simm.s32 $0x200;
	v37 =	vadd.f32 v59, v61;
	v36 =	vadd.f32 v63, v62;
	v31 =	vld [tilespmem:s25+$0x6DF0];
	v39 =	vmul.f32 v30, v30  }
.LBB2_12:
0x27c: {  	p0 =	sne.s32 s24, $0x1E00  }
0x27d: {  	v30 =	vsub.f32 v38, v30;
	v34 =	vsub.f32 v34, v27;
	s23 =	sadd.s32 $0x1, s23;
	s25 =	smov.u32 s24;
	s24 =	sadd.s32 $0x200, s24  }
0x27e: {  	v37 =	vadd.f32 v39, v37;
	v35 =	vadd.f32 v35, v36;
	v36 =	vmul.f32 v29, v29  }
0x27f: {  	v27 =	vmul.f32 v27, v27;
	v38 =	vmov s23;
	v29 =	vadd.f32 v32, v29  }
0x280: {  	v28 =	vadd.f32 v28, v33;
	v30 =	vmul.f32 v30, v30;
	v32 =	vadd.f32 v36, v35  }
0x281: {  	v27 =	vadd.f32 v27, v37;
	v29 =	vsub.f32 v29, v31;
	v31 =	vmul.f32 v31, v31  }
0x282: {  	v28 =	vadd.f32 v30, v28;
	v30 =	vmul.f32 v34, v34;
	(xrf2) =	vadd.scan.msk.f32 $0xffff, v32  }
0x283: {  	v27 =	vadd.f32 v31, v27  }
0x284: {  	v28 =	vadd.f32 v30, v28;
	v29 =	vmul.f32 v29, v29  }
0x285: {  	(xrf2) =	vadd.scan.msk.f32 $0xffff, v27  }
0x286: {  	v27 =	vadd.f32 v29, v28;
	_ =	sdelay $0x1  }
0x287: {  	(xrf2) =	vadd.scan.msk.f32 $0xffff, v27;
	_ =	sdelay $0x1  }
0x288: {  	s25 =	sshra.s32 s25, $0x2;
	_ =	sdelay $0x1  }
0x289: {  	v27, _, _ =	vpop (xrf2);
	_ =	sdelay $0x2  }
0x28a: {  	v28, _, _ =	vpop (xrf2)  }
0x28b: {  	v29 =	vor.u32 $0x380, v26  }
0x28c: {  	v30 =	vor.u32 $0x390, v26  }
0x28d: {  	v31 =	vor.u32 $0x3A0, v26;
	v26 =	vmov v38;
	v32, _, _ =	vpop (xrf2)  }
0x28e: {  	v32 =	vbroadcast v32, $0xF  }
0x28f: {  	v27 =	vbroadcast v27, $0xF  }
0x290: {  	v28 =	vbroadcast v28, $0xF;
	[tilespmem:v29+s19+$0x0] =	vst.idx.msk vm0, v32  }
0x291: {  	[tilespmem:v30+s19+$0x0] =	vst.idx.msk vm0, v27  }
0x292: {  	[tilespmem:v31+s19+$0x0] =	vst.idx.msk vm0, v28  }
0x293: {  	v27 =	vld [tilespmem:s25+$0x65B0]  }
0x294: {  	v28 =	vld [tilespmem:s25+$0x6DB0]  }
0x295: {  	v29 =	vld [tilespmem:s25+$0x65A0]  }
0x296: {  	v30 =	vld [tilespmem:s25+$0xADB0]  }
0x297: {  	v31 =	vld [tilespmem:s25+$0xADA0]  }
0x298: {  	v32 =	vld [tilespmem:s25+$0xAD90]  }
0x299: {  	v33 =	vld [tilespmem:s25+$0x6DA0]  }
0x29a: {  	v34 =	vld [tilespmem:s25+$0x6D90]  }
0x29b: {  	v35 =	vld [tilespmem:s25+$0xAD80]  }
0x29c: {  	v36 =	vld [tilespmem:s25+$0x6590]  }
0x29d: {  	v37 =	vld [tilespmem:s25+$0x6580]  }
0x29e: {  	v31 =	vadd.f32 v31, v29;
	v38 =	vld [tilespmem:s25+$0x6D80]  }
0x29f: {  	v39 =	vmul.f32 v28, v28;
	v40 =	vld [tilespmem:s25+$0x65C0]  }
0x2a0: {  	v29 =	vmul.f32 v29, v29;
	v31 =	vsub.f32 v31, v33;
	v41 =	vmul.f32 v34, v34  }
0x2a1: {  	v30 =	vadd.f32 v30, v27;
	v32 =	vadd.f32 v32, v36;
	v36 =	vmul.f32 v36, v36;
	v42 =	vld [tilespmem:s25+$0xADC0]  }
0x2a2: {  	v27 =	vmul.f32 v27, v27;
	v35 =	vadd.f32 v35, v37;
	v37 =	vmul.f32 v37, v37  }
0x2a3: {  	v28 =	vsub.f32 v30, v28;
	v31 =	vmul.f32 v31, v31;
	v32 =	vsub.f32 v32, v34;
	v30 =	vld [tilespmem:s25+$0x6DC0]  }
0x2a4: {  	v33 =	vmul.f32 v33, v33;
	v34 =	vsub.f32 v35, v38;
	v35 =	vmul.f32 v38, v38;
	v38 =	vld [tilespmem:s25+$0xADE0]  }
0x2a5: {  	v36 =	vadd.f32 v36, v37;
	v37 =	vmul.f32 v28, v28;
	v43 =	vld [tilespmem:s25+$0x65E0]  }
0x2a6: {  	v32 =	vmul.f32 v32, v32;
	v28 =	vmul.f32 v34, v34;
	v34 =	vadd.f32 v42, v40;
	v42 =	vld [tilespmem:s25+$0x65D0]  }
0x2a7: {  	v35 =	vadd.f32 v41, v35;
	v29 =	vadd.f32 v29, v36;
	v36 =	vld [tilespmem:s25+$0xADD0]  }
0x2a8: {  	v28 =	vadd.f32 v32, v28;
	v32 =	vsub.f32 v34, v30;
	v41 =	vmul.f32 v30, v30;
	v30 =	vld [tilespmem:s25+$0x6DD0]  }
.Ltmp5:
0x2a9: {  	v40 =	vmul.f32 v40, v40;
	v33 =	vadd.f32 v33, v35;
	v35 =	vadd.f32 v27, v29;
	v27 =	vld [tilespmem:s25+$0x6DE0];
	(pc) =	sbr.rel @p0 .LBB2_12-.Ltmp5, $4  }
0x2aa: {  	v31 =	vadd.f32 v31, v28;
	v28 =	vmul.f32 v32, v32;
	v34 =	vadd.f32 v38, v43;
	v29 =	vld [tilespmem:s25+$0x65F0]  }
0x2ab: {  	v39 =	vadd.f32 v39, v33;
	v40 =	vadd.f32 v40, v35;
	v44 =	vmul.f32 v42, v42;
	v32 =	vld [tilespmem:s25+$0xADF0]  }
0x2ac: {  	v35 =	vmul.f32 v43, v43;
	v33 =	vadd.f32 v37, v31;
	v38 =	vadd.f32 v36, v42  }
0x2ad: {  	v37 =	vadd.f32 v41, v39;
	v36 =	vadd.f32 v44, v40;
	v39 =	vmul.f32 v30, v30;
	v31 =	vld [tilespmem:s25+$0x6DF0]  }
0x2ae: {  	v30 =	vsub.f32 v38, v30  }
0x2af: {  	v34 =	vsub.f32 v34, v27;
	v28 =	vadd.f32 v28, v33  }
0x2b0: {  	v27 =	vmul.f32 v27, v27;
	v32 =	vadd.f32 v32, v29;
	v30 =	vmul.f32 v30, v30  }
0x2b1: {  	v37 =	vadd.f32 v39, v37;
	v54 =	vadd.f32 v35, v36;
	v55 =	vmul.f32 v29, v29  }
0x2b2: {  	v56 =	vmul.f32 v34, v34;
	v32 =	vsub.f32 v32, v31;
	v28 =	vadd.f32 v30, v28  }
0x2b3: {  	v27 =	vadd.f32 v27, v37;
	v57 =	vmul.f32 v31, v31  }
0x2b4: {  	v29 =	vadd.f32 v55, v54;
	v28 =	vadd.f32 v56, v28;
	v58 =	vmul.f32 v32, v32  }
0x2b5: {  	v27 =	vadd.f32 v57, v27  }
0x2b6: {  	(xrf2) =	vadd.scan.msk.f32 $0xffff, v29;
	v28 =	vadd.f32 v58, v28  }
0x2b7: {  	(xrf2) =	vadd.scan.msk.f32 $0xffff, v27  }
0x2b8: {  	(xrf2) =	vadd.scan.msk.f32 $0xffff, v28;
	_ =	sdelay $0x7  }
0x2b9: {  	v59 =	vor.u32 $0x380, v26;
	v27, _, _ =	vpop (xrf2)  }
0x2ba: {  	v61 =	vor.u32 $0x390, v26;
	v60, _, _ =	vpop (xrf2)  }
0x2bb: {  	v26 =	vor.u32 $0x3A0, v26;
	v62, _, _ =	vpop (xrf2)  }
0x2bc: {  	v31 =	vbroadcast v62, $0xF  }
0x2bd: {  	v27 =	vbroadcast v27, $0xF  }
0x2be: {  	v63 =	vbroadcast v60, $0xF;
	[tilespmem:v59+s19+$0x0] =	vst.idx.msk vm0, v31  }
0x2bf: {  	[tilespmem:v61+s19+$0x0] =	vst.idx.msk vm0, v27  }
0x2c0: {  	[tilespmem:v26+s19+$0x0] =	vst.idx.msk vm0, v63  }
0x2c1: {  	v26 =	vld [tilespmem:$0x8B0];
	_ =	sdelay $0x7  }
0x2c2: {  	v26 =	vld.idx.msk [tilespmem:v26+s9+$0x0], $0xffff  }
0x2c3: {  	v27 =	vor.u32 $0x3B0, v0;
	_ =	sdelay $0x3  }
0x2c4: {  	v26 =	vand.u32 $0x7FFFFFFF, v26  }
0x2c5: {  	[tilespmem:v27+s19+$0x0] =	vst.idx.msk $0xffff, v26  }
0x2c6: {  	v26 =	vld [tilespmem:$0x8C0];
	_ =	sdelay $0x7  }
0x2c7: {  	v26 =	vld.idx.msk [tilespmem:v26+s9+$0x0], $0xffff  }
0x2c8: {  	v27 =	vor.u32 $0x3C0, v0;
	_ =	sdelay $0x3  }
0x2c9: {  	v26 =	vand.u32 $0x7FFFFFFF, v26  }
0x2ca: {  	s23 =	simm.s32 $0x0;
	s24 =	simm.s32 $0x8DF0;
	s25 =	simm.s32 $0x0;
	[tilespmem:v27+s19+$0x0] =	vst.idx.msk $0xffff, v26  }
.LBB2_14:
0x2cb: {  	v26 =	vld [tilespmem:s24+$0xFFFFF790]  }
0x2cc: {  	v27 =	vld [tilespmem:s24+$0xFFFFFF90]  }
0x2cd: {  	v28 =	vld [tilespmem:s24+$0xFFFFF7A0]  }
0x2ce: {  	v29 =	vld [tilespmem:s24+$0xFFFFFFA0]  }
0x2cf: {  	v30 =	vld [tilespmem:s24+$0xFFFFF7B0]  }
0x2d0: {  	v31 =	vld [tilespmem:s24+$0xFFFFFFB0]  }
0x2d1: {  	v35 =	vld [tilespmem:s24+$0xFFFFF7C0]  }
0x2d2: {  	v36 =	vld [tilespmem:s24+$0xFFFFFFC0]  }
0x2d3: {  	v39 =	vld [tilespmem:s24+$0xFFFFF7D0]  }
0x2d4: {  	v45 =	vld [tilespmem:s24+$0xFFFFFFD0];
	v32 =	vsub.f32 v27, v26;
	v33 =	vmul.f32 v27, v26;
	v26 =	vmul.f32 v26, v26  }
0x2d5: {  	v50 =	vld [tilespmem:s24+$0xFFFFF7E0];
	v37 =	vmul.f32 v29, v28;
	v27 =	vmul.f32 v27, v27  }
0x2d6: {  	v52 =	vld [tilespmem:s24+$0xFFFFFFE0];
	v34 =	vsub.f32 v29, v28;
	v28 =	vmul.f32 v28, v28;
	v29 =	vmul.f32 v29, v29  }
0x2d7: {  	v59 =	vld [tilespmem:s24+$0xFFFFFFF0];
	v47 =	vmul.f32 v31, v30;
	v48 =	vmul.f32 v30, v30  }
0x2d8: {  	v38 =	vsub.f32 v31, v30;
	v31 =	vmul.f32 v31, v31;
	v54 =	vmul.f32 v36, v35  }
0x2d9: {  	v49 =	vsub.f32 v36, v35;
	v55 =	vmul.f32 v35, v35;
	v60 =	vmul.f32 v36, v36  }
0x2da: {  	v56 =	vsub.f32 v45, v39;
	v63 =	vmul.f32 v45, v39;
	v39 =	vmul.f32 v39, v39  }
0x2db: {  	v40 =	vsub.f32 v52, v50;
	v32 =	vmul.f32 v32, v32;
	v34 =	vmul.f32 v34, v34  }
0x2dc: {  	v44 =	vmul.f32 v45, v45;
	v30 =	vmul.f32 v59, v59;
	v33 =	vadd.f32 $0.0e+00, v33  }
0x2dd: {  	v57 =	vld [tilespmem:s24+$0xFFFFF7F0];
	v26 =	vadd.f32 v28, v26;
	v46 =	vmul.f32 v38, v38;
	v32 =	vadd.f32 v34, v32  }
0x2de: {  	v62 =	vld [tilespmem:s24+$0xFFFFF800];
	v27 =	vadd.f32 v29, v27;
	v53 =	vmul.f32 v49, v49;
	v33 =	vadd.f32 v37, v33  }
0x2df: {  	v41 =	vld [tilespmem:s24+$0x0];
	v61 =	vmul.f32 v56, v56;
	v26 =	vadd.f32 v48, v26;
	v28 =	vadd.f32 v46, v32  }
0x2e0: {  	v45 =	vmul.f32 v40, v40;
	v27 =	vadd.f32 v31, v27;
	v51 =	vadd.f32 v47, v33  }
0x2e1: {  	v48 =	vmul.f32 v50, v50;
	v26 =	vadd.f32 v55, v26;
	v28 =	vadd.f32 v53, v28  }
0x2e2: {  	v27 =	vadd.f32 v60, v27;
	v46 =	vmul.f32 v52, v50;
	v58 =	vadd.f32 v54, v51  }
0x2e3: {  	v47 =	vsub.f32 v59, v57;
	v33 =	vmul.f32 v52, v52;
	v28 =	vadd.f32 v61, v28  }
0x2e4: {  	v50 =	vsub.f32 v41, v62;
	v52 =	vmul.f32 v57, v57;
	v29 =	vadd.f32 v63, v58  }
0x2e5: {  	v26 =	vadd.f32 v39, v26;
	v49 =	vmul.f32 v47, v47;
	v28 =	vadd.f32 v45, v28  }
0x2e6: {  	v27 =	vadd.f32 v44, v27;
	v51 =	vmul.f32 v59, v57;
	v29 =	vadd.f32 v46, v29  }
0x2e7: {  	v53 =	vmul.f32 v50, v50;
	v26 =	vadd.f32 v48, v26;
	v28 =	vadd.f32 v49, v28  }
0x2e8: {  	v54 =	vmul.f32 v41, v62;
	v27 =	vadd.f32 v33, v27;
	v29 =	vadd.f32 v51, v29  }
0x2e9: {  	v55 =	vmul.f32 v62, v62;
	v26 =	vadd.f32 v52, v26;
	v28 =	vadd.f32 v53, v28  }
0x2ea: {  	v56 =	vmul.f32 v41, v41;
	v27 =	vadd.f32 v30, v27;
	v29 =	vadd.f32 v54, v29  }
0x2eb: {  	v26 =	vadd.f32 v55, v26;
	(xrf2) =	vadd.scan.msk.f32 $0xffff, v28  }
0x2ec: {  	v27 =	vadd.f32 v56, v27;
	(xrf2) =	vadd.scan.msk.f32 $0xffff, v29  }
0x2ed: {  	(xrf2) =	vadd.scan.msk.f32 $0xffff, v26  }
0x2ee: {  	(xrf2) =	vadd.scan.msk.f32 $0xffff, v27;
	_ =	sdelay $0x3  }
0x2ef: {  	v26 =	vmov s25  }
0x2f0: {  	v27 =	vor.u32 $0x280, v26  }
0x2f1: {  	v57 =	vor.u32 $0x290, v26  }
0x2f2: {  	v59 =	vor.u32 $0x2A0, v26;
	v58, _, _ =	vpop (xrf2)  }
0x2f3: {  	p0 =	sne.s32 s25, $0xF;
	v26 =	vor.u32 $0x2B0, v26;
	v60, _, _ =	vpop (xrf2);
	v29 =	vbroadcast v58, $0xF  }
.Ltmp6:
0x2f4: {  	v61, _, _ =	vpop (xrf2);
	v31 =	vbroadcast v60, $0xF;
	(pc) =	sbr.rel @p0 .LBB2_14-.Ltmp6, $4  }
0x2f5: {  	[tilespmem:v27+s19+$0x0] =	vst.idx.msk vm0, v29;
	v27 =	vbroadcast v61, $0xF;
	v62, _, _ =	vpop (xrf2)  }
0x2f6: {  	[tilespmem:v57+s19+$0x0] =	vst.idx.msk vm0, v31;
	v63 =	vbroadcast v62, $0xF  }
0x2f7: {  	[tilespmem:v59+s19+$0x0] =	vst.idx.msk vm0, v27  }
0x2f8: {  	s24 =	sadd.s32 $0x80, s24;
	s25 =	sadd.s32 $0x1, s25;
	[tilespmem:v26+s19+$0x0] =	vst.idx.msk vm0, v63  }
0x2f9: {  	s24 =	simm.s32 $0xA5F0  }
0x2fa: {  	v26 =	vld [tilespmem:s24+$0xFFFFEF90]  }
0x2fb: {  	v27 =	vld [tilespmem:s24+$0xFFFFEFB0]  }
0x2fc: {  	v28 =	vld [tilespmem:s24+$0xFFFFF7B0]  }
0x2fd: {  	v29 =	vld [tilespmem:s24+$0xFFFFFFB0]  }
0x2fe: {  	v30 =	vld [tilespmem:s24+$0xFFFFF7A0]  }
0x2ff: {  	v31 =	vld [tilespmem:s24+$0xFFFFEFA0]  }
0x300: {  	v32 =	vld [tilespmem:s24+$0xFFFFF790]  }
0x301: {  	v38 =	vld [tilespmem:s24+$0xFFFFEFE0]  }
0x302: {  	v40 =	vld [tilespmem:s24+$0xFFFFEFC0]  }
0x303: {  	v42 =	vld [tilespmem:s24+$0xFFFFF7C0]  }
0x304: {  	v43 =	vld [tilespmem:s24+$0xFFFFF7E0]  }
0x305: {  	v62 =	vld [tilespmem:s24+$0xFFFFEFF0];
	v34 =	vmul.f32 v26, v26;
	v35 =	vadd.f32 v28, v27;
	v28 =	vmul.f32 v28, v28  }
0x306: {  	v33 =	vld [tilespmem:s24+$0xFFFFFFA0];
	v37 =	vmul.f32 v29, v29;
	v27 =	vmul.f32 v27, v27;
	v41 =	vadd.f32 v30, v31  }
0x307: {  	v36 =	vld [tilespmem:s24+$0xFFFFFF90];
	v31 =	vmul.f32 v31, v31;
	v26 =	vadd.f32 v32, v26;
	v32 =	vmul.f32 v32, v32  }
0x308: {  	v30 =	vmul.f32 v30, v30;
	v48 =	vmul.f32 v40, v40  }
0x309: {  	v50 =	vadd.f32 v43, v38;
	v43 =	vmul.f32 v43, v43;
	v38 =	vmul.f32 v38, v38  }
0x30a: {  	v40 =	vadd.f32 v42, v40;
	v55 =	vmul.f32 v62, v62;
	v39 =	vsub.f32 v29, v35  }
0x30b: {  	v29 =	vmul.f32 v29, v35;
	v44 =	vsub.f32 v33, v41;
	v45 =	vmul.f32 v41, v41  }
0x30c: {  	v31 =	vadd.f32 v31, v34;
	v46 =	vmul.f32 v36, v26;
	v41 =	vmul.f32 v33, v41  }
0x30d: {  	v63 =	vld [tilespmem:s24+$0xFFFFF7F0];
	v30 =	vadd.f32 v30, v32;
	v47 =	vsub.f32 v36, v26;
	v26 =	vmul.f32 v26, v26  }
0x30e: {  	v61 =	vld [tilespmem:s24+$0xFFFFF7D0];
	v36 =	vmul.f32 v36, v36;
	v33 =	vmul.f32 v33, v33;
	v27 =	vadd.f32 v27, v31  }
0x30f: {  	v31 =	vld [tilespmem:s24+$0xFFFFEFD0];
	v46 =	vadd.f32 $0.0e+00, v46;
	v28 =	vadd.f32 v28, v30;
	v30 =	vmul.f32 v42, v42  }
0x310: {  	v32 =	vld [tilespmem:s24+$0xFFFFFFE0];
	v47 =	vmul.f32 v47, v47;
	v26 =	vadd.f32 v45, v26;
	v44 =	vmul.f32 v44, v44  }
0x311: {  	v60 =	vld [tilespmem:s24+$0xFFFFF000];
	v35 =	vmul.f32 v35, v35;
	v33 =	vadd.f32 v33, v36;
	v28 =	vadd.f32 v30, v28  }
0x312: {  	v49 =	vld [tilespmem:s24+$0xFFFFFFC0];
	v57 =	vmul.f32 v63, v63;
	v41 =	vadd.f32 v41, v46;
	v44 =	vadd.f32 v44, v47  }
0x313: {  	v30 =	vmul.f32 v61, v61;
	v27 =	vadd.f32 v48, v27;
	v26 =	vadd.f32 v35, v26  }
0x314: {  	v33 =	vadd.f32 v37, v33;
	v34 =	vadd.f32 v61, v31;
	v31 =	vmul.f32 v31, v31  }
0x315: {  	v58 =	vmul.f32 v40, v40;
	v47 =	vld [tilespmem:s24+$0xFFFFFFD0];
	v52 =	vsub.f32 v32, v50;
	v28 =	vadd.f32 v30, v28  }
0x316: {  	v53 =	vmul.f32 v60, v60;
	v29 =	vadd.f32 v29, v41;
	v27 =	vadd.f32 v31, v27  }
0x317: {  	v56 =	vmul.f32 v49, v40;
	v48 =	vld [tilespmem:s24+$0xFFFFF800];
	v26 =	vadd.f32 v58, v26;
	v28 =	vadd.f32 v43, v28  }
0x318: {  	v39 =	vmul.f32 v39, v39;
	v43 =	vadd.f32 v63, v62;
	v27 =	vadd.f32 v38, v27  }
0x319: {  	v29 =	vadd.f32 v56, v29;
	v63 =	vmul.f32 v52, v52;
	v31 =	vsub.f32 v49, v40  }
0x31a: {  	v52 =	vadd.f32 v39, v44;
	v61 =	vmul.f32 v47, v34;
	v27 =	vadd.f32 v55, v27  }
0x31b: {  	v30 =	vld [tilespmem:s24+$0xFFFFFFF0];
	v62 =	vmul.f32 v34, v34;
	v34 =	vsub.f32 v47, v34;
	v31 =	vmul.f32 v31, v31  }
0x31c: {  	v51 =	vmul.f32 v50, v50;
	v58 =	vadd.f32 v48, v60;
	v27 =	vadd.f32 v53, v27  }
0x31d: {  	v26 =	vadd.f32 v62, v26;
	v34 =	vmul.f32 v34, v34;
	v31 =	vadd.f32 v31, v52  }
0x31e: {  	v56 =	vld [tilespmem:s24+$0x0];
	v60 =	vmul.f32 v47, v47;
	v28 =	vadd.f32 v57, v28;
	(xrf2) =	vadd.scan.msk.f32 $0xffff, v27;
	v27 =	vmul.f32 v48, v48  }
0x31f: {  	v54 =	vmul.f32 v43, v43;
	v26 =	vadd.f32 v51, v26;
	v31 =	vadd.f32 v34, v31  }
0x320: {  	v57 =	vmul.f32 v49, v49;
	v59 =	vsub.f32 v30, v43;
	v27 =	vadd.f32 v27, v28  }
0x321: {  	v26 =	vadd.f32 v54, v26;
	v31 =	vadd.f32 v63, v31;
	v63 =	vmul.f32 v58, v58  }
0x322: {  	v29 =	vadd.f32 v61, v29;
	v33 =	vadd.f32 v57, v33;
	v55 =	vmul.f32 v59, v59;
	(xrf2) =	vadd.scan.msk.f32 $0xffff, v27  }
0x323: {  	v59 =	vmul.f32 v32, v50;
	v62 =	vsub.f32 v56, v58;
	v26 =	vadd.f32 v63, v26  }
0x324: {  	v61 =	vmul.f32 v30, v43;
	v32 =	vmul.f32 v32, v32;
	v33 =	vadd.f32 v60, v33  }
0x325: {  	v29 =	vadd.f32 v59, v29;
	v28 =	vmul.f32 v62, v62;
	v31 =	vadd.f32 v55, v31;
	(xrf2) =	vadd.scan.msk.f32 $0xffff, v26  }
0x326: {  	v30 =	vmul.f32 v30, v30;
	v32 =	vadd.f32 v32, v33  }
0x327: {  	v29 =	vadd.f32 v61, v29;
	v28 =	vadd.f32 v28, v31  }
0x328: {  	v27 =	vadd.f32 v30, v32;
	v30 =	vmul.f32 v56, v58;
	v31 =	vmul.f32 v56, v56  }
0x329: {  	(xrf2) =	vadd.scan.msk.f32 $0xffff, v28  }
0x32a: {  	s25 =	simm.s32 $0x1;
	v28 =	vadd.f32 v30, v29;
	v27 =	vadd.f32 v31, v27;
	v26, _, _ =	vpop (xrf2)  }
.LBB2_16:
0x32b: {  	p0 =	sne.s32 s25, $0xF  }
0x32c: {  	s24 =	sadd.s32 $0x80, s24;
	v29, _, _ =	vpop (xrf2);
	s26 =	smov.u32 s25;
	s25 =	sadd.s32 $0x1, s25  }
0x32d: {  	(xrf2) =	vadd.scan.msk.f32 $0xffff, v28;
	_ =	sdelay $0x1  }
0x32e: {  	v28, _, _ =	vpop (xrf2)  }
0x32f: {  	v30 =	vmov s23;
	s23 =	smov.u32 s26;
	(xrf2) =	vadd.scan.msk.f32 $0xffff, v27  }
0x330: {  	v27 =	vor.u32 $0x300, v30;
	_ =	sdelay $0x1  }
0x331: {  	v31, _, _ =	vpop (xrf2)  }
0x332: {  	v31 =	vbroadcast v31, $0xF  }
0x333: {  	v32 =	vor.u32 $0x310, v30  }
0x334: {  	[tilespmem:v27+s19+$0x0] =	vst.idx.msk vm0, v31;
	v27 =	vor.u32 $0x320, v30  }
0x335: {  	v31 =	vor.u32 $0x330, v30;
	v33, _, _ =	vpop (xrf2)  }
0x336: {  	v34 =	vor.u32 $0x340, v30;
	v33 =	vbroadcast v33, $0xF  }
0x337: {  	v28 =	vbroadcast v28, $0xF;
	v30 =	vor.u32 $0x350, v30  }
0x338: {  	v26 =	vbroadcast v26, $0xF;
	[tilespmem:v32+s19+$0x0] =	vst.idx.msk vm0, v33;
	v32, _, _ =	vpop (xrf2)  }
0x339: {  	[tilespmem:v27+s19+$0x0] =	vst.idx.msk vm0, v28;
	v27 =	vbroadcast v29, $0xF  }
0x33a: {  	[tilespmem:v31+s19+$0x0] =	vst.idx.msk vm0, v26;
	v26 =	vbroadcast v32, $0xF  }
0x33b: {  	[tilespmem:v34+s19+$0x0] =	vst.idx.msk vm0, v27  }
0x33c: {  	[tilespmem:v30+s19+$0x0] =	vst.idx.msk vm0, v26;
	_ =	sdelay $0x2  }
0x33d: {  	v26 =	vld [tilespmem:s24+$0xFFFFFFE0]  }
0x33e: {  	v27 =	vld [tilespmem:s24+$0xFFFFEF90]  }
0x33f: {  	v28 =	vld [tilespmem:s24+$0xFFFFEFB0]  }
0x340: {  	v29 =	vld [tilespmem:s24+$0xFFFFF7B0]  }
0x341: {  	v30 =	vld [tilespmem:s24+$0xFFFFFFB0]  }
0x342: {  	v31 =	vld [tilespmem:s24+$0xFFFFF7A0]  }
0x343: {  	v32 =	vld [tilespmem:s24+$0xFFFFEFA0]  }
0x344: {  	v33 =	vld [tilespmem:s24+$0xFFFFF790]  }
0x345: {  	v34 =	vmul.f32 v27, v27;
	v35 =	vld [tilespmem:s24+$0xFFFFFFA0];
	v36 =	vadd.f32 v29, v28  }
0x346: {  	v29 =	vmul.f32 v29, v29;
	v37 =	vld [tilespmem:s24+$0xFFFFFF90];
	v38 =	vmul.f32 v30, v30  }
0x347: {  	v28 =	vmul.f32 v28, v28;
	v39 =	vsub.f32 v30, v36;
	v30 =	vmul.f32 v30, v36;
	v40 =	vld [tilespmem:s24+$0xFFFFEFE0]  }
0x348: {  	v36 =	vmul.f32 v36, v36;
	v41 =	vadd.f32 v31, v32;
	v32 =	vmul.f32 v32, v32;
	v42 =	vld [tilespmem:s24+$0xFFFFEFC0]  }
0x349: {  	v31 =	vmul.f32 v31, v31;
	v27 =	vadd.f32 v33, v27;
	v33 =	vmul.f32 v33, v33;
	v43 =	vld [tilespmem:s24+$0xFFFFF7C0]  }
0x34a: {  	v44 =	vsub.f32 v35, v41;
	v45 =	vmul.f32 v41, v41;
	v32 =	vadd.f32 v32, v34;
	v34 =	vld [tilespmem:s24+$0xFFFFF7E0]  }
0x34b: {  	v41 =	vmul.f32 v35, v41;
	v46 =	vmul.f32 v37, v27;
	v31 =	vadd.f32 v31, v33;
	v33 =	vld [tilespmem:s24+$0xFFFFF7D0]  }
0x34c: {  	v47 =	vsub.f32 v37, v27;
	v27 =	vmul.f32 v27, v27;
	v28 =	vadd.f32 v28, v32;
	v32 =	vld [tilespmem:s24+$0xFFFFEFD0]  }
0x34d: {  	v46 =	vadd.f32 $0.0e+00, v46;
	v29 =	vadd.f32 v29, v31;
	v31 =	vld [tilespmem:s24+$0xFFFFFFC0];
	v48 =	vmul.f32 v42, v42  }
0x34e: {  	v47 =	vmul.f32 v47, v47;
	v27 =	vadd.f32 v45, v27;
	v45 =	vmul.f32 v43, v43;
	v49 =	vld [tilespmem:s24+$0xFFFFEFF0]  }
0x34f: {  	v44 =	vmul.f32 v44, v44;
	v41 =	vadd.f32 v41, v46;
	v46 =	vadd.f32 v34, v40;
	v50 =	vld [tilespmem:s24+$0xFFFFF7F0]  }
0x350: {  	v34 =	vmul.f32 v34, v34;
	v29 =	vadd.f32 v45, v29;
	v45 =	vmul.f32 v33, v33  }
0x351: {  	v39 =	vmul.f32 v39, v39;
	v51 =	vmul.f32 v46, v46;
	v52 =	vld [tilespmem:s24+$0xFFFFFFF0]  }
0x352: {  	v40 =	vmul.f32 v40, v40;
	v53 =	vld [tilespmem:s24+$0xFFFFFFD0];
	v29 =	vadd.f32 v45, v29;
	v45 =	vsub.f32 v26, v46  }
0x353: {  	v42 =	vadd.f32 v43, v42;
	v44 =	vadd.f32 v44, v47;
	v43 =	vmul.f32 v49, v49  }
0x354: {  	v37 =	vmul.f32 v37, v37;
	v33 =	vadd.f32 v33, v32;
	v29 =	vadd.f32 v34, v29  }
0x355: {  	v30 =	vadd.f32 v30, v41;
	v34 =	vmul.f32 v31, v42;
	v41 =	vadd.f32 v50, v49  }
0x356: {  	v28 =	vadd.f32 v48, v28;
	v47 =	vmul.f32 v42, v42;
	v48 =	vmul.f32 v50, v50  }
0x357: {  	v27 =	vadd.f32 v36, v27;
	v49 =	vsub.f32 v52, v41;
	v36 =	vmul.f32 v53, v33  }
0x358: {  	v32 =	vmul.f32 v32, v32;
	v30 =	vadd.f32 v34, v30;
	v29 =	vadd.f32 v48, v29;
	v34 =	vld [tilespmem:s24+$0xFFFFF000]  }
0x359: {  	v27 =	vadd.f32 v47, v27;
	v47 =	vmul.f32 v33, v33;
	v42 =	vsub.f32 v31, v42  }
0x35a: {  	v28 =	vadd.f32 v32, v28;
	v32 =	vmul.f32 v45, v45;
	v30 =	vadd.f32 v36, v30;
	v36 =	vld [tilespmem:s24+$0xFFFFF800]  }
0x35b: {  	v35 =	vmul.f32 v35, v35;
	v27 =	vadd.f32 v47, v27;
	v33 =	vsub.f32 v53, v33  }
0x35c: {  	v39 =	vadd.f32 v39, v44;
	v28 =	vadd.f32 v40, v28;
	v42 =	vmul.f32 v42, v42  }
0x35d: {  	v35 =	vadd.f32 v35, v37;
	v37 =	vmul.f32 v41, v41;
	v33 =	vmul.f32 v33, v33  }
0x35e: {  	v28 =	vadd.f32 v43, v28;
	v40 =	vmul.f32 v49, v49;
	v43 =	vmul.f32 v34, v34  }
0x35f: {  	v31 =	vmul.f32 v31, v31;
	v27 =	vadd.f32 v51, v27;
	v44 =	vld [tilespmem:s24+$0x0];
	v34 =	vadd.f32 v36, v34  }
0x360: {  	v45 =	vmul.f32 v26, v46;
	v28 =	vadd.f32 v43, v28;
	v36 =	vmul.f32 v36, v36  }
0x361: {  	v35 =	vadd.f32 v38, v35;
	v38 =	vmul.f32 v53, v53;
	v27 =	vadd.f32 v37, v27  }
0x362: {  	v37 =	vadd.f32 v42, v39;
	v39 =	vmul.f32 v52, v41;
	v30 =	vadd.f32 v45, v30;
	(xrf2) =	vadd.scan.msk.f32 $0xffff, v28  }
0x363: {  	v29 =	vadd.f32 v36, v29;
	v28 =	vmul.f32 v34, v34  }
0x364: {  	v33 =	vadd.f32 v33, v37;
	v36 =	vsub.f32 v44, v34  }
0x365: {  	v37 =	vmul.f32 v52, v52;
	v30 =	vadd.f32 v39, v30;
	v27 =	vadd.f32 v28, v27;
	(xrf2) =	vadd.scan.msk.f32 $0xffff, v29  }
0x366: {  	v28 =	vadd.f32 v31, v35;
	v29 =	vadd.f32 v32, v33;
	v31 =	vmul.f32 v36, v36;
	_ =	sdelay $0x1  }
0x367: {  	v26 =	vmul.f32 v26, v26;
	v28 =	vadd.f32 v38, v28;
	v29 =	vadd.f32 v40, v29;
	(xrf2) =	vadd.scan.msk.f32 $0xffff, v27;
	_ =	sdelay $0x1  }
.Ltmp7:
0x368: {  	v32 =	vadd.f32 v26, v28;
	v27 =	vadd.f32 v31, v29;
	(pc) =	sbr.rel @p0 .LBB2_16-.Ltmp7, $3  }
0x369: {  	_ = 	snop  }
0x36a: {  	v28 =	vmul.f32 v44, v34;
	v31 =	vmul.f32 v44, v44;
	v29 =	vadd.f32 v37, v32;
	(xrf2) =	vadd.scan.msk.f32 $0xffff, v27;
	v26, _, _ =	vpop (xrf2);
	_ =	sdelay $0x1  }
0x36b: {  	v28 =	vadd.f32 v28, v30;
	v27 =	vadd.f32 v31, v29  }
0x36c: {  	_ = 	snop  }
0x36d: {  	(xrf2) =	vadd.scan.msk.f32 $0xffff, v28;
	_ =	sdelay $0x3  }
0x36e: {  	(xrf2) =	vadd.scan.msk.f32 $0xffff, v27;
	_ =	sdelay $0x1  }
0x36f: {  	v27 =	vmov s23  }
0x370: {  	v61, _, _ =	vpop (xrf2);
	v29 =	vor.u32 $0x300, v27  }
0x371: {  	v30, _, _ =	vpop (xrf2);
	v31 =	vor.u32 $0x310, v27  }
0x372: {  	v33 =	vor.u32 $0x320, v27;
	v32, _, _ =	vpop (xrf2)  }
0x373: {  	v34 =	vor.u32 $0x330, v27;
	v32 =	vbroadcast v32, $0xF;
	v35, _, _ =	vpop (xrf2)  }
0x374: {  	v36 =	vor.u32 $0x340, v27;
	v35 =	vbroadcast v35, $0xF  }
0x375: {  	v27 =	vor.u32 $0x350, v27;
	v62 =	vbroadcast v30, $0xF;
	[tilespmem:v29+s19+$0x0] =	vst.idx.msk vm0, v32  }
0x376: {  	v26 =	vbroadcast v26, $0xF;
	[tilespmem:v31+s19+$0x0] =	vst.idx.msk vm0, v35  }
0x377: {  	v28 =	vbroadcast v61, $0xF;
	v63, _, _ =	vpop (xrf2);
	[tilespmem:v33+s19+$0x0] =	vst.idx.msk vm0, v62  }
0x378: {  	s22 =	sadd.s32 $0x1, s22;
	[tilespmem:v34+s19+$0x0] =	vst.idx.msk vm0, v26;
	v26 =	vbroadcast v63, $0xF  }
0x379: {  	p0 =	sne.s32 s22, s8;
	[tilespmem:v36+s19+$0x0] =	vst.idx.msk vm0, v28  }
.Ltmp8:
0x37a: {  	[tilespmem:v27+s19+$0x0] =	vst.idx.msk vm0, v26;
	(pc) =	sbr.rel @p0 .LBB2_1-.Ltmp8, $4  }
0x37b: {  	[hbm4b:s7+s16] =	stream.strided.scatter [tilespmem:s19], [sflag:$0x2], $0x400, s20, s16, $0x38;
	[tilespmem:$0xB980] =	vst v63  }
0x37c: {  	_ =	swait.ge [sflag:s21], $0x400  }
0x37d: {  	[sflag:s21] =	ssyncset.done $0x0  }
0x37e: {  	[sflag:s21] =	ssyncadd.s32 $0xFFFFFC00  }
0x37f: {  	_ =	sfence.sel $0x180000  }
0x380: {  	[bflag:$0x0] =	sbarrier.arrive $0xFFFF  }
0x381: {  	p0 =	sne.s32 s0, $0x0;
	_ =	strace $0x90000047  }
0x382: {  	s0 =	sadd.s32 @!p0 $0x100000, s1;
	[bflag:$0x2] =	sbarrier.arrive $0xFFFF  }
0x383: {  	[sflag:s0] =	ssyncadd.tile.s32 @!p0 $0x1;
	_ =	shalt  }
.Lfunc_end2:
_tile_overlayer_lowered:
.L_overlay_start_2:
0x384: {  	(tag) =	ssettag $0x2  }
0x385: {  	s0 =	rddreg [dreg:$0x0];
	s2 =	stileid.u32  }
0x386: {  	s1 =	rddreg [dreg:$0x1];
	p0 =	sne.s32 s2, $0x0  }
0x387: {  	s3 =	rddreg [dreg:$0x2];
	[bflag:$0x3] =	sbarrier.arrive $0xFFFF;
	s2 =	simm.s32 @!p0 $0x1C02  }
0x388: {  	[timem:s3], [sflag:s2] =	dma.local @!p0 [hbm:s0], s1  }
0x389: {  	s0 =	simm.s32 @!p0 $0x2  }
0x38a: {  	_ =	swait.ge @!p0 [sflag:s0], s1  }
0x38b: {  	s1 =	ssub.s32 @!p0 $0x0, s1;
	[sflag:s0] =	ssyncset.done @!p0 $0x0  }
0x38c: {  	[sflag:s0] =	ssyncadd.s32 @!p0 s1  }
0x38d: {  	[bflag:$0x3] =	sbarrier.arrive $0xFFFF  }
0x38e: {  	_ =	shalt  }

</sc_bundles>
